<compile_context>
chip_gen: v7x
topology: tpu7x:2x2x1
jax: 0.10.2.dev20260603
libtpu: 0.0.44.dev20260713+nightly
codegen_flags: <defaults>
</compile_context>

<pallas_src>
import functools

import jax
import jax.numpy as jnp
from jax import lax
from jax.experimental import pallas as pl
from jax.experimental.pallas import tpu as pltpu
from jax.experimental.pallas import tpu_sc as plsc

N = 10000
E = 320000
D = 128
L = 5
NCLS = 120

NTILES = 32
CH = 128
NCHUNK = 79
EPT = NCHUNK * CH
EPAD = NTILES * EPT
NB = 10
BN = N // NB
AGG_ROWS = 10112
ZR = AGG_ROWS // 16
NP_EMB = NTILES * 3 * CH



def _prep_body(a_ref, b_ref, src_ref, xm0_ref, xm1_ref, gidx_ref, pidx_ref):
    gidx_ref[...] = (a_ref[...] * 4 + b_ref[...]) * N + src_ref[...]
    pidx_ref[...] = xm0_ref[...] * NCLS + xm1_ref[...]


def _pair_body(e0_ref, e1_ref, out_ref):
    t = e0_ref[...][:, None, :] + e1_ref[...][None, :, :]
    out_ref[...] = t.reshape(NCLS * NCLS, D)


def _hcat_body(h_ref, e0_ref, e1_ref, out_ref):
    c = pl.program_id(1)
    t = e0_ref[pl.ds(c // 4, 1), :] + e1_ref[pl.ds(c % 4, 1), :]
    out_ref[...] = jnp.maximum(h_ref[...] + t, 0.0)


def _mlp_body(pa_ref, pb_ref, h_ref, w1_ref, b1_ref, w2_ref, b2_ref, out_ref,
              *, relu_out):
    u = pa_ref[...] + pb_ref[...] + h_ref[...]
    z = jnp.maximum(
        jnp.dot(u, w1_ref[...], preferred_element_type=jnp.float32)
        + b1_ref[...], 0.0)
    o = jnp.dot(z, w2_ref[...], preferred_element_type=jnp.float32) + b2_ref[...]
    if relu_out:
        o = jnp.maximum(o, 0.0)
    out_ref[...] = o


def _mlp_mask_body(pa_ref, pb_ref, h_ref, w1_ref, b1_ref, w2_ref, b2_ref,
                   mk_ref, me_ref, out_ref):
    u = pa_ref[...] + pb_ref[...] + h_ref[...]
    z = jnp.maximum(
        jnp.dot(u, w1_ref[...], preferred_element_type=jnp.float32)
        + b1_ref[...], 0.0)
    o = jnp.dot(z, w2_ref[...], preferred_element_type=jnp.float32) + b2_ref[...]
    out_ref[...] = jnp.where(mk_ref[...] > 0, me_ref[...], o)


def _loss_body(hd_ref, wo_ref, bo_ref, x0_ref, mk_ref, out_ref, acc_ref):
    i = pl.program_id(0)
    logits = jnp.dot(hd_ref[...], wo_ref[...],
                     preferred_element_type=jnp.float32) + bo_ref[...]
    iota = lax.broadcasted_iota(jnp.int32, (BN, NCLS), 1)
    sel = jnp.sum(jnp.where(iota == x0_ref[...], logits, 0.0), axis=1)
    nrm = jnp.sqrt(jnp.sum(logits * logits, axis=1))
    per = 1.0 - sel / ((nrm + 1e-12) * (1.0 + 1e-12))
    m = mk_ref[...][:, 0]
    psum = jnp.sum(jnp.where(m > 0, per, 0.0))
    pcnt = jnp.sum(m.astype(jnp.float32))

    @pl.when(i == 0)
    def _():
        acc_ref[0] = 0.0
        acc_ref[1] = 0.0

    acc_ref[0] += psum
    acc_ref[1] += pcnt

    @pl.when(i == NB - 1)
    def _():
        out_ref[...] = jnp.full((1, 1), acc_ref[0] / acc_ref[1], jnp.float32)



def _embed_body(p_hbm, pidx_hbm, out_hbm, iall, rows, sem):
    c = lax.axis_index("c")
    s = lax.axis_index("s")
    wid = s * 2 + c

    pltpu.sync_copy(pidx_hbm.at[wid], iall)

    def body(j, carry):
        pltpu.async_copy(p_hbm.at[iall.at[j]], rows, sem).wait()
        pltpu.sync_copy(rows, out_hbm.at[pl.ds(wid * 3 * CH + j * CH, CH)])
        return carry

    lax.fori_loop(0, 3, body, 0)


def _agg_body(hcat_hbm, gidx_hbm, dst_hbm, zeros_hbm, out_hbm,
              iall, dall, rows, sem, agg):
    c = lax.axis_index("c")
    s = lax.axis_index("s")
    wid = s * 2 + c

    pltpu.sync_copy(zeros_hbm, agg.at[pl.ds(s * ZR, ZR)])
    pltpu.sync_copy(gidx_hbm.at[wid], iall)
    pltpu.sync_copy(dst_hbm.at[wid], dall)
    plsc.subcore_barrier()

    def body(j, carry):
        pltpu.async_copy(hcat_hbm.at[iall.at[j]], rows, sem).wait()
        pltpu.sync_copy(rows, agg.at[dall.at[j]], add=True)
        return carry

    lax.fori_loop(0, NCHUNK, body, 0)
    plsc.subcore_barrier()

    pltpu.sync_copy(agg.at[pl.ds(s * ZR, ZR)],
                    out_hbm.at[c, pl.ds(s * ZR, ZR)])


def _embed_call(pair, pidx3):
    fn = pl.kernel(
        _embed_body,
        mesh=plsc.VectorSubcoreMesh(core_axis_name="c", subcore_axis_name="s"),
        out_type=jax.ShapeDtypeStruct((NP_EMB, D), jnp.float32),
        scratch_types=[
            pltpu.VMEM((3, CH), jnp.int32),
            pltpu.VMEM((CH, D), jnp.float32),
            pltpu.SemaphoreType.DMA,
        ],
    )
    return fn(pair, pidx3)


def _agg_call(hcat, gidx3, dst3, zeros_hbm):
    fn = pl.kernel(
        _agg_body,
        mesh=plsc.VectorSubcoreMesh(core_axis_name="c", subcore_axis_name="s"),
        out_type=jax.ShapeDtypeStruct((2, AGG_ROWS, D), jnp.float32),
        scratch_types=[
            pltpu.VMEM((NCHUNK, CH), jnp.int32),
            pltpu.VMEM((NCHUNK, CH), jnp.int32),
            pltpu.VMEM((CH, D), jnp.float32),
            pltpu.SemaphoreType.DMA,
            pltpu.VMEM_SHARED((AGG_ROWS, D), jnp.float32),
        ],
    )
    return fn(hcat, gidx3, dst3, zeros_hbm)


def _prep_call(a2, b2, src2, xm0f, xm1f):
    return pl.pallas_call(
        _prep_body,
        out_shape=(
            jax.ShapeDtypeStruct((EPAD // 128, 128), jnp.int32),
            jax.ShapeDtypeStruct((NP_EMB // 128, 128), jnp.int32),
        ),
    )(a2, b2, src2, xm0f, xm1f)


def _pair_call(e0, e1):
    return pl.pallas_call(
        _pair_body,
        out_shape=jax.ShapeDtypeStruct((NCLS * NCLS, D), jnp.float32),
    )(e0, e1)


def _hcat_call(h, e0, e1):
    return pl.pallas_call(
        _hcat_body,
        grid=(NB, 16),
        in_specs=[
            pl.BlockSpec((BN, D), lambda i, c: (i, 0)),
            pl.BlockSpec((8, D), lambda i, c: (0, 0)),
            pl.BlockSpec((8, D), lambda i, c: (0, 0)),
        ],
        out_specs=pl.BlockSpec((BN, D), lambda i, c: (c * NB + i, 0)),
        out_shape=jax.ShapeDtypeStruct((16 * N, D), jnp.float32),
    )(h, e0, e1)


def _mlp_call(pa, pb, h, w1, b1, w2, b2, relu_out):
    return pl.pallas_call(
        functools.partial(_mlp_body, relu_out=relu_out),
        grid=(NB,),
        in_specs=[
            pl.BlockSpec((BN, D), lambda i: (i, 0)),
            pl.BlockSpec((BN, D), lambda i: (i, 0)),
            pl.BlockSpec((BN, D), lambda i: (i, 0)),
            pl.BlockSpec((D, 2 * D), lambda i: (0, 0)),
            pl.BlockSpec((1, 2 * D), lambda i: (0, 0)),
            pl.BlockSpec((2 * D, D), lambda i: (0, 0)),
            pl.BlockSpec((1, D), lambda i: (0, 0)),
        ],
        out_specs=pl.BlockSpec((BN, D), lambda i: (i, 0)),
        out_shape=jax.ShapeDtypeStruct((N, D), jnp.float32),
    )(pa, pb, h, w1, b1, w2, b2)


def _mlp_mask_call(pa, pb, h, w1, b1, w2, b2, mk, me):
    return pl.pallas_call(
        _mlp_mask_body,
        grid=(NB,),
        in_specs=[
            pl.BlockSpec((BN, D), lambda i: (i, 0)),
            pl.BlockSpec((BN, D), lambda i: (i, 0)),
            pl.BlockSpec((BN, D), lambda i: (i, 0)),
            pl.BlockSpec((D, 2 * D), lambda i: (0, 0)),
            pl.BlockSpec((1, 2 * D), lambda i: (0, 0)),
            pl.BlockSpec((2 * D, D), lambda i: (0, 0)),
            pl.BlockSpec((1, D), lambda i: (0, 0)),
            pl.BlockSpec((BN, 1), lambda i: (i, 0)),
            pl.BlockSpec((1, D), lambda i: (0, 0)),
        ],
        out_specs=pl.BlockSpec((BN, D), lambda i: (i, 0)),
        out_shape=jax.ShapeDtypeStruct((N, D), jnp.float32),
    )(pa, pb, h, w1, b1, w2, b2, mk, me)


def _loss_call(hd, wo, bo, x0, mk):
    return pl.pallas_call(
        _loss_body,
        grid=(NB,),
        in_specs=[
            pl.BlockSpec((BN, D), lambda i: (i, 0)),
            pl.BlockSpec((D, NCLS), lambda i: (0, 0)),
            pl.BlockSpec((1, NCLS), lambda i: (0, 0)),
            pl.BlockSpec((BN, 1), lambda i: (i, 0)),
            pl.BlockSpec((BN, 1), lambda i: (i, 0)),
        ],
        out_specs=pl.BlockSpec((1, 1), lambda i: (0, 0)),
        out_shape=jax.ShapeDtypeStruct((1, 1), jnp.float32),
        scratch_shapes=[pltpu.SMEM((2,), jnp.float32)],
    )(hd, wo, bo, x0, mk)



def kernel(x, x_masked, edge_index, edge_attr, mask_tokens, batch,
           atom_emb0, atom_emb1, edge_emb0, edge_emb1,
           enc_W1, enc_b1, enc_W2, enc_b2,
           mask_emb, dec_W1, dec_b1, dec_W2, dec_b2, W_out, b_out):
    i32 = jnp.int32
    src = edge_index[0].astype(i32)
    dst = edge_index[1].astype(i32)
    ea = edge_attr[:, 0].astype(i32)
    eb = edge_attr[:, 1].astype(i32)

    epad = EPAD - E
    a2 = jnp.concatenate([ea, jnp.zeros((epad,), i32)]).reshape(EPAD // 128, 128)
    b2 = jnp.concatenate([eb, jnp.zeros((epad,), i32)]).reshape(EPAD // 128, 128)
    src2 = jnp.concatenate([src, jnp.zeros((epad,), i32)]).reshape(EPAD // 128, 128)
    pad_dst = N + jnp.arange(epad, dtype=i32) % (AGG_ROWS - N)
    dst3 = jnp.concatenate([dst, pad_dst]).reshape(NTILES, NCHUNK, CH)

    npad = NP_EMB - N
    xm0f = jnp.concatenate([x_masked[:, 0].astype(i32),
                            jnp.zeros((npad,), i32)]).reshape(NP_EMB // 128, 128)
    xm1f = jnp.concatenate([x_masked[:, 1].astype(i32),
                            jnp.zeros((npad,), i32)]).reshape(NP_EMB // 128, 128)

    gidx2, pidx2 = _prep_call(a2, b2, src2, xm0f, xm1f)
    gidx3 = gidx2.reshape(NTILES, NCHUNK, CH)
    pidx3 = pidx2.reshape(NTILES, 3, CH)

    pair = _pair_call(atom_emb0, atom_emb1)
    h = _embed_call(pair, pidx3)[:N]

    zeros_hbm = jnp.zeros((ZR, D), jnp.float32)
    mk = mask_tokens.astype(i32).reshape(N, 1)
    me = mask_emb.reshape(1, D)

    for l in range(L):
        hcat = _hcat_call(h, edge_emb0, edge_emb1)
        part = _agg_call(hcat, gidx3, dst3, zeros_hbm)
        w1 = enc_W1[l]
        b1 = enc_b1[l].reshape(1, 2 * D)
        w2 = enc_W2[l]
        b2_ = enc_b2[l].reshape(1, D)
        pa, pb = part[0, :N], part[1, :N]
        if l < L - 1:
            h = _mlp_call(pa, pb, h, w1, b1, w2, b2_, relu_out=True)
        else:
            h = _mlp_mask_call(pa, pb, h, w1, b1, w2, b2_, mk, me)

    hcat = _hcat_call(h, edge_emb0, edge_emb1)
    part = _agg_call(hcat, gidx3, dst3, zeros_hbm)
    hd = _mlp_call(part[0, :N], part[1, :N], h, dec_W1, dec_b1.reshape(1, 2 * D),
                   dec_W2, dec_b2.reshape(1, D), relu_out=False)

    loss = _loss_call(hd, W_out, b_out.reshape(1, NCLS),
                      x[:, 0].astype(i32).reshape(N, 1), mk)
    return loss[0, 0]

# --- scband reference (transcript-rebuilt; emitter-appended) ---
"""Pipeline reference for scband-graph-maepretrainer-72679436583582 (READ-ONLY COPY).

The authoritative reference and input builder live on the scoring server;
editing this copy changes nothing except your own understanding.
"""

import jax, jax.numpy as jnp
import numpy as np

N = 10000
E = 320000
D = 128
L = 5
NUM_CLASSES = 120


def setup_inputs(seed: int = 0) -> dict:
    key = jax.random.key(seed)
    ks = jax.random.split(key, 24)
    s = 0.02
    inp = {}
    inp['x'] = jax.random.randint(ks[0], (N, 2), 0, 120)
    inp['x_masked'] = jax.random.randint(ks[1], (N, 2), 0, 120)
    inp['edge_index'] = jax.random.randint(ks[2], (2, E), 0, N)
    inp['edge_attr'] = jax.random.randint(ks[3], (E, 2), 0, 4)
    inp['mask_tokens'] = jax.random.randint(ks[4], (N,), 0, 2).astype(bool)
    inp['batch'] = jnp.sort(jax.random.randint(ks[5], (N,), 0, 256))
    inp['atom_emb0'] = s * jax.random.normal(ks[6], (120, D), dtype=jnp.float32)
    inp['atom_emb1'] = s * jax.random.normal(ks[7], (120, D), dtype=jnp.float32)
    inp['edge_emb0'] = s * jax.random.normal(ks[8], (8, D), dtype=jnp.float32)
    inp['edge_emb1'] = s * jax.random.normal(ks[9], (8, D), dtype=jnp.float32)
    inp['enc_W1'] = s * jax.random.normal(ks[10], (L, D, 2 * D), dtype=jnp.float32)
    inp['enc_b1'] = jnp.zeros((L, 2 * D), dtype=jnp.float32)
    inp['enc_W2'] = s * jax.random.normal(ks[11], (L, 2 * D, D), dtype=jnp.float32)
    inp['enc_b2'] = jnp.zeros((L, D), dtype=jnp.float32)
    inp['mask_emb'] = s * jax.random.normal(ks[12], (D,), dtype=jnp.float32)
    inp['dec_W1'] = s * jax.random.normal(ks[13], (D, 2 * D), dtype=jnp.float32)
    inp['dec_b1'] = jnp.zeros((2 * D,), dtype=jnp.float32)
    inp['dec_W2'] = s * jax.random.normal(ks[14], (2 * D, D), dtype=jnp.float32)
    inp['dec_b2'] = jnp.zeros((D,), dtype=jnp.float32)
    inp['W_out'] = s * jax.random.normal(ks[15], (D, NUM_CLASSES), dtype=jnp.float32)
    inp['b_out'] = jnp.zeros((NUM_CLASSES,), dtype=jnp.float32)
    return inp


def _gin_conv(h, src, dst, e_feat, W1, b1, W2, b2):
    msg = jax.nn.relu(h[src] + e_feat)
    agg = jax.ops.segment_sum(msg, dst, num_segments=N)
    h2 = agg + h
    return jax.nn.relu(h2 @ W1 + b1) @ W2 + b2


def reference(x, x_masked, edge_index, edge_attr, mask_tokens, batch,
              atom_emb0, atom_emb1, edge_emb0, edge_emb1,
              enc_W1, enc_b1, enc_W2, enc_b2,
              mask_emb, dec_W1, dec_b1, dec_W2, dec_b2, W_out, b_out):
    src = edge_index[0]
    dst = edge_index[1]
    e_feat = edge_emb0[edge_attr[:, 0]] + edge_emb1[edge_attr[:, 1]]
    # --- encoder (tokenizer): embed masked node features, L GIN layers ---
    h = atom_emb0[x_masked[:, 0]] + atom_emb1[x_masked[:, 1]]
    for l in range(L):
        h = _gin_conv(h, src, dst, e_feat, enc_W1[l], enc_b1[l], enc_W2[l], enc_b2[l])
        if l < L - 1:
            h = jax.nn.relu(h)
    # --- decoder with remask ---
    h = jnp.where(mask_tokens[:, None], mask_emb[None, :], h)
    hd = _gin_conv(h, src, dst, e_feat, dec_W1, dec_b1, dec_W2, dec_b2)
    logits = hd @ W_out + b_out
    # --- SCE loss over masked nodes ---
    g_pred = logits
    g_nodes = jax.nn.one_hot(x[:, 0], NUM_CLASSES, dtype=jnp.float32)
    xn = g_nodes / (jnp.linalg.norm(g_nodes, axis=-1, keepdims=True) + 1e-12)
    yn = g_pred / (jnp.linalg.norm(g_pred, axis=-1, keepdims=True) + 1e-12)
    per_node = 1.0 - jnp.sum(xn * yn, axis=-1)
    num_masked = jnp.sum(mask_tokens).astype(jnp.float32)
    loss = jnp.sum(jnp.where(mask_tokens, per_node, 0.0)) / num_masked
    return loss

if __name__ == "__main__":
    import jax
    _d = setup_inputs()
    print(jax.jit(kernel)(*tuple(_d.values())))

</pallas_src>

<mosaic_0001>
#map = affine_map<(d0, d1) -> (0, 0)>
#map1 = affine_map<(d0, d1) -> (0, 0, 0)>
module attributes {stable_mosaic.version = 14 : i64} {
  func.func @_embed_body(%arg0: i32, %arg1: i32, %arg2: memref<14400x128xf32, #tpu.memory_space<hbm>>, %arg3: memref<32x3x128xi32, #tpu.memory_space<hbm>>, %arg4: memref<12288x128xf32, #tpu.memory_space<hbm>>, %arg5: memref<3x128xi32, #tpu.memory_space<vmem>>, %arg6: memref<128x128xf32, #tpu.memory_space<vmem>>, %arg7: memref<!tpu.dma_semaphore, #tpu.memory_space<semaphore_mem>>) attributes {dimension_semantics = [#tpu.dimension_semantics<core_parallel>, #tpu.dimension_semantics<subcore_parallel>], iteration_bounds = array<i64: 2, 16>, scalar_prefetch = 0 : i64, scratch_operands = 3 : i64, tpu.core_type = #tpu.core_type<sc_vector_subcore>, window_params = [{transform_indices = #map}, {transform_indices = #map1}, {transform_indices = #map}]} {
    %mul3A = arith.constant 2 : i32
    %mul3A_0 = arith.muli %arg1, %mul3A : i32
    %add3A = arith.addi %mul3A_0, %arg0 : i32
    "tpu.region"() ({
      %run_scoped3A = tpu.sem_alloc : memref<!tpu.dma_semaphore, #tpu.memory_space<semaphore_mem>>
      %dma_start3A = arith.constant 0 : i32
      %dma_start3A_6 = arith.constant 0 : i32
      %dma_start3A_7 = tpu.memref_slice %arg3[%add3A, %dma_start3A, %dma_start3A_6] : memref<32x3x128xi32, #tpu.memory_space<hbm>> -> memref<1x3x128xi32, #tpu.memory_space<hbm>>
      %dma_start3A_8 = tpu.memref_squeeze %dma_start3A_7 : memref<1x3x128xi32, #tpu.memory_space<hbm>> -> memref<3x128xi32, #tpu.memory_space<hbm>>
      %dma_start3A_9 = arith.constant 0 : i32
      %dma_start3A_10 = arith.constant 0 : i32
      %dma_start3A_11 = tpu.memref_slice %arg3[%add3A, %dma_start3A_9, %dma_start3A_10] : memref<32x3x128xi32, #tpu.memory_space<hbm>> -> memref<1x3x128xi32, #tpu.memory_space<hbm>>
      %dma_start3A_12 = tpu.memref_squeeze %dma_start3A_11 : memref<1x3x128xi32, #tpu.memory_space<hbm>> -> memref<3x128xi32, #tpu.memory_space<hbm>>
      tpu.enqueue_dma source(%dma_start3A_12 : memref<3x128xi32, #tpu.memory_space<hbm>>) target(%arg5 : memref<3x128xi32, #tpu.memory_space<vmem>>) target_semaphore(%run_scoped3A : memref<!tpu.dma_semaphore, #tpu.memory_space<semaphore_mem>>)
      %dma_wait3A = arith.constant 0 : i32
      %dma_wait3A_13 = arith.constant 0 : i32
      %dma_wait3A_14 = tpu.memref_slice %arg3[%add3A, %dma_wait3A, %dma_wait3A_13] : memref<32x3x128xi32, #tpu.memory_space<hbm>> -> memref<1x3x128xi32, #tpu.memory_space<hbm>>
      %dma_wait3A_15 = tpu.memref_squeeze %dma_wait3A_14 : memref<1x3x128xi32, #tpu.memory_space<hbm>> -> memref<3x128xi32, #tpu.memory_space<hbm>>
      %dma_wait3A_16 = arith.constant 0 : i32
      %dma_wait3A_17 = arith.constant 0 : i32
      %dma_wait3A_18 = tpu.memref_slice %arg3[%add3A, %dma_wait3A_16, %dma_wait3A_17] : memref<32x3x128xi32, #tpu.memory_space<hbm>> -> memref<1x3x128xi32, #tpu.memory_space<hbm>>
      %dma_wait3A_19 = tpu.memref_squeeze %dma_wait3A_18 : memref<1x3x128xi32, #tpu.memory_space<hbm>> -> memref<3x128xi32, #tpu.memory_space<hbm>>
      tpu.wait_dma2 semaphore(%run_scoped3A : memref<!tpu.dma_semaphore, #tpu.memory_space<semaphore_mem>>) src(%dma_wait3A_19 : memref<3x128xi32, #tpu.memory_space<hbm>>) dst(%arg5 : memref<3x128xi32, #tpu.memory_space<vmem>>)
      tpu.yield
    }) : () -> ()
    %scan3A = arith.constant 0 : i32
    %scan3A_1 = arith.constant 0 : i32
    %scan3A_2 = arith.constant 3 : i32
    %scan3A_3 = arith.addi %scan3A_1, %scan3A_2 : i32
    %scan3A_4 = arith.constant 1 : i32
    scf.for %scan3A_6 = %scan3A_1 to %scan3A_3 step %scan3A_4  : i32 {
      %dma_start3A = arith.constant 0 : i32
      %dma_start3A_7 = tpu.memref_slice %arg5[%scan3A_6, %dma_start3A] : memref<3x128xi32, #tpu.memory_space<vmem>> -> memref<1x128xi32, #tpu.memory_space<vmem>>
      %dma_start3A_8 = tpu.memref_squeeze %dma_start3A_7 : memref<1x128xi32, #tpu.memory_space<vmem>> -> memref<128xi32, #tpu.memory_space<vmem>>
      %dma_start3A_9 = arith.constant 0 : i32
      %dma_start3A_10 = arith.constant 0 : i32
      %dma_start3A_11 = tpu.memref_slice %arg2[%dma_start3A_9, %dma_start3A_10] : memref<14400x128xf32, #tpu.memory_space<hbm>> -> memref<14400x128xf32, #tpu.memory_space<hbm>>
      tpu.enqueue_indirect_dma source(%dma_start3A_11 : memref<14400x128xf32, #tpu.memory_space<hbm>>) target(%arg6 : memref<128x128xf32, #tpu.memory_space<vmem>>) offsets(%dma_start3A_8 : memref<128xi32, #tpu.memory_space<vmem>>) semaphore(%arg7 : memref<!tpu.dma_semaphore, #tpu.memory_space<semaphore_mem>>)
      %dma_wait3A = arith.constant 0 : i32
      %dma_wait3A_12 = tpu.memref_slice %arg5[%scan3A_6, %dma_wait3A] : memref<3x128xi32, #tpu.memory_space<vmem>> -> memref<1x128xi32, #tpu.memory_space<vmem>>
      %dma_wait3A_13 = tpu.memref_squeeze %dma_wait3A_12 : memref<1x128xi32, #tpu.memory_space<vmem>> -> memref<128xi32, #tpu.memory_space<vmem>>
      %dma_wait3A_14 = arith.constant 0 : i32
      %dma_wait3A_15 = arith.constant 0 : i32
      %dma_wait3A_16 = tpu.memref_slice %arg2[%dma_wait3A_14, %dma_wait3A_15] : memref<14400x128xf32, #tpu.memory_space<hbm>> -> memref<14400x128xf32, #tpu.memory_space<hbm>>
      tpu.wait_indirect_dma semaphore(%arg7 : memref<!tpu.dma_semaphore, #tpu.memory_space<semaphore_mem>>) src(%dma_wait3A_16 : memref<14400x128xf32, #tpu.memory_space<hbm>>) dst(%arg6 : memref<128x128xf32, #tpu.memory_space<vmem>>)
      %mul3A_17 = arith.constant 3 : i32
      %mul3A_18 = arith.muli %add3A, %mul3A_17 : i32
      %mul3A_19 = arith.constant 128 : i32
      %mul3A_20 = arith.muli %mul3A_18, %mul3A_19 : i32
      %mul3A_21 = arith.constant 128 : i32
      %mul3A_22 = arith.muli %scan3A_6, %mul3A_21 : i32
      %add3A_23 = arith.addi %mul3A_20, %mul3A_22 : i32
      "tpu.region"() ({
        %run_scoped3A = tpu.sem_alloc : memref<!tpu.dma_semaphore, #tpu.memory_space<semaphore_mem>>
        %dma_start3A_24 = arith.constant 0 : i32
        %dma_start3A_25 = tpu.memref_slice %arg4[%add3A_23, %dma_start3A_24] : memref<12288x128xf32, #tpu.memory_space<hbm>> -> memref<128x128xf32, #tpu.memory_space<hbm>>
        %dma_start3A_26 = arith.constant 0 : i32
        %dma_start3A_27 = tpu.memref_slice %arg4[%add3A_23, %dma_start3A_26] : memref<12288x128xf32, #tpu.memory_space<hbm>> -> memref<128x128xf32, #tpu.memory_space<hbm>>
        tpu.enqueue_dma source(%arg6 : memref<128x128xf32, #tpu.memory_space<vmem>>) target(%dma_start3A_27 : memref<128x128xf32, #tpu.memory_space<hbm>>) target_semaphore(%run_scoped3A : memref<!tpu.dma_semaphore, #tpu.memory_space<semaphore_mem>>)
        %dma_wait3A_28 = arith.constant 0 : i32
        %dma_wait3A_29 = tpu.memref_slice %arg4[%add3A_23, %dma_wait3A_28] : memref<12288x128xf32, #tpu.memory_space<hbm>> -> memref<128x128xf32, #tpu.memory_space<hbm>>
        %dma_wait3A_30 = arith.constant 0 : i32
        %dma_wait3A_31 = tpu.memref_slice %arg4[%add3A_23, %dma_wait3A_30] : memref<12288x128xf32, #tpu.memory_space<hbm>> -> memref<128x128xf32, #tpu.memory_space<hbm>>
        tpu.wait_dma2 semaphore(%run_scoped3A : memref<!tpu.dma_semaphore, #tpu.memory_space<semaphore_mem>>) src(%arg6 : memref<128x128xf32, #tpu.memory_space<vmem>>) dst(%dma_wait3A_31 : memref<128x128xf32, #tpu.memory_space<hbm>>)
        tpu.yield
      }) : () -> ()
    }
    %scan3A_5 = arith.constant 3 : i32
    return
  }
}

#map = affine_map<(d0, d1) -> (0, 0)>
#map1 = affine_map<(d0, d1) -> (0, 0, 0)>
module attributes {stable_mosaic.version = 14 : i64} {
  func.func @_agg_body(%arg0: i32, %arg1: i32, %arg2: memref<160000x128xf32, #tpu.memory_space<hbm>>, %arg3: memref<32x79x128xi32, #tpu.memory_space<hbm>>, %arg4: memref<32x79x128xi32, #tpu.memory_space<hbm>>, %arg5: memref<632x128xf32, #tpu.memory_space<hbm>>, %arg6: memref<2x10112x128xf32, #tpu.memory_space<hbm>>, %arg7: memref<79x128xi32, #tpu.memory_space<vmem>>, %arg8: memref<79x128xi32, #tpu.memory_space<vmem>>, %arg9: memref<128x128xf32, #tpu.memory_space<vmem>>, %arg10: memref<!tpu.dma_semaphore, #tpu.memory_space<semaphore_mem>>, %arg11: memref<10112x128xf32, #tpu.memory_space<vmem_shared>>) attributes {dimension_semantics = [#tpu.dimension_semantics<core_parallel>, #tpu.dimension_semantics<subcore_parallel>], iteration_bounds = array<i64: 2, 16>, scalar_prefetch = 0 : i64, scratch_operands = 5 : i64, tpu.core_type = #tpu.core_type<sc_vector_subcore>, window_params = [{transform_indices = #map}, {transform_indices = #map1}, {transform_indices = #map1}, {transform_indices = #map}, {transform_indices = #map1}]} {
    %mul3A = arith.constant 2 : i32
    %mul3A_0 = arith.muli %arg1, %mul3A : i32
    %add3A = arith.addi %mul3A_0, %arg0 : i32
    %mul3A_1 = arith.constant 632 : i32
    %mul3A_2 = arith.muli %arg1, %mul3A_1 : i32
    "tpu.region"() ({
      %run_scoped3A = tpu.sem_alloc : memref<!tpu.dma_semaphore, #tpu.memory_space<semaphore_mem>>
      %dma_start3A = arith.constant 0 : i32
      %dma_start3A_13 = tpu.memref_slice %arg11[%mul3A_2, %dma_start3A] : memref<10112x128xf32, #tpu.memory_space<vmem_shared>> -> memref<632x128xf32, #tpu.memory_space<vmem_shared>>
      tpu.enqueue_dma source(%arg5 : memref<632x128xf32, #tpu.memory_space<hbm>>) target(%dma_start3A_13 : memref<632x128xf32, #tpu.memory_space<vmem_shared>>) target_semaphore(%run_scoped3A : memref<!tpu.dma_semaphore, #tpu.memory_space<semaphore_mem>>)
      %dma_wait3A = arith.constant 0 : i32
      %dma_wait3A_14 = tpu.memref_slice %arg11[%mul3A_2, %dma_wait3A] : memref<10112x128xf32, #tpu.memory_space<vmem_shared>> -> memref<632x128xf32, #tpu.memory_space<vmem_shared>>
      tpu.wait_dma2 semaphore(%run_scoped3A : memref<!tpu.dma_semaphore, #tpu.memory_space<semaphore_mem>>) src(%arg5 : memref<632x128xf32, #tpu.memory_space<hbm>>) dst(%dma_wait3A_14 : memref<632x128xf32, #tpu.memory_space<vmem_shared>>)
      tpu.yield
    }) : () -> ()
    "tpu.region"() ({
      %run_scoped3A = tpu.sem_alloc : memref<!tpu.dma_semaphore, #tpu.memory_space<semaphore_mem>>
      %dma_start3A = arith.constant 0 : i32
      %dma_start3A_13 = arith.constant 0 : i32
      %dma_start3A_14 = tpu.memref_slice %arg3[%add3A, %dma_start3A, %dma_start3A_13] : memref<32x79x128xi32, #tpu.memory_space<hbm>> -> memref<1x79x128xi32, #tpu.memory_space<hbm>>
      %dma_start3A_15 = tpu.memref_squeeze %dma_start3A_14 : memref<1x79x128xi32, #tpu.memory_space<hbm>> -> memref<79x128xi32, #tpu.memory_space<hbm>>
      %dma_start3A_16 = arith.constant 0 : i32
      %dma_start3A_17 = arith.constant 0 : i32
      %dma_start3A_18 = tpu.memref_slice %arg3[%add3A, %dma_start3A_16, %dma_start3A_17] : memref<32x79x128xi32, #tpu.memory_space<hbm>> -> memref<1x79x128xi32, #tpu.memory_space<hbm>>
      %dma_start3A_19 = tpu.memref_squeeze %dma_start3A_18 : memref<1x79x128xi32, #tpu.memory_space<hbm>> -> memref<79x128xi32, #tpu.memory_space<hbm>>
      tpu.enqueue_dma source(%dma_start3A_19 : memref<79x128xi32, #tpu.memory_space<hbm>>) target(%arg7 : memref<79x128xi32, #tpu.memory_space<vmem>>) target_semaphore(%run_scoped3A : memref<!tpu.dma_semaphore, #tpu.memory_space<semaphore_mem>>)
      %dma_wait3A = arith.constant 0 : i32
      %dma_wait3A_20 = arith.constant 0 : i32
      %dma_wait3A_21 = tpu.memref_slice %arg3[%add3A, %dma_wait3A, %dma_wait3A_20] : memref<32x79x128xi32, #tpu.memory_space<hbm>> -> memref<1x79x128xi32, #tpu.memory_space<hbm>>
      %dma_wait3A_22 = tpu.memref_squeeze %dma_wait3A_21 : memref<1x79x128xi32, #tpu.memory_space<hbm>> -> memref<79x128xi32, #tpu.memory_space<hbm>>
      %dma_wait3A_23 = arith.constant 0 : i32
      %dma_wait3A_24 = arith.constant 0 : i32
      %dma_wait3A_25 = tpu.memref_slice %arg3[%add3A, %dma_wait3A_23, %dma_wait3A_24] : memref<32x79x128xi32, #tpu.memory_space<hbm>> -> memref<1x79x128xi32, #tpu.memory_space<hbm>>
      %dma_wait3A_26 = tpu.memref_squeeze %dma_wait3A_25 : memref<1x79x128xi32, #tpu.memory_space<hbm>> -> memref<79x128xi32, #tpu.memory_space<hbm>>
      tpu.wait_dma2 semaphore(%run_scoped3A : memref<!tpu.dma_semaphore, #tpu.memory_space<semaphore_mem>>) src(%dma_wait3A_26 : memref<79x128xi32, #tpu.memory_space<hbm>>) dst(%arg7 : memref<79x128xi32, #tpu.memory_space<vmem>>)
      tpu.yield
    }) : () -> ()
    "tpu.region"() ({
      %run_scoped3A = tpu.sem_alloc : memref<!tpu.dma_semaphore, #tpu.memory_space<semaphore_mem>>
      %dma_start3A = arith.constant 0 : i32
      %dma_start3A_13 = arith.constant 0 : i32
      %dma_start3A_14 = tpu.memref_slice %arg4[%add3A, %dma_start3A, %dma_start3A_13] : memref<32x79x128xi32, #tpu.memory_space<hbm>> -> memref<1x79x128xi32, #tpu.memory_space<hbm>>
      %dma_start3A_15 = tpu.memref_squeeze %dma_start3A_14 : memref<1x79x128xi32, #tpu.memory_space<hbm>> -> memref<79x128xi32, #tpu.memory_space<hbm>>
      %dma_start3A_16 = arith.constant 0 : i32
      %dma_start3A_17 = arith.constant 0 : i32
      %dma_start3A_18 = tpu.memref_slice %arg4[%add3A, %dma_start3A_16, %dma_start3A_17] : memref<32x79x128xi32, #tpu.memory_space<hbm>> -> memref<1x79x128xi32, #tpu.memory_space<hbm>>
      %dma_start3A_19 = tpu.memref_squeeze %dma_start3A_18 : memref<1x79x128xi32, #tpu.memory_space<hbm>> -> memref<79x128xi32, #tpu.memory_space<hbm>>
      tpu.enqueue_dma source(%dma_start3A_19 : memref<79x128xi32, #tpu.memory_space<hbm>>) target(%arg8 : memref<79x128xi32, #tpu.memory_space<vmem>>) target_semaphore(%run_scoped3A : memref<!tpu.dma_semaphore, #tpu.memory_space<semaphore_mem>>)
      %dma_wait3A = arith.constant 0 : i32
      %dma_wait3A_20 = arith.constant 0 : i32
      %dma_wait3A_21 = tpu.memref_slice %arg4[%add3A, %dma_wait3A, %dma_wait3A_20] : memref<32x79x128xi32, #tpu.memory_space<hbm>> -> memref<1x79x128xi32, #tpu.memory_space<hbm>>
      %dma_wait3A_22 = tpu.memref_squeeze %dma_wait3A_21 : memref<1x79x128xi32, #tpu.memory_space<hbm>> -> memref<79x128xi32, #tpu.memory_space<hbm>>
      %dma_wait3A_23 = arith.constant 0 : i32
      %dma_wait3A_24 = arith.constant 0 : i32
      %dma_wait3A_25 = tpu.memref_slice %arg4[%add3A, %dma_wait3A_23, %dma_wait3A_24] : memref<32x79x128xi32, #tpu.memory_space<hbm>> -> memref<1x79x128xi32, #tpu.memory_space<hbm>>
      %dma_wait3A_26 = tpu.memref_squeeze %dma_wait3A_25 : memref<1x79x128xi32, #tpu.memory_space<hbm>> -> memref<79x128xi32, #tpu.memory_space<hbm>>
      tpu.wait_dma2 semaphore(%run_scoped3A : memref<!tpu.dma_semaphore, #tpu.memory_space<semaphore_mem>>) src(%dma_wait3A_26 : memref<79x128xi32, #tpu.memory_space<hbm>>) dst(%arg8 : memref<79x128xi32, #tpu.memory_space<vmem>>)
      tpu.yield
    }) : () -> ()
    %barrier3A = arith.constant 0 : index
    tpu.barrier barrier_id(%barrier3A)
    %scan3A = arith.constant 0 : i32
    %scan3A_3 = arith.constant 0 : i32
    %scan3A_4 = arith.constant 79 : i32
    %scan3A_5 = arith.addi %scan3A_3, %scan3A_4 : i32
    %scan3A_6 = arith.constant 1 : i32
    scf.for %scan3A_13 = %scan3A_3 to %scan3A_5 step %scan3A_6  : i32 {
      %dma_start3A = arith.constant 0 : i32
      %dma_start3A_14 = tpu.memref_slice %arg7[%scan3A_13, %dma_start3A] : memref<79x128xi32, #tpu.memory_space<vmem>> -> memref<1x128xi32, #tpu.memory_space<vmem>>
      %dma_start3A_15 = tpu.memref_squeeze %dma_start3A_14 : memref<1x128xi32, #tpu.memory_space<vmem>> -> memref<128xi32, #tpu.memory_space<vmem>>
      %dma_start3A_16 = arith.constant 0 : i32
      %dma_start3A_17 = arith.constant 0 : i32
      %dma_start3A_18 = tpu.memref_slice %arg2[%dma_start3A_16, %dma_start3A_17] : memref<160000x128xf32, #tpu.memory_space<hbm>> -> memref<160000x128xf32, #tpu.memory_space<hbm>>
      tpu.enqueue_indirect_dma source(%dma_start3A_18 : memref<160000x128xf32, #tpu.memory_space<hbm>>) target(%arg9 : memref<128x128xf32, #tpu.memory_space<vmem>>) offsets(%dma_start3A_15 : memref<128xi32, #tpu.memory_space<vmem>>) semaphore(%arg10 : memref<!tpu.dma_semaphore, #tpu.memory_space<semaphore_mem>>)
      %dma_wait3A = arith.constant 0 : i32
      %dma_wait3A_19 = tpu.memref_slice %arg7[%scan3A_13, %dma_wait3A] : memref<79x128xi32, #tpu.memory_space<vmem>> -> memref<1x128xi32, #tpu.memory_space<vmem>>
      %dma_wait3A_20 = tpu.memref_squeeze %dma_wait3A_19 : memref<1x128xi32, #tpu.memory_space<vmem>> -> memref<128xi32, #tpu.memory_space<vmem>>
      %dma_wait3A_21 = arith.constant 0 : i32
      %dma_wait3A_22 = arith.constant 0 : i32
      %dma_wait3A_23 = tpu.memref_slice %arg2[%dma_wait3A_21, %dma_wait3A_22] : memref<160000x128xf32, #tpu.memory_space<hbm>> -> memref<160000x128xf32, #tpu.memory_space<hbm>>
      tpu.wait_indirect_dma semaphore(%arg10 : memref<!tpu.dma_semaphore, #tpu.memory_space<semaphore_mem>>) src(%dma_wait3A_23 : memref<160000x128xf32, #tpu.memory_space<hbm>>) dst(%arg9 : memref<128x128xf32, #tpu.memory_space<vmem>>)
      "tpu.region"() ({
        %run_scoped3A = tpu.sem_alloc : memref<!tpu.dma_semaphore, #tpu.memory_space<semaphore_mem>>
        %dma_start3A_24 = arith.constant 0 : i32
        %dma_start3A_25 = tpu.memref_slice %arg8[%scan3A_13, %dma_start3A_24] : memref<79x128xi32, #tpu.memory_space<vmem>> -> memref<1x128xi32, #tpu.memory_space<vmem>>
        %dma_start3A_26 = tpu.memref_squeeze %dma_start3A_25 : memref<1x128xi32, #tpu.memory_space<vmem>> -> memref<128xi32, #tpu.memory_space<vmem>>
        %dma_start3A_27 = arith.constant 0 : i32
        %dma_start3A_28 = arith.constant 0 : i32
        %dma_start3A_29 = tpu.memref_slice %arg11[%dma_start3A_27, %dma_start3A_28] : memref<10112x128xf32, #tpu.memory_space<vmem_shared>> -> memref<10112x128xf32, #tpu.memory_space<vmem_shared>>
        tpu.enqueue_indirect_dma source(%arg9 : memref<128x128xf32, #tpu.memory_space<vmem>>) target(%dma_start3A_29 : memref<10112x128xf32, #tpu.memory_space<vmem_shared>>) offsets(%dma_start3A_26 : memref<128xi32, #tpu.memory_space<vmem>>) semaphore(%run_scoped3A : memref<!tpu.dma_semaphore, #tpu.memory_space<semaphore_mem>>) {add = true}
        %dma_wait3A_30 = arith.constant 0 : i32
        %dma_wait3A_31 = tpu.memref_slice %arg8[%scan3A_13, %dma_wait3A_30] : memref<79x128xi32, #tpu.memory_space<vmem>> -> memref<1x128xi32, #tpu.memory_space<vmem>>
        %dma_wait3A_32 = tpu.memref_squeeze %dma_wait3A_31 : memref<1x128xi32, #tpu.memory_space<vmem>> -> memref<128xi32, #tpu.memory_space<vmem>>
        %dma_wait3A_33 = arith.constant 0 : i32
        %dma_wait3A_34 = arith.constant 0 : i32
        %dma_wait3A_35 = tpu.memref_slice %arg11[%dma_wait3A_33, %dma_wait3A_34] : memref<10112x128xf32, #tpu.memory_space<vmem_shared>> -> memref<10112x128xf32, #tpu.memory_space<vmem_shared>>
        tpu.wait_indirect_dma semaphore(%run_scoped3A : memref<!tpu.dma_semaphore, #tpu.memory_space<semaphore_mem>>) src(%arg9 : memref<128x128xf32, #tpu.memory_space<vmem>>) dst(%dma_wait3A_35 : memref<10112x128xf32, #tpu.memory_space<vmem_shared>>)
        tpu.yield
      }) : () -> ()
    }
    %scan3A_7 = arith.constant 79 : i32
    %barrier3A_8 = arith.constant 0 : index
    tpu.barrier barrier_id(%barrier3A_8)
    %mul3A_9 = arith.constant 632 : i32
    %mul3A_10 = arith.muli %arg1, %mul3A_9 : i32
    %mul3A_11 = arith.constant 632 : i32
    %mul3A_12 = arith.muli %arg1, %mul3A_11 : i32
    "tpu.region"() ({
      %run_scoped3A = tpu.sem_alloc : memref<!tpu.dma_semaphore, #tpu.memory_space<semaphore_mem>>
      %dma_start3A = arith.constant 0 : i32
      %dma_start3A_13 = tpu.memref_slice %arg6[%arg0, %mul3A_12, %dma_start3A] : memref<2x10112x128xf32, #tpu.memory_space<hbm>> -> memref<1x632x128xf32, #tpu.memory_space<hbm>>
      %dma_start3A_14 = tpu.memref_squeeze %dma_start3A_13 : memref<1x632x128xf32, #tpu.memory_space<hbm>> -> memref<632x128xf32, #tpu.memory_space<hbm>>
      %dma_start3A_15 = arith.constant 0 : i32
      %dma_start3A_16 = tpu.memref_slice %arg11[%mul3A_10, %dma_start3A_15] : memref<10112x128xf32, #tpu.memory_space<vmem_shared>> -> memref<632x128xf32, #tpu.memory_space<vmem_shared>>
      tpu.enqueue_dma source(%dma_start3A_16 : memref<632x128xf32, #tpu.memory_space<vmem_shared>>) target(%dma_start3A_14 : memref<632x128xf32, #tpu.memory_space<hbm>>) target_semaphore(%run_scoped3A : memref<!tpu.dma_semaphore, #tpu.memory_space<semaphore_mem>>)
      %dma_wait3A = arith.constant 0 : i32
      %dma_wait3A_17 = tpu.memref_slice %arg6[%arg0, %mul3A_12, %dma_wait3A] : memref<2x10112x128xf32, #tpu.memory_space<hbm>> -> memref<1x632x128xf32, #tpu.memory_space<hbm>>
      %dma_wait3A_18 = tpu.memref_squeeze %dma_wait3A_17 : memref<1x632x128xf32, #tpu.memory_space<hbm>> -> memref<632x128xf32, #tpu.memory_space<hbm>>
      %dma_wait3A_19 = arith.constant 0 : i32
      %dma_wait3A_20 = tpu.memref_slice %arg11[%mul3A_10, %dma_wait3A_19] : memref<10112x128xf32, #tpu.memory_space<vmem_shared>> -> memref<632x128xf32, #tpu.memory_space<vmem_shared>>
      tpu.wait_dma2 semaphore(%run_scoped3A : memref<!tpu.dma_semaphore, #tpu.memory_space<semaphore_mem>>) src(%dma_wait3A_20 : memref<632x128xf32, #tpu.memory_space<vmem_shared>>) dst(%dma_wait3A_18 : memref<632x128xf32, #tpu.memory_space<hbm>>)
      tpu.yield
    }) : () -> ()
    return
  }
}

#map = affine_map<(d0, d1) -> (0, 0)>
#map1 = affine_map<(d0, d1) -> (0, 0, 0)>
module attributes {stable_mosaic.version = 14 : i64} {
  func.func @_agg_body(%arg0: i32, %arg1: i32, %arg2: memref<160000x128xf32, #tpu.memory_space<hbm>>, %arg3: memref<32x79x128xi32, #tpu.memory_space<hbm>>, %arg4: memref<32x79x128xi32, #tpu.memory_space<hbm>>, %arg5: memref<632x128xf32, #tpu.memory_space<hbm>>, %arg6: memref<2x10112x128xf32, #tpu.memory_space<hbm>>, %arg7: memref<79x128xi32, #tpu.memory_space<vmem>>, %arg8: memref<79x128xi32, #tpu.memory_space<vmem>>, %arg9: memref<128x128xf32, #tpu.memory_space<vmem>>, %arg10: memref<!tpu.dma_semaphore, #tpu.memory_space<semaphore_mem>>, %arg11: memref<10112x128xf32, #tpu.memory_space<vmem_shared>>) attributes {dimension_semantics = [#tpu.dimension_semantics<core_parallel>, #tpu.dimension_semantics<subcore_parallel>], iteration_bounds = array<i64: 2, 16>, scalar_prefetch = 0 : i64, scratch_operands = 5 : i64, tpu.core_type = #tpu.core_type<sc_vector_subcore>, window_params = [{transform_indices = #map}, {transform_indices = #map1}, {transform_indices = #map1}, {transform_indices = #map}, {transform_indices = #map1}]} {
    %mul3A = arith.constant 2 : i32
    %mul3A_0 = arith.muli %arg1, %mul3A : i32
    %add3A = arith.addi %mul3A_0, %arg0 : i32
    %mul3A_1 = arith.constant 632 : i32
    %mul3A_2 = arith.muli %arg1, %mul3A_1 : i32
    "tpu.region"() ({
      %run_scoped3A = tpu.sem_alloc : memref<!tpu.dma_semaphore, #tpu.memory_space<semaphore_mem>>
      %dma_start3A = arith.constant 0 : i32
      %dma_start3A_13 = tpu.memref_slice %arg11[%mul3A_2, %dma_start3A] : memref<10112x128xf32, #tpu.memory_space<vmem_shared>> -> memref<632x128xf32, #tpu.memory_space<vmem_shared>>
      tpu.enqueue_dma source(%arg5 : memref<632x128xf32, #tpu.memory_space<hbm>>) target(%dma_start3A_13 : memref<632x128xf32, #tpu.memory_space<vmem_shared>>) target_semaphore(%run_scoped3A : memref<!tpu.dma_semaphore, #tpu.memory_space<semaphore_mem>>)
      %dma_wait3A = arith.constant 0 : i32
      %dma_wait3A_14 = tpu.memref_slice %arg11[%mul3A_2, %dma_wait3A] : memref<10112x128xf32, #tpu.memory_space<vmem_shared>> -> memref<632x128xf32, #tpu.memory_space<vmem_shared>>
      tpu.wait_dma2 semaphore(%run_scoped3A : memref<!tpu.dma_semaphore, #tpu.memory_space<semaphore_mem>>) src(%arg5 : memref<632x128xf32, #tpu.memory_space<hbm>>) dst(%dma_wait3A_14 : memref<632x128xf32, #tpu.memory_space<vmem_shared>>)
      tpu.yield
    }) : () -> ()
    "tpu.region"() ({
      %run_scoped3A = tpu.sem_alloc : memref<!tpu.dma_semaphore, #tpu.memory_space<semaphore_mem>>
      %dma_start3A = arith.constant 0 : i32
      %dma_start3A_13 = arith.constant 0 : i32
      %dma_start3A_14 = tpu.memref_slice %arg3[%add3A, %dma_start3A, %dma_start3A_13] : memref<32x79x128xi32, #tpu.memory_space<hbm>> -> memref<1x79x128xi32, #tpu.memory_space<hbm>>
      %dma_start3A_15 = tpu.memref_squeeze %dma_start3A_14 : memref<1x79x128xi32, #tpu.memory_space<hbm>> -> memref<79x128xi32, #tpu.memory_space<hbm>>
      %dma_start3A_16 = arith.constant 0 : i32
      %dma_start3A_17 = arith.constant 0 : i32
      %dma_start3A_18 = tpu.memref_slice %arg3[%add3A, %dma_start3A_16, %dma_start3A_17] : memref<32x79x128xi32, #tpu.memory_space<hbm>> -> memref<1x79x128xi32, #tpu.memory_space<hbm>>
      %dma_start3A_19 = tpu.memref_squeeze %dma_start3A_18 : memref<1x79x128xi32, #tpu.memory_space<hbm>> -> memref<79x128xi32, #tpu.memory_space<hbm>>
      tpu.enqueue_dma source(%dma_start3A_19 : memref<79x128xi32, #tpu.memory_space<hbm>>) target(%arg7 : memref<79x128xi32, #tpu.memory_space<vmem>>) target_semaphore(%run_scoped3A : memref<!tpu.dma_semaphore, #tpu.memory_space<semaphore_mem>>)
      %dma_wait3A = arith.constant 0 : i32
      %dma_wait3A_20 = arith.constant 0 : i32
      %dma_wait3A_21 = tpu.memref_slice %arg3[%add3A, %dma_wait3A, %dma_wait3A_20] : memref<32x79x128xi32, #tpu.memory_space<hbm>> -> memref<1x79x128xi32, #tpu.memory_space<hbm>>
      %dma_wait3A_22 = tpu.memref_squeeze %dma_wait3A_21 : memref<1x79x128xi32, #tpu.memory_space<hbm>> -> memref<79x128xi32, #tpu.memory_space<hbm>>
      %dma_wait3A_23 = arith.constant 0 : i32
      %dma_wait3A_24 = arith.constant 0 : i32
      %dma_wait3A_25 = tpu.memref_slice %arg3[%add3A, %dma_wait3A_23, %dma_wait3A_24] : memref<32x79x128xi32, #tpu.memory_space<hbm>> -> memref<1x79x128xi32, #tpu.memory_space<hbm>>
      %dma_wait3A_26 = tpu.memref_squeeze %dma_wait3A_25 : memref<1x79x128xi32, #tpu.memory_space<hbm>> -> memref<79x128xi32, #tpu.memory_space<hbm>>
      tpu.wait_dma2 semaphore(%run_scoped3A : memref<!tpu.dma_semaphore, #tpu.memory_space<semaphore_mem>>) src(%dma_wait3A_26 : memref<79x128xi32, #tpu.memory_space<hbm>>) dst(%arg7 : memref<79x128xi32, #tpu.memory_space<vmem>>)
      tpu.yield
    }) : () -> ()
    "tpu.region"() ({
      %run_scoped3A = tpu.sem_alloc : memref<!tpu.dma_semaphore, #tpu.memory_space<semaphore_mem>>
      %dma_start3A = arith.constant 0 : i32
      %dma_start3A_13 = arith.constant 0 : i32
      %dma_start3A_14 = tpu.memref_slice %arg4[%add3A, %dma_start3A, %dma_start3A_13] : memref<32x79x128xi32, #tpu.memory_space<hbm>> -> memref<1x79x128xi32, #tpu.memory_space<hbm>>
      %dma_start3A_15 = tpu.memref_squeeze %dma_start3A_14 : memref<1x79x128xi32, #tpu.memory_space<hbm>> -> memref<79x128xi32, #tpu.memory_space<hbm>>
      %dma_start3A_16 = arith.constant 0 : i32
      %dma_start3A_17 = arith.constant 0 : i32
      %dma_start3A_18 = tpu.memref_slice %arg4[%add3A, %dma_start3A_16, %dma_start3A_17] : memref<32x79x128xi32, #tpu.memory_space<hbm>> -> memref<1x79x128xi32, #tpu.memory_space<hbm>>
      %dma_start3A_19 = tpu.memref_squeeze %dma_start3A_18 : memref<1x79x128xi32, #tpu.memory_space<hbm>> -> memref<79x128xi32, #tpu.memory_space<hbm>>
      tpu.enqueue_dma source(%dma_start3A_19 : memref<79x128xi32, #tpu.memory_space<hbm>>) target(%arg8 : memref<79x128xi32, #tpu.memory_space<vmem>>) target_semaphore(%run_scoped3A : memref<!tpu.dma_semaphore, #tpu.memory_space<semaphore_mem>>)
      %dma_wait3A = arith.constant 0 : i32
      %dma_wait3A_20 = arith.constant 0 : i32
      %dma_wait3A_21 = tpu.memref_slice %arg4[%add3A, %dma_wait3A, %dma_wait3A_20] : memref<32x79x128xi32, #tpu.memory_space<hbm>> -> memref<1x79x128xi32, #tpu.memory_space<hbm>>
      %dma_wait3A_22 = tpu.memref_squeeze %dma_wait3A_21 : memref<1x79x128xi32, #tpu.memory_space<hbm>> -> memref<79x128xi32, #tpu.memory_space<hbm>>
      %dma_wait3A_23 = arith.constant 0 : i32
      %dma_wait3A_24 = arith.constant 0 : i32
      %dma_wait3A_25 = tpu.memref_slice %arg4[%add3A, %dma_wait3A_23, %dma_wait3A_24] : memref<32x79x128xi32, #tpu.memory_space<hbm>> -> memref<1x79x128xi32, #tpu.memory_space<hbm>>
      %dma_wait3A_26 = tpu.memref_squeeze %dma_wait3A_25 : memref<1x79x128xi32, #tpu.memory_space<hbm>> -> memref<79x128xi32, #tpu.memory_space<hbm>>
      tpu.wait_dma2 semaphore(%run_scoped3A : memref<!tpu.dma_semaphore, #tpu.memory_space<semaphore_mem>>) src(%dma_wait3A_26 : memref<79x128xi32, #tpu.memory_space<hbm>>) dst(%arg8 : memref<79x128xi32, #tpu.memory_space<vmem>>)
      tpu.yield
    }) : () -> ()
    %barrier3A = arith.constant 0 : index
    tpu.barrier barrier_id(%barrier3A)
    %scan3A = arith.constant 0 : i32
    %scan3A_3 = arith.constant 0 : i32
    %scan3A_4 = arith.constant 79 : i32
    %scan3A_5 = arith.addi %scan3A_3, %scan3A_4 : i32
    %scan3A_6 = arith.constant 1 : i32
    scf.for %scan3A_13 = %scan3A_3 to %scan3A_5 step %scan3A_6  : i32 {
      %dma_start3A = arith.constant 0 : i32
      %dma_start3A_14 = tpu.memref_slice %arg7[%scan3A_13, %dma_start3A] : memref<79x128xi32, #tpu.memory_space<vmem>> -> memref<1x128xi32, #tpu.memory_space<vmem>>
      %dma_start3A_15 = tpu.memref_squeeze %dma_start3A_14 : memref<1x128xi32, #tpu.memory_space<vmem>> -> memref<128xi32, #tpu.memory_space<vmem>>
      %dma_start3A_16 = arith.constant 0 : i32
      %dma_start3A_17 = arith.constant 0 : i32
      %dma_start3A_18 = tpu.memref_slice %arg2[%dma_start3A_16, %dma_start3A_17] : memref<160000x128xf32, #tpu.memory_space<hbm>> -> memref<160000x128xf32, #tpu.memory_space<hbm>>
      tpu.enqueue_indirect_dma source(%dma_start3A_18 : memref<160000x128xf32, #tpu.memory_space<hbm>>) target(%arg9 : memref<128x128xf32, #tpu.memory_space<vmem>>) offsets(%dma_start3A_15 : memref<128xi32, #tpu.memory_space<vmem>>) semaphore(%arg10 : memref<!tpu.dma_semaphore, #tpu.memory_space<semaphore_mem>>)
      %dma_wait3A = arith.constant 0 : i32
      %dma_wait3A_19 = tpu.memref_slice %arg7[%scan3A_13, %dma_wait3A] : memref<79x128xi32, #tpu.memory_space<vmem>> -> memref<1x128xi32, #tpu.memory_space<vmem>>
      %dma_wait3A_20 = tpu.memref_squeeze %dma_wait3A_19 : memref<1x128xi32, #tpu.memory_space<vmem>> -> memref<128xi32, #tpu.memory_space<vmem>>
      %dma_wait3A_21 = arith.constant 0 : i32
      %dma_wait3A_22 = arith.constant 0 : i32
      %dma_wait3A_23 = tpu.memref_slice %arg2[%dma_wait3A_21, %dma_wait3A_22] : memref<160000x128xf32, #tpu.memory_space<hbm>> -> memref<160000x128xf32, #tpu.memory_space<hbm>>
      tpu.wait_indirect_dma semaphore(%arg10 : memref<!tpu.dma_semaphore, #tpu.memory_space<semaphore_mem>>) src(%dma_wait3A_23 : memref<160000x128xf32, #tpu.memory_space<hbm>>) dst(%arg9 : memref<128x128xf32, #tpu.memory_space<vmem>>)
      "tpu.region"() ({
        %run_scoped3A = tpu.sem_alloc : memref<!tpu.dma_semaphore, #tpu.memory_space<semaphore_mem>>
        %dma_start3A_24 = arith.constant 0 : i32
        %dma_start3A_25 = tpu.memref_slice %arg8[%scan3A_13, %dma_start3A_24] : memref<79x128xi32, #tpu.memory_space<vmem>> -> memref<1x128xi32, #tpu.memory_space<vmem>>
        %dma_start3A_26 = tpu.memref_squeeze %dma_start3A_25 : memref<1x128xi32, #tpu.memory_space<vmem>> -> memref<128xi32, #tpu.memory_space<vmem>>
        %dma_start3A_27 = arith.constant 0 : i32
        %dma_start3A_28 = arith.constant 0 : i32
        %dma_start3A_29 = tpu.memref_slice %arg11[%dma_start3A_27, %dma_start3A_28] : memref<10112x128xf32, #tpu.memory_space<vmem_shared>> -> memref<10112x128xf32, #tpu.memory_space<vmem_shared>>
        tpu.enqueue_indirect_dma source(%arg9 : memref<128x128xf32, #tpu.memory_space<vmem>>) target(%dma_start3A_29 : memref<10112x128xf32, #tpu.memory_space<vmem_shared>>) offsets(%dma_start3A_26 : memref<128xi32, #tpu.memory_space<vmem>>) semaphore(%run_scoped3A : memref<!tpu.dma_semaphore, #tpu.memory_space<semaphore_mem>>) {add = true}
        %dma_wait3A_30 = arith.constant 0 : i32
        %dma_wait3A_31 = tpu.memref_slice %arg8[%scan3A_13, %dma_wait3A_30] : memref<79x128xi32, #tpu.memory_space<vmem>> -> memref<1x128xi32, #tpu.memory_space<vmem>>
        %dma_wait3A_32 = tpu.memref_squeeze %dma_wait3A_31 : memref<1x128xi32, #tpu.memory_space<vmem>> -> memref<128xi32, #tpu.memory_space<vmem>>
        %dma_wait3A_33 = arith.constant 0 : i32
        %dma_wait3A_34 = arith.constant 0 : i32
        %dma_wait3A_35 = tpu.memref_slice %arg11[%dma_wait3A_33, %dma_wait3A_34] : memref<10112x128xf32, #tpu.memory_space<vmem_shared>> -> memref<10112x128xf32, #tpu.memory_space<vmem_shared>>
        tpu.wait_indirect_dma semaphore(%run_scoped3A : memref<!tpu.dma_semaphore, #tpu.memory_space<semaphore_mem>>) src(%arg9 : memref<128x128xf32, #tpu.memory_space<vmem>>) dst(%dma_wait3A_35 : memref<10112x128xf32, #tpu.memory_space<vmem_shared>>)
        tpu.yield
      }) : () -> ()
    }
    %scan3A_7 = arith.constant 79 : i32
    %barrier3A_8 = arith.constant 0 : index
    tpu.barrier barrier_id(%barrier3A_8)
    %mul3A_9 = arith.constant 632 : i32
    %mul3A_10 = arith.muli %arg1, %mul3A_9 : i32
    %mul3A_11 = arith.constant 632 : i32
    %mul3A_12 = arith.muli %arg1, %mul3A_11 : i32
    "tpu.region"() ({
      %run_scoped3A = tpu.sem_alloc : memref<!tpu.dma_semaphore, #tpu.memory_space<semaphore_mem>>
      %dma_start3A = arith.constant 0 : i32
      %dma_start3A_13 = tpu.memref_slice %arg6[%arg0, %mul3A_12, %dma_start3A] : memref<2x10112x128xf32, #tpu.memory_space<hbm>> -> memref<1x632x128xf32, #tpu.memory_space<hbm>>
      %dma_start3A_14 = tpu.memref_squeeze %dma_start3A_13 : memref<1x632x128xf32, #tpu.memory_space<hbm>> -> memref<632x128xf32, #tpu.memory_space<hbm>>
      %dma_start3A_15 = arith.constant 0 : i32
      %dma_start3A_16 = tpu.memref_slice %arg11[%mul3A_10, %dma_start3A_15] : memref<10112x128xf32, #tpu.memory_space<vmem_shared>> -> memref<632x128xf32, #tpu.memory_space<vmem_shared>>
      tpu.enqueue_dma source(%dma_start3A_16 : memref<632x128xf32, #tpu.memory_space<vmem_shared>>) target(%dma_start3A_14 : memref<632x128xf32, #tpu.memory_space<hbm>>) target_semaphore(%run_scoped3A : memref<!tpu.dma_semaphore, #tpu.memory_space<semaphore_mem>>)
      %dma_wait3A = arith.constant 0 : i32
      %dma_wait3A_17 = tpu.memref_slice %arg6[%arg0, %mul3A_12, %dma_wait3A] : memref<2x10112x128xf32, #tpu.memory_space<hbm>> -> memref<1x632x128xf32, #tpu.memory_space<hbm>>
      %dma_wait3A_18 = tpu.memref_squeeze %dma_wait3A_17 : memref<1x632x128xf32, #tpu.memory_space<hbm>> -> memref<632x128xf32, #tpu.memory_space<hbm>>
      %dma_wait3A_19 = arith.constant 0 : i32
      %dma_wait3A_20 = tpu.memref_slice %arg11[%mul3A_10, %dma_wait3A_19] : memref<10112x128xf32, #tpu.memory_space<vmem_shared>> -> memref<632x128xf32, #tpu.memory_space<vmem_shared>>
      tpu.wait_dma2 semaphore(%run_scoped3A : memref<!tpu.dma_semaphore, #tpu.memory_space<semaphore_mem>>) src(%dma_wait3A_20 : memref<632x128xf32, #tpu.memory_space<vmem_shared>>) dst(%dma_wait3A_18 : memref<632x128xf32, #tpu.memory_space<hbm>>)
      tpu.yield
    }) : () -> ()
    return
  }
}

#map = affine_map<(d0, d1) -> (0, 0)>
#map1 = affine_map<(d0, d1) -> (0, 0, 0)>
module attributes {stable_mosaic.version = 14 : i64} {
  func.func @_agg_body(%arg0: i32, %arg1: i32, %arg2: memref<160000x128xf32, #tpu.memory_space<hbm>>, %arg3: memref<32x79x128xi32, #tpu.memory_space<hbm>>, %arg4: memref<32x79x128xi32, #tpu.memory_space<hbm>>, %arg5: memref<632x128xf32, #tpu.memory_space<hbm>>, %arg6: memref<2x10112x128xf32, #tpu.memory_space<hbm>>, %arg7: memref<79x128xi32, #tpu.memory_space<vmem>>, %arg8: memref<79x128xi32, #tpu.memory_space<vmem>>, %arg9: memref<128x128xf32, #tpu.memory_space<vmem>>, %arg10: memref<!tpu.dma_semaphore, #tpu.memory_space<semaphore_mem>>, %arg11: memref<10112x128xf32, #tpu.memory_space<vmem_shared>>) attributes {dimension_semantics = [#tpu.dimension_semantics<core_parallel>, #tpu.dimension_semantics<subcore_parallel>], iteration_bounds = array<i64: 2, 16>, scalar_prefetch = 0 : i64, scratch_operands = 5 : i64, tpu.core_type = #tpu.core_type<sc_vector_subcore>, window_params = [{transform_indices = #map}, {transform_indices = #map1}, {transform_indices = #map1}, {transform_indices = #map}, {transform_indices = #map1}]} {
    %mul3A = arith.constant 2 : i32
    %mul3A_0 = arith.muli %arg1, %mul3A : i32
    %add3A = arith.addi %mul3A_0, %arg0 : i32
    %mul3A_1 = arith.constant 632 : i32
    %mul3A_2 = arith.muli %arg1, %mul3A_1 : i32
    "tpu.region"() ({
      %run_scoped3A = tpu.sem_alloc : memref<!tpu.dma_semaphore, #tpu.memory_space<semaphore_mem>>
      %dma_start3A = arith.constant 0 : i32
      %dma_start3A_13 = tpu.memref_slice %arg11[%mul3A_2, %dma_start3A] : memref<10112x128xf32, #tpu.memory_space<vmem_shared>> -> memref<632x128xf32, #tpu.memory_space<vmem_shared>>
      tpu.enqueue_dma source(%arg5 : memref<632x128xf32, #tpu.memory_space<hbm>>) target(%dma_start3A_13 : memref<632x128xf32, #tpu.memory_space<vmem_shared>>) target_semaphore(%run_scoped3A : memref<!tpu.dma_semaphore, #tpu.memory_space<semaphore_mem>>)
      %dma_wait3A = arith.constant 0 : i32
      %dma_wait3A_14 = tpu.memref_slice %arg11[%mul3A_2, %dma_wait3A] : memref<10112x128xf32, #tpu.memory_space<vmem_shared>> -> memref<632x128xf32, #tpu.memory_space<vmem_shared>>
      tpu.wait_dma2 semaphore(%run_scoped3A : memref<!tpu.dma_semaphore, #tpu.memory_space<semaphore_mem>>) src(%arg5 : memref<632x128xf32, #tpu.memory_space<hbm>>) dst(%dma_wait3A_14 : memref<632x128xf32, #tpu.memory_space<vmem_shared>>)
      tpu.yield
    }) : () -> ()
    "tpu.region"() ({
      %run_scoped3A = tpu.sem_alloc : memref<!tpu.dma_semaphore, #tpu.memory_space<semaphore_mem>>
      %dma_start3A = arith.constant 0 : i32
      %dma_start3A_13 = arith.constant 0 : i32
      %dma_start3A_14 = tpu.memref_slice %arg3[%add3A, %dma_start3A, %dma_start3A_13] : memref<32x79x128xi32, #tpu.memory_space<hbm>> -> memref<1x79x128xi32, #tpu.memory_space<hbm>>
      %dma_start3A_15 = tpu.memref_squeeze %dma_start3A_14 : memref<1x79x128xi32, #tpu.memory_space<hbm>> -> memref<79x128xi32, #tpu.memory_space<hbm>>
      %dma_start3A_16 = arith.constant 0 : i32
      %dma_start3A_17 = arith.constant 0 : i32
      %dma_start3A_18 = tpu.memref_slice %arg3[%add3A, %dma_start3A_16, %dma_start3A_17] : memref<32x79x128xi32, #tpu.memory_space<hbm>> -> memref<1x79x128xi32, #tpu.memory_space<hbm>>
      %dma_start3A_19 = tpu.memref_squeeze %dma_start3A_18 : memref<1x79x128xi32, #tpu.memory_space<hbm>> -> memref<79x128xi32, #tpu.memory_space<hbm>>
      tpu.enqueue_dma source(%dma_start3A_19 : memref<79x128xi32, #tpu.memory_space<hbm>>) target(%arg7 : memref<79x128xi32, #tpu.memory_space<vmem>>) target_semaphore(%run_scoped3A : memref<!tpu.dma_semaphore, #tpu.memory_space<semaphore_mem>>)
      %dma_wait3A = arith.constant 0 : i32
      %dma_wait3A_20 = arith.constant 0 : i32
      %dma_wait3A_21 = tpu.memref_slice %arg3[%add3A, %dma_wait3A, %dma_wait3A_20] : memref<32x79x128xi32, #tpu.memory_space<hbm>> -> memref<1x79x128xi32, #tpu.memory_space<hbm>>
      %dma_wait3A_22 = tpu.memref_squeeze %dma_wait3A_21 : memref<1x79x128xi32, #tpu.memory_space<hbm>> -> memref<79x128xi32, #tpu.memory_space<hbm>>
      %dma_wait3A_23 = arith.constant 0 : i32
      %dma_wait3A_24 = arith.constant 0 : i32
      %dma_wait3A_25 = tpu.memref_slice %arg3[%add3A, %dma_wait3A_23, %dma_wait3A_24] : memref<32x79x128xi32, #tpu.memory_space<hbm>> -> memref<1x79x128xi32, #tpu.memory_space<hbm>>
      %dma_wait3A_26 = tpu.memref_squeeze %dma_wait3A_25 : memref<1x79x128xi32, #tpu.memory_space<hbm>> -> memref<79x128xi32, #tpu.memory_space<hbm>>
      tpu.wait_dma2 semaphore(%run_scoped3A : memref<!tpu.dma_semaphore, #tpu.memory_space<semaphore_mem>>) src(%dma_wait3A_26 : memref<79x128xi32, #tpu.memory_space<hbm>>) dst(%arg7 : memref<79x128xi32, #tpu.memory_space<vmem>>)
      tpu.yield
    }) : () -> ()
    "tpu.region"() ({
      %run_scoped3A = tpu.sem_alloc : memref<!tpu.dma_semaphore, #tpu.memory_space<semaphore_mem>>
      %dma_start3A = arith.constant 0 : i32
      %dma_start3A_13 = arith.constant 0 : i32
      %dma_start3A_14 = tpu.memref_slice %arg4[%add3A, %dma_start3A, %dma_start3A_13] : memref<32x79x128xi32, #tpu.memory_space<hbm>> -> memref<1x79x128xi32, #tpu.memory_space<hbm>>
      %dma_start3A_15 = tpu.memref_squeeze %dma_start3A_14 : memref<1x79x128xi32, #tpu.memory_space<hbm>> -> memref<79x128xi32, #tpu.memory_space<hbm>>
      %dma_start3A_16 = arith.constant 0 : i32
      %dma_start3A_17 = arith.constant 0 : i32
      %dma_start3A_18 = tpu.memref_slice %arg4[%add3A, %dma_start3A_16, %dma_start3A_17] : memref<32x79x128xi32, #tpu.memory_space<hbm>> -> memref<1x79x128xi32, #tpu.memory_space<hbm>>
      %dma_start3A_19 = tpu.memref_squeeze %dma_start3A_18 : memref<1x79x128xi32, #tpu.memory_space<hbm>> -> memref<79x128xi32, #tpu.memory_space<hbm>>
      tpu.enqueue_dma source(%dma_start3A_19 : memref<79x128xi32, #tpu.memory_space<hbm>>) target(%arg8 : memref<79x128xi32, #tpu.memory_space<vmem>>) target_semaphore(%run_scoped3A : memref<!tpu.dma_semaphore, #tpu.memory_space<semaphore_mem>>)
      %dma_wait3A = arith.constant 0 : i32
      %dma_wait3A_20 = arith.constant 0 : i32
      %dma_wait3A_21 = tpu.memref_slice %arg4[%add3A, %dma_wait3A, %dma_wait3A_20] : memref<32x79x128xi32, #tpu.memory_space<hbm>> -> memref<1x79x128xi32, #tpu.memory_space<hbm>>
      %dma_wait3A_22 = tpu.memref_squeeze %dma_wait3A_21 : memref<1x79x128xi32, #tpu.memory_space<hbm>> -> memref<79x128xi32, #tpu.memory_space<hbm>>
      %dma_wait3A_23 = arith.constant 0 : i32
      %dma_wait3A_24 = arith.constant 0 : i32
      %dma_wait3A_25 = tpu.memref_slice %arg4[%add3A, %dma_wait3A_23, %dma_wait3A_24] : memref<32x79x128xi32, #tpu.memory_space<hbm>> -> memref<1x79x128xi32, #tpu.memory_space<hbm>>
      %dma_wait3A_26 = tpu.memref_squeeze %dma_wait3A_25 : memref<1x79x128xi32, #tpu.memory_space<hbm>> -> memref<79x128xi32, #tpu.memory_space<hbm>>
      tpu.wait_dma2 semaphore(%run_scoped3A : memref<!tpu.dma_semaphore, #tpu.memory_space<semaphore_mem>>) src(%dma_wait3A_26 : memref<79x128xi32, #tpu.memory_space<hbm>>) dst(%arg8 : memref<79x128xi32, #tpu.memory_space<vmem>>)
      tpu.yield
    }) : () -> ()
    %barrier3A = arith.constant 0 : index
    tpu.barrier barrier_id(%barrier3A)
    %scan3A = arith.constant 0 : i32
    %scan3A_3 = arith.constant 0 : i32
    %scan3A_4 = arith.constant 79 : i32
    %scan3A_5 = arith.addi %scan3A_3, %scan3A_4 : i32
    %scan3A_6 = arith.constant 1 : i32
    scf.for %scan3A_13 = %scan3A_3 to %scan3A_5 step %scan3A_6  : i32 {
      %dma_start3A = arith.constant 0 : i32
      %dma_start3A_14 = tpu.memref_slice %arg7[%scan3A_13, %dma_start3A] : memref<79x128xi32, #tpu.memory_space<vmem>> -> memref<1x128xi32, #tpu.memory_space<vmem>>
      %dma_start3A_15 = tpu.memref_squeeze %dma_start3A_14 : memref<1x128xi32, #tpu.memory_space<vmem>> -> memref<128xi32, #tpu.memory_space<vmem>>
      %dma_start3A_16 = arith.constant 0 : i32
      %dma_start3A_17 = arith.constant 0 : i32
      %dma_start3A_18 = tpu.memref_slice %arg2[%dma_start3A_16, %dma_start3A_17] : memref<160000x128xf32, #tpu.memory_space<hbm>> -> memref<160000x128xf32, #tpu.memory_space<hbm>>
      tpu.enqueue_indirect_dma source(%dma_start3A_18 : memref<160000x128xf32, #tpu.memory_space<hbm>>) target(%arg9 : memref<128x128xf32, #tpu.memory_space<vmem>>) offsets(%dma_start3A_15 : memref<128xi32, #tpu.memory_space<vmem>>) semaphore(%arg10 : memref<!tpu.dma_semaphore, #tpu.memory_space<semaphore_mem>>)
      %dma_wait3A = arith.constant 0 : i32
      %dma_wait3A_19 = tpu.memref_slice %arg7[%scan3A_13, %dma_wait3A] : memref<79x128xi32, #tpu.memory_space<vmem>> -> memref<1x128xi32, #tpu.memory_space<vmem>>
      %dma_wait3A_20 = tpu.memref_squeeze %dma_wait3A_19 : memref<1x128xi32, #tpu.memory_space<vmem>> -> memref<128xi32, #tpu.memory_space<vmem>>
      %dma_wait3A_21 = arith.constant 0 : i32
      %dma_wait3A_22 = arith.constant 0 : i32
      %dma_wait3A_23 = tpu.memref_slice %arg2[%dma_wait3A_21, %dma_wait3A_22] : memref<160000x128xf32, #tpu.memory_space<hbm>> -> memref<160000x128xf32, #tpu.memory_space<hbm>>
      tpu.wait_indirect_dma semaphore(%arg10 : memref<!tpu.dma_semaphore, #tpu.memory_space<semaphore_mem>>) src(%dma_wait3A_23 : memref<160000x128xf32, #tpu.memory_space<hbm>>) dst(%arg9 : memref<128x128xf32, #tpu.memory_space<vmem>>)
      "tpu.region"() ({
        %run_scoped3A = tpu.sem_alloc : memref<!tpu.dma_semaphore, #tpu.memory_space<semaphore_mem>>
        %dma_start3A_24 = arith.constant 0 : i32
        %dma_start3A_25 = tpu.memref_slice %arg8[%scan3A_13, %dma_start3A_24] : memref<79x128xi32, #tpu.memory_space<vmem>> -> memref<1x128xi32, #tpu.memory_space<vmem>>
        %dma_start3A_26 = tpu.memref_squeeze %dma_start3A_25 : memref<1x128xi32, #tpu.memory_space<vmem>> -> memref<128xi32, #tpu.memory_space<vmem>>
        %dma_start3A_27 = arith.constant 0 : i32
        %dma_start3A_28 = arith.constant 0 : i32
        %dma_start3A_29 = tpu.memref_slice %arg11[%dma_start3A_27, %dma_start3A_28] : memref<10112x128xf32, #tpu.memory_space<vmem_shared>> -> memref<10112x128xf32, #tpu.memory_space<vmem_shared>>
        tpu.enqueue_indirect_dma source(%arg9 : memref<128x128xf32, #tpu.memory_space<vmem>>) target(%dma_start3A_29 : memref<10112x128xf32, #tpu.memory_space<vmem_shared>>) offsets(%dma_start3A_26 : memref<128xi32, #tpu.memory_space<vmem>>) semaphore(%run_scoped3A : memref<!tpu.dma_semaphore, #tpu.memory_space<semaphore_mem>>) {add = true}
        %dma_wait3A_30 = arith.constant 0 : i32
        %dma_wait3A_31 = tpu.memref_slice %arg8[%scan3A_13, %dma_wait3A_30] : memref<79x128xi32, #tpu.memory_space<vmem>> -> memref<1x128xi32, #tpu.memory_space<vmem>>
        %dma_wait3A_32 = tpu.memref_squeeze %dma_wait3A_31 : memref<1x128xi32, #tpu.memory_space<vmem>> -> memref<128xi32, #tpu.memory_space<vmem>>
        %dma_wait3A_33 = arith.constant 0 : i32
        %dma_wait3A_34 = arith.constant 0 : i32
        %dma_wait3A_35 = tpu.memref_slice %arg11[%dma_wait3A_33, %dma_wait3A_34] : memref<10112x128xf32, #tpu.memory_space<vmem_shared>> -> memref<10112x128xf32, #tpu.memory_space<vmem_shared>>
        tpu.wait_indirect_dma semaphore(%run_scoped3A : memref<!tpu.dma_semaphore, #tpu.memory_space<semaphore_mem>>) src(%arg9 : memref<128x128xf32, #tpu.memory_space<vmem>>) dst(%dma_wait3A_35 : memref<10112x128xf32, #tpu.memory_space<vmem_shared>>)
        tpu.yield
      }) : () -> ()
    }
    %scan3A_7 = arith.constant 79 : i32
    %barrier3A_8 = arith.constant 0 : index
    tpu.barrier barrier_id(%barrier3A_8)
    %mul3A_9 = arith.constant 632 : i32
    %mul3A_10 = arith.muli %arg1, %mul3A_9 : i32
    %mul3A_11 = arith.constant 632 : i32
    %mul3A_12 = arith.muli %arg1, %mul3A_11 : i32
    "tpu.region"() ({
      %run_scoped3A = tpu.sem_alloc : memref<!tpu.dma_semaphore, #tpu.memory_space<semaphore_mem>>
      %dma_start3A = arith.constant 0 : i32
      %dma_start3A_13 = tpu.memref_slice %arg6[%arg0, %mul3A_12, %dma_start3A] : memref<2x10112x128xf32, #tpu.memory_space<hbm>> -> memref<1x632x128xf32, #tpu.memory_space<hbm>>
      %dma_start3A_14 = tpu.memref_squeeze %dma_start3A_13 : memref<1x632x128xf32, #tpu.memory_space<hbm>> -> memref<632x128xf32, #tpu.memory_space<hbm>>
      %dma_start3A_15 = arith.constant 0 : i32
      %dma_start3A_16 = tpu.memref_slice %arg11[%mul3A_10, %dma_start3A_15] : memref<10112x128xf32, #tpu.memory_space<vmem_shared>> -> memref<632x128xf32, #tpu.memory_space<vmem_shared>>
      tpu.enqueue_dma source(%dma_start3A_16 : memref<632x128xf32, #tpu.memory_space<vmem_shared>>) target(%dma_start3A_14 : memref<632x128xf32, #tpu.memory_space<hbm>>) target_semaphore(%run_scoped3A : memref<!tpu.dma_semaphore, #tpu.memory_space<semaphore_mem>>)
      %dma_wait3A = arith.constant 0 : i32
      %dma_wait3A_17 = tpu.memref_slice %arg6[%arg0, %mul3A_12, %dma_wait3A] : memref<2x10112x128xf32, #tpu.memory_space<hbm>> -> memref<1x632x128xf32, #tpu.memory_space<hbm>>
      %dma_wait3A_18 = tpu.memref_squeeze %dma_wait3A_17 : memref<1x632x128xf32, #tpu.memory_space<hbm>> -> memref<632x128xf32, #tpu.memory_space<hbm>>
      %dma_wait3A_19 = arith.constant 0 : i32
      %dma_wait3A_20 = tpu.memref_slice %arg11[%mul3A_10, %dma_wait3A_19] : memref<10112x128xf32, #tpu.memory_space<vmem_shared>> -> memref<632x128xf32, #tpu.memory_space<vmem_shared>>
      tpu.wait_dma2 semaphore(%run_scoped3A : memref<!tpu.dma_semaphore, #tpu.memory_space<semaphore_mem>>) src(%dma_wait3A_20 : memref<632x128xf32, #tpu.memory_space<vmem_shared>>) dst(%dma_wait3A_18 : memref<632x128xf32, #tpu.memory_space<hbm>>)
      tpu.yield
    }) : () -> ()
    return
  }
}

#map = affine_map<(d0, d1) -> (0, 0)>
#map1 = affine_map<(d0, d1) -> (0, 0, 0)>
module attributes {stable_mosaic.version = 14 : i64} {
  func.func @_agg_body(%arg0: i32, %arg1: i32, %arg2: memref<160000x128xf32, #tpu.memory_space<hbm>>, %arg3: memref<32x79x128xi32, #tpu.memory_space<hbm>>, %arg4: memref<32x79x128xi32, #tpu.memory_space<hbm>>, %arg5: memref<632x128xf32, #tpu.memory_space<hbm>>, %arg6: memref<2x10112x128xf32, #tpu.memory_space<hbm>>, %arg7: memref<79x128xi32, #tpu.memory_space<vmem>>, %arg8: memref<79x128xi32, #tpu.memory_space<vmem>>, %arg9: memref<128x128xf32, #tpu.memory_space<vmem>>, %arg10: memref<!tpu.dma_semaphore, #tpu.memory_space<semaphore_mem>>, %arg11: memref<10112x128xf32, #tpu.memory_space<vmem_shared>>) attributes {dimension_semantics = [#tpu.dimension_semantics<core_parallel>, #tpu.dimension_semantics<subcore_parallel>], iteration_bounds = array<i64: 2, 16>, scalar_prefetch = 0 : i64, scratch_operands = 5 : i64, tpu.core_type = #tpu.core_type<sc_vector_subcore>, window_params = [{transform_indices = #map}, {transform_indices = #map1}, {transform_indices = #map1}, {transform_indices = #map}, {transform_indices = #map1}]} {
    %mul3A = arith.constant 2 : i32
    %mul3A_0 = arith.muli %arg1, %mul3A : i32
    %add3A = arith.addi %mul3A_0, %arg0 : i32
    %mul3A_1 = arith.constant 632 : i32
    %mul3A_2 = arith.muli %arg1, %mul3A_1 : i32
    "tpu.region"() ({
      %run_scoped3A = tpu.sem_alloc : memref<!tpu.dma_semaphore, #tpu.memory_space<semaphore_mem>>
      %dma_start3A = arith.constant 0 : i32
      %dma_start3A_13 = tpu.memref_slice %arg11[%mul3A_2, %dma_start3A] : memref<10112x128xf32, #tpu.memory_space<vmem_shared>> -> memref<632x128xf32, #tpu.memory_space<vmem_shared>>
      tpu.enqueue_dma source(%arg5 : memref<632x128xf32, #tpu.memory_space<hbm>>) target(%dma_start3A_13 : memref<632x128xf32, #tpu.memory_space<vmem_shared>>) target_semaphore(%run_scoped3A : memref<!tpu.dma_semaphore, #tpu.memory_space<semaphore_mem>>)
      %dma_wait3A = arith.constant 0 : i32
      %dma_wait3A_14 = tpu.memref_slice %arg11[%mul3A_2, %dma_wait3A] : memref<10112x128xf32, #tpu.memory_space<vmem_shared>> -> memref<632x128xf32, #tpu.memory_space<vmem_shared>>
      tpu.wait_dma2 semaphore(%run_scoped3A : memref<!tpu.dma_semaphore, #tpu.memory_space<semaphore_mem>>) src(%arg5 : memref<632x128xf32, #tpu.memory_space<hbm>>) dst(%dma_wait3A_14 : memref<632x128xf32, #tpu.memory_space<vmem_shared>>)
      tpu.yield
    }) : () -> ()
    "tpu.region"() ({
      %run_scoped3A = tpu.sem_alloc : memref<!tpu.dma_semaphore, #tpu.memory_space<semaphore_mem>>
      %dma_start3A = arith.constant 0 : i32
      %dma_start3A_13 = arith.constant 0 : i32
      %dma_start3A_14 = tpu.memref_slice %arg3[%add3A, %dma_start3A, %dma_start3A_13] : memref<32x79x128xi32, #tpu.memory_space<hbm>> -> memref<1x79x128xi32, #tpu.memory_space<hbm>>
      %dma_start3A_15 = tpu.memref_squeeze %dma_start3A_14 : memref<1x79x128xi32, #tpu.memory_space<hbm>> -> memref<79x128xi32, #tpu.memory_space<hbm>>
      %dma_start3A_16 = arith.constant 0 : i32
      %dma_start3A_17 = arith.constant 0 : i32
      %dma_start3A_18 = tpu.memref_slice %arg3[%add3A, %dma_start3A_16, %dma_start3A_17] : memref<32x79x128xi32, #tpu.memory_space<hbm>> -> memref<1x79x128xi32, #tpu.memory_space<hbm>>
      %dma_start3A_19 = tpu.memref_squeeze %dma_start3A_18 : memref<1x79x128xi32, #tpu.memory_space<hbm>> -> memref<79x128xi32, #tpu.memory_space<hbm>>
      tpu.enqueue_dma source(%dma_start3A_19 : memref<79x128xi32, #tpu.memory_space<hbm>>) target(%arg7 : memref<79x128xi32, #tpu.memory_space<vmem>>) target_semaphore(%run_scoped3A : memref<!tpu.dma_semaphore, #tpu.memory_space<semaphore_mem>>)
      %dma_wait3A = arith.constant 0 : i32
      %dma_wait3A_20 = arith.constant 0 : i32
      %dma_wait3A_21 = tpu.memref_slice %arg3[%add3A, %dma_wait3A, %dma_wait3A_20] : memref<32x79x128xi32, #tpu.memory_space<hbm>> -> memref<1x79x128xi32, #tpu.memory_space<hbm>>
      %dma_wait3A_22 = tpu.memref_squeeze %dma_wait3A_21 : memref<1x79x128xi32, #tpu.memory_space<hbm>> -> memref<79x128xi32, #tpu.memory_space<hbm>>
      %dma_wait3A_23 = arith.constant 0 : i32
      %dma_wait3A_24 = arith.constant 0 : i32
      %dma_wait3A_25 = tpu.memref_slice %arg3[%add3A, %dma_wait3A_23, %dma_wait3A_24] : memref<32x79x128xi32, #tpu.memory_space<hbm>> -> memref<1x79x128xi32, #tpu.memory_space<hbm>>
      %dma_wait3A_26 = tpu.memref_squeeze %dma_wait3A_25 : memref<1x79x128xi32, #tpu.memory_space<hbm>> -> memref<79x128xi32, #tpu.memory_space<hbm>>
      tpu.wait_dma2 semaphore(%run_scoped3A : memref<!tpu.dma_semaphore, #tpu.memory_space<semaphore_mem>>) src(%dma_wait3A_26 : memref<79x128xi32, #tpu.memory_space<hbm>>) dst(%arg7 : memref<79x128xi32, #tpu.memory_space<vmem>>)
      tpu.yield
    }) : () -> ()
    "tpu.region"() ({
      %run_scoped3A = tpu.sem_alloc : memref<!tpu.dma_semaphore, #tpu.memory_space<semaphore_mem>>
      %dma_start3A = arith.constant 0 : i32
      %dma_start3A_13 = arith.constant 0 : i32
      %dma_start3A_14 = tpu.memref_slice %arg4[%add3A, %dma_start3A, %dma_start3A_13] : memref<32x79x128xi32, #tpu.memory_space<hbm>> -> memref<1x79x128xi32, #tpu.memory_space<hbm>>
      %dma_start3A_15 = tpu.memref_squeeze %dma_start3A_14 : memref<1x79x128xi32, #tpu.memory_space<hbm>> -> memref<79x128xi32, #tpu.memory_space<hbm>>
      %dma_start3A_16 = arith.constant 0 : i32
      %dma_start3A_17 = arith.constant 0 : i32
      %dma_start3A_18 = tpu.memref_slice %arg4[%add3A, %dma_start3A_16, %dma_start3A_17] : memref<32x79x128xi32, #tpu.memory_space<hbm>> -> memref<1x79x128xi32, #tpu.memory_space<hbm>>
      %dma_start3A_19 = tpu.memref_squeeze %dma_start3A_18 : memref<1x79x128xi32, #tpu.memory_space<hbm>> -> memref<79x128xi32, #tpu.memory_space<hbm>>
      tpu.enqueue_dma source(%dma_start3A_19 : memref<79x128xi32, #tpu.memory_space<hbm>>) target(%arg8 : memref<79x128xi32, #tpu.memory_space<vmem>>) target_semaphore(%run_scoped3A : memref<!tpu.dma_semaphore, #tpu.memory_space<semaphore_mem>>)
      %dma_wait3A = arith.constant 0 : i32
      %dma_wait3A_20 = arith.constant 0 : i32
      %dma_wait3A_21 = tpu.memref_slice %arg4[%add3A, %dma_wait3A, %dma_wait3A_20] : memref<32x79x128xi32, #tpu.memory_space<hbm>> -> memref<1x79x128xi32, #tpu.memory_space<hbm>>
      %dma_wait3A_22 = tpu.memref_squeeze %dma_wait3A_21 : memref<1x79x128xi32, #tpu.memory_space<hbm>> -> memref<79x128xi32, #tpu.memory_space<hbm>>
      %dma_wait3A_23 = arith.constant 0 : i32
      %dma_wait3A_24 = arith.constant 0 : i32
      %dma_wait3A_25 = tpu.memref_slice %arg4[%add3A, %dma_wait3A_23, %dma_wait3A_24] : memref<32x79x128xi32, #tpu.memory_space<hbm>> -> memref<1x79x128xi32, #tpu.memory_space<hbm>>
      %dma_wait3A_26 = tpu.memref_squeeze %dma_wait3A_25 : memref<1x79x128xi32, #tpu.memory_space<hbm>> -> memref<79x128xi32, #tpu.memory_space<hbm>>
      tpu.wait_dma2 semaphore(%run_scoped3A : memref<!tpu.dma_semaphore, #tpu.memory_space<semaphore_mem>>) src(%dma_wait3A_26 : memref<79x128xi32, #tpu.memory_space<hbm>>) dst(%arg8 : memref<79x128xi32, #tpu.memory_space<vmem>>)
      tpu.yield
    }) : () -> ()
    %barrier3A = arith.constant 0 : index
    tpu.barrier barrier_id(%barrier3A)
    %scan3A = arith.constant 0 : i32
    %scan3A_3 = arith.constant 0 : i32
    %scan3A_4 = arith.constant 79 : i32
    %scan3A_5 = arith.addi %scan3A_3, %scan3A_4 : i32
    %scan3A_6 = arith.constant 1 : i32
    scf.for %scan3A_13 = %scan3A_3 to %scan3A_5 step %scan3A_6  : i32 {
      %dma_start3A = arith.constant 0 : i32
      %dma_start3A_14 = tpu.memref_slice %arg7[%scan3A_13, %dma_start3A] : memref<79x128xi32, #tpu.memory_space<vmem>> -> memref<1x128xi32, #tpu.memory_space<vmem>>
      %dma_start3A_15 = tpu.memref_squeeze %dma_start3A_14 : memref<1x128xi32, #tpu.memory_space<vmem>> -> memref<128xi32, #tpu.memory_space<vmem>>
      %dma_start3A_16 = arith.constant 0 : i32
      %dma_start3A_17 = arith.constant 0 : i32
      %dma_start3A_18 = tpu.memref_slice %arg2[%dma_start3A_16, %dma_start3A_17] : memref<160000x128xf32, #tpu.memory_space<hbm>> -> memref<160000x128xf32, #tpu.memory_space<hbm>>
      tpu.enqueue_indirect_dma source(%dma_start3A_18 : memref<160000x128xf32, #tpu.memory_space<hbm>>) target(%arg9 : memref<128x128xf32, #tpu.memory_space<vmem>>) offsets(%dma_start3A_15 : memref<128xi32, #tpu.memory_space<vmem>>) semaphore(%arg10 : memref<!tpu.dma_semaphore, #tpu.memory_space<semaphore_mem>>)
      %dma_wait3A = arith.constant 0 : i32
      %dma_wait3A_19 = tpu.memref_slice %arg7[%scan3A_13, %dma_wait3A] : memref<79x128xi32, #tpu.memory_space<vmem>> -> memref<1x128xi32, #tpu.memory_space<vmem>>
      %dma_wait3A_20 = tpu.memref_squeeze %dma_wait3A_19 : memref<1x128xi32, #tpu.memory_space<vmem>> -> memref<128xi32, #tpu.memory_space<vmem>>
      %dma_wait3A_21 = arith.constant 0 : i32
      %dma_wait3A_22 = arith.constant 0 : i32
      %dma_wait3A_23 = tpu.memref_slice %arg2[%dma_wait3A_21, %dma_wait3A_22] : memref<160000x128xf32, #tpu.memory_space<hbm>> -> memref<160000x128xf32, #tpu.memory_space<hbm>>
      tpu.wait_indirect_dma semaphore(%arg10 : memref<!tpu.dma_semaphore, #tpu.memory_space<semaphore_mem>>) src(%dma_wait3A_23 : memref<160000x128xf32, #tpu.memory_space<hbm>>) dst(%arg9 : memref<128x128xf32, #tpu.memory_space<vmem>>)
      "tpu.region"() ({
        %run_scoped3A = tpu.sem_alloc : memref<!tpu.dma_semaphore, #tpu.memory_space<semaphore_mem>>
        %dma_start3A_24 = arith.constant 0 : i32
        %dma_start3A_25 = tpu.memref_slice %arg8[%scan3A_13, %dma_start3A_24] : memref<79x128xi32, #tpu.memory_space<vmem>> -> memref<1x128xi32, #tpu.memory_space<vmem>>
        %dma_start3A_26 = tpu.memref_squeeze %dma_start3A_25 : memref<1x128xi32, #tpu.memory_space<vmem>> -> memref<128xi32, #tpu.memory_space<vmem>>
        %dma_start3A_27 = arith.constant 0 : i32
        %dma_start3A_28 = arith.constant 0 : i32
        %dma_start3A_29 = tpu.memref_slice %arg11[%dma_start3A_27, %dma_start3A_28] : memref<10112x128xf32, #tpu.memory_space<vmem_shared>> -> memref<10112x128xf32, #tpu.memory_space<vmem_shared>>
        tpu.enqueue_indirect_dma source(%arg9 : memref<128x128xf32, #tpu.memory_space<vmem>>) target(%dma_start3A_29 : memref<10112x128xf32, #tpu.memory_space<vmem_shared>>) offsets(%dma_start3A_26 : memref<128xi32, #tpu.memory_space<vmem>>) semaphore(%run_scoped3A : memref<!tpu.dma_semaphore, #tpu.memory_space<semaphore_mem>>) {add = true}
        %dma_wait3A_30 = arith.constant 0 : i32
        %dma_wait3A_31 = tpu.memref_slice %arg8[%scan3A_13, %dma_wait3A_30] : memref<79x128xi32, #tpu.memory_space<vmem>> -> memref<1x128xi32, #tpu.memory_space<vmem>>
        %dma_wait3A_32 = tpu.memref_squeeze %dma_wait3A_31 : memref<1x128xi32, #tpu.memory_space<vmem>> -> memref<128xi32, #tpu.memory_space<vmem>>
        %dma_wait3A_33 = arith.constant 0 : i32
        %dma_wait3A_34 = arith.constant 0 : i32
        %dma_wait3A_35 = tpu.memref_slice %arg11[%dma_wait3A_33, %dma_wait3A_34] : memref<10112x128xf32, #tpu.memory_space<vmem_shared>> -> memref<10112x128xf32, #tpu.memory_space<vmem_shared>>
        tpu.wait_indirect_dma semaphore(%run_scoped3A : memref<!tpu.dma_semaphore, #tpu.memory_space<semaphore_mem>>) src(%arg9 : memref<128x128xf32, #tpu.memory_space<vmem>>) dst(%dma_wait3A_35 : memref<10112x128xf32, #tpu.memory_space<vmem_shared>>)
        tpu.yield
      }) : () -> ()
    }
    %scan3A_7 = arith.constant 79 : i32
    %barrier3A_8 = arith.constant 0 : index
    tpu.barrier barrier_id(%barrier3A_8)
    %mul3A_9 = arith.constant 632 : i32
    %mul3A_10 = arith.muli %arg1, %mul3A_9 : i32
    %mul3A_11 = arith.constant 632 : i32
    %mul3A_12 = arith.muli %arg1, %mul3A_11 : i32
    "tpu.region"() ({
      %run_scoped3A = tpu.sem_alloc : memref<!tpu.dma_semaphore, #tpu.memory_space<semaphore_mem>>
      %dma_start3A = arith.constant 0 : i32
      %dma_start3A_13 = tpu.memref_slice %arg6[%arg0, %mul3A_12, %dma_start3A] : memref<2x10112x128xf32, #tpu.memory_space<hbm>> -> memref<1x632x128xf32, #tpu.memory_space<hbm>>
      %dma_start3A_14 = tpu.memref_squeeze %dma_start3A_13 : memref<1x632x128xf32, #tpu.memory_space<hbm>> -> memref<632x128xf32, #tpu.memory_space<hbm>>
      %dma_start3A_15 = arith.constant 0 : i32
      %dma_start3A_16 = tpu.memref_slice %arg11[%mul3A_10, %dma_start3A_15] : memref<10112x128xf32, #tpu.memory_space<vmem_shared>> -> memref<632x128xf32, #tpu.memory_space<vmem_shared>>
      tpu.enqueue_dma source(%dma_start3A_16 : memref<632x128xf32, #tpu.memory_space<vmem_shared>>) target(%dma_start3A_14 : memref<632x128xf32, #tpu.memory_space<hbm>>) target_semaphore(%run_scoped3A : memref<!tpu.dma_semaphore, #tpu.memory_space<semaphore_mem>>)
      %dma_wait3A = arith.constant 0 : i32
      %dma_wait3A_17 = tpu.memref_slice %arg6[%arg0, %mul3A_12, %dma_wait3A] : memref<2x10112x128xf32, #tpu.memory_space<hbm>> -> memref<1x632x128xf32, #tpu.memory_space<hbm>>
      %dma_wait3A_18 = tpu.memref_squeeze %dma_wait3A_17 : memref<1x632x128xf32, #tpu.memory_space<hbm>> -> memref<632x128xf32, #tpu.memory_space<hbm>>
      %dma_wait3A_19 = arith.constant 0 : i32
      %dma_wait3A_20 = tpu.memref_slice %arg11[%mul3A_10, %dma_wait3A_19] : memref<10112x128xf32, #tpu.memory_space<vmem_shared>> -> memref<632x128xf32, #tpu.memory_space<vmem_shared>>
      tpu.wait_dma2 semaphore(%run_scoped3A : memref<!tpu.dma_semaphore, #tpu.memory_space<semaphore_mem>>) src(%dma_wait3A_20 : memref<632x128xf32, #tpu.memory_space<vmem_shared>>) dst(%dma_wait3A_18 : memref<632x128xf32, #tpu.memory_space<hbm>>)
      tpu.yield
    }) : () -> ()
    return
  }
}

#map = affine_map<(d0, d1) -> (0, 0)>
#map1 = affine_map<(d0, d1) -> (0, 0, 0)>
module attributes {stable_mosaic.version = 14 : i64} {
  func.func @_agg_body(%arg0: i32, %arg1: i32, %arg2: memref<160000x128xf32, #tpu.memory_space<hbm>>, %arg3: memref<32x79x128xi32, #tpu.memory_space<hbm>>, %arg4: memref<32x79x128xi32, #tpu.memory_space<hbm>>, %arg5: memref<632x128xf32, #tpu.memory_space<hbm>>, %arg6: memref<2x10112x128xf32, #tpu.memory_space<hbm>>, %arg7: memref<79x128xi32, #tpu.memory_space<vmem>>, %arg8: memref<79x128xi32, #tpu.memory_space<vmem>>, %arg9: memref<128x128xf32, #tpu.memory_space<vmem>>, %arg10: memref<!tpu.dma_semaphore, #tpu.memory_space<semaphore_mem>>, %arg11: memref<10112x128xf32, #tpu.memory_space<vmem_shared>>) attributes {dimension_semantics = [#tpu.dimension_semantics<core_parallel>, #tpu.dimension_semantics<subcore_parallel>], iteration_bounds = array<i64: 2, 16>, scalar_prefetch = 0 : i64, scratch_operands = 5 : i64, tpu.core_type = #tpu.core_type<sc_vector_subcore>, window_params = [{transform_indices = #map}, {transform_indices = #map1}, {transform_indices = #map1}, {transform_indices = #map}, {transform_indices = #map1}]} {
    %mul3A = arith.constant 2 : i32
    %mul3A_0 = arith.muli %arg1, %mul3A : i32
    %add3A = arith.addi %mul3A_0, %arg0 : i32
    %mul3A_1 = arith.constant 632 : i32
    %mul3A_2 = arith.muli %arg1, %mul3A_1 : i32
    "tpu.region"() ({
      %run_scoped3A = tpu.sem_alloc : memref<!tpu.dma_semaphore, #tpu.memory_space<semaphore_mem>>
      %dma_start3A = arith.constant 0 : i32
      %dma_start3A_13 = tpu.memref_slice %arg11[%mul3A_2, %dma_start3A] : memref<10112x128xf32, #tpu.memory_space<vmem_shared>> -> memref<632x128xf32, #tpu.memory_space<vmem_shared>>
      tpu.enqueue_dma source(%arg5 : memref<632x128xf32, #tpu.memory_space<hbm>>) target(%dma_start3A_13 : memref<632x128xf32, #tpu.memory_space<vmem_shared>>) target_semaphore(%run_scoped3A : memref<!tpu.dma_semaphore, #tpu.memory_space<semaphore_mem>>)
      %dma_wait3A = arith.constant 0 : i32
      %dma_wait3A_14 = tpu.memref_slice %arg11[%mul3A_2, %dma_wait3A] : memref<10112x128xf32, #tpu.memory_space<vmem_shared>> -> memref<632x128xf32, #tpu.memory_space<vmem_shared>>
      tpu.wait_dma2 semaphore(%run_scoped3A : memref<!tpu.dma_semaphore, #tpu.memory_space<semaphore_mem>>) src(%arg5 : memref<632x128xf32, #tpu.memory_space<hbm>>) dst(%dma_wait3A_14 : memref<632x128xf32, #tpu.memory_space<vmem_shared>>)
      tpu.yield
    }) : () -> ()
    "tpu.region"() ({
      %run_scoped3A = tpu.sem_alloc : memref<!tpu.dma_semaphore, #tpu.memory_space<semaphore_mem>>
      %dma_start3A = arith.constant 0 : i32
      %dma_start3A_13 = arith.constant 0 : i32
      %dma_start3A_14 = tpu.memref_slice %arg3[%add3A, %dma_start3A, %dma_start3A_13] : memref<32x79x128xi32, #tpu.memory_space<hbm>> -> memref<1x79x128xi32, #tpu.memory_space<hbm>>
      %dma_start3A_15 = tpu.memref_squeeze %dma_start3A_14 : memref<1x79x128xi32, #tpu.memory_space<hbm>> -> memref<79x128xi32, #tpu.memory_space<hbm>>
      %dma_start3A_16 = arith.constant 0 : i32
      %dma_start3A_17 = arith.constant 0 : i32
      %dma_start3A_18 = tpu.memref_slice %arg3[%add3A, %dma_start3A_16, %dma_start3A_17] : memref<32x79x128xi32, #tpu.memory_space<hbm>> -> memref<1x79x128xi32, #tpu.memory_space<hbm>>
      %dma_start3A_19 = tpu.memref_squeeze %dma_start3A_18 : memref<1x79x128xi32, #tpu.memory_space<hbm>> -> memref<79x128xi32, #tpu.memory_space<hbm>>
      tpu.enqueue_dma source(%dma_start3A_19 : memref<79x128xi32, #tpu.memory_space<hbm>>) target(%arg7 : memref<79x128xi32, #tpu.memory_space<vmem>>) target_semaphore(%run_scoped3A : memref<!tpu.dma_semaphore, #tpu.memory_space<semaphore_mem>>)
      %dma_wait3A = arith.constant 0 : i32
      %dma_wait3A_20 = arith.constant 0 : i32
      %dma_wait3A_21 = tpu.memref_slice %arg3[%add3A, %dma_wait3A, %dma_wait3A_20] : memref<32x79x128xi32, #tpu.memory_space<hbm>> -> memref<1x79x128xi32, #tpu.memory_space<hbm>>
      %dma_wait3A_22 = tpu.memref_squeeze %dma_wait3A_21 : memref<1x79x128xi32, #tpu.memory_space<hbm>> -> memref<79x128xi32, #tpu.memory_space<hbm>>
      %dma_wait3A_23 = arith.constant 0 : i32
      %dma_wait3A_24 = arith.constant 0 : i32
      %dma_wait3A_25 = tpu.memref_slice %arg3[%add3A, %dma_wait3A_23, %dma_wait3A_24] : memref<32x79x128xi32, #tpu.memory_space<hbm>> -> memref<1x79x128xi32, #tpu.memory_space<hbm>>
      %dma_wait3A_26 = tpu.memref_squeeze %dma_wait3A_25 : memref<1x79x128xi32, #tpu.memory_space<hbm>> -> memref<79x128xi32, #tpu.memory_space<hbm>>
      tpu.wait_dma2 semaphore(%run_scoped3A : memref<!tpu.dma_semaphore, #tpu.memory_space<semaphore_mem>>) src(%dma_wait3A_26 : memref<79x128xi32, #tpu.memory_space<hbm>>) dst(%arg7 : memref<79x128xi32, #tpu.memory_space<vmem>>)
      tpu.yield
    }) : () -> ()
    "tpu.region"() ({
      %run_scoped3A = tpu.sem_alloc : memref<!tpu.dma_semaphore, #tpu.memory_space<semaphore_mem>>
      %dma_start3A = arith.constant 0 : i32
      %dma_start3A_13 = arith.constant 0 : i32
      %dma_start3A_14 = tpu.memref_slice %arg4[%add3A, %dma_start3A, %dma_start3A_13] : memref<32x79x128xi32, #tpu.memory_space<hbm>> -> memref<1x79x128xi32, #tpu.memory_space<hbm>>
      %dma_start3A_15 = tpu.memref_squeeze %dma_start3A_14 : memref<1x79x128xi32, #tpu.memory_space<hbm>> -> memref<79x128xi32, #tpu.memory_space<hbm>>
      %dma_start3A_16 = arith.constant 0 : i32
      %dma_start3A_17 = arith.constant 0 : i32
      %dma_start3A_18 = tpu.memref_slice %arg4[%add3A, %dma_start3A_16, %dma_start3A_17] : memref<32x79x128xi32, #tpu.memory_space<hbm>> -> memref<1x79x128xi32, #tpu.memory_space<hbm>>
      %dma_start3A_19 = tpu.memref_squeeze %dma_start3A_18 : memref<1x79x128xi32, #tpu.memory_space<hbm>> -> memref<79x128xi32, #tpu.memory_space<hbm>>
      tpu.enqueue_dma source(%dma_start3A_19 : memref<79x128xi32, #tpu.memory_space<hbm>>) target(%arg8 : memref<79x128xi32, #tpu.memory_space<vmem>>) target_semaphore(%run_scoped3A : memref<!tpu.dma_semaphore, #tpu.memory_space<semaphore_mem>>)
      %dma_wait3A = arith.constant 0 : i32
      %dma_wait3A_20 = arith.constant 0 : i32
      %dma_wait3A_21 = tpu.memref_slice %arg4[%add3A, %dma_wait3A, %dma_wait3A_20] : memref<32x79x128xi32, #tpu.memory_space<hbm>> -> memref<1x79x128xi32, #tpu.memory_space<hbm>>
      %dma_wait3A_22 = tpu.memref_squeeze %dma_wait3A_21 : memref<1x79x128xi32, #tpu.memory_space<hbm>> -> memref<79x128xi32, #tpu.memory_space<hbm>>
      %dma_wait3A_23 = arith.constant 0 : i32
      %dma_wait3A_24 = arith.constant 0 : i32
      %dma_wait3A_25 = tpu.memref_slice %arg4[%add3A, %dma_wait3A_23, %dma_wait3A_24] : memref<32x79x128xi32, #tpu.memory_space<hbm>> -> memref<1x79x128xi32, #tpu.memory_space<hbm>>
      %dma_wait3A_26 = tpu.memref_squeeze %dma_wait3A_25 : memref<1x79x128xi32, #tpu.memory_space<hbm>> -> memref<79x128xi32, #tpu.memory_space<hbm>>
      tpu.wait_dma2 semaphore(%run_scoped3A : memref<!tpu.dma_semaphore, #tpu.memory_space<semaphore_mem>>) src(%dma_wait3A_26 : memref<79x128xi32, #tpu.memory_space<hbm>>) dst(%arg8 : memref<79x128xi32, #tpu.memory_space<vmem>>)
      tpu.yield
    }) : () -> ()
    %barrier3A = arith.constant 0 : index
    tpu.barrier barrier_id(%barrier3A)
    %scan3A = arith.constant 0 : i32
    %scan3A_3 = arith.constant 0 : i32
    %scan3A_4 = arith.constant 79 : i32
    %scan3A_5 = arith.addi %scan3A_3, %scan3A_4 : i32
    %scan3A_6 = arith.constant 1 : i32
    scf.for %scan3A_13 = %scan3A_3 to %scan3A_5 step %scan3A_6  : i32 {
      %dma_start3A = arith.constant 0 : i32
      %dma_start3A_14 = tpu.memref_slice %arg7[%scan3A_13, %dma_start3A] : memref<79x128xi32, #tpu.memory_space<vmem>> -> memref<1x128xi32, #tpu.memory_space<vmem>>
      %dma_start3A_15 = tpu.memref_squeeze %dma_start3A_14 : memref<1x128xi32, #tpu.memory_space<vmem>> -> memref<128xi32, #tpu.memory_space<vmem>>
      %dma_start3A_16 = arith.constant 0 : i32
      %dma_start3A_17 = arith.constant 0 : i32
      %dma_start3A_18 = tpu.memref_slice %arg2[%dma_start3A_16, %dma_start3A_17] : memref<160000x128xf32, #tpu.memory_space<hbm>> -> memref<160000x128xf32, #tpu.memory_space<hbm>>
      tpu.enqueue_indirect_dma source(%dma_start3A_18 : memref<160000x128xf32, #tpu.memory_space<hbm>>) target(%arg9 : memref<128x128xf32, #tpu.memory_space<vmem>>) offsets(%dma_start3A_15 : memref<128xi32, #tpu.memory_space<vmem>>) semaphore(%arg10 : memref<!tpu.dma_semaphore, #tpu.memory_space<semaphore_mem>>)
      %dma_wait3A = arith.constant 0 : i32
      %dma_wait3A_19 = tpu.memref_slice %arg7[%scan3A_13, %dma_wait3A] : memref<79x128xi32, #tpu.memory_space<vmem>> -> memref<1x128xi32, #tpu.memory_space<vmem>>
      %dma_wait3A_20 = tpu.memref_squeeze %dma_wait3A_19 : memref<1x128xi32, #tpu.memory_space<vmem>> -> memref<128xi32, #tpu.memory_space<vmem>>
      %dma_wait3A_21 = arith.constant 0 : i32
      %dma_wait3A_22 = arith.constant 0 : i32
      %dma_wait3A_23 = tpu.memref_slice %arg2[%dma_wait3A_21, %dma_wait3A_22] : memref<160000x128xf32, #tpu.memory_space<hbm>> -> memref<160000x128xf32, #tpu.memory_space<hbm>>
      tpu.wait_indirect_dma semaphore(%arg10 : memref<!tpu.dma_semaphore, #tpu.memory_space<semaphore_mem>>) src(%dma_wait3A_23 : memref<160000x128xf32, #tpu.memory_space<hbm>>) dst(%arg9 : memref<128x128xf32, #tpu.memory_space<vmem>>)
      "tpu.region"() ({
        %run_scoped3A = tpu.sem_alloc : memref<!tpu.dma_semaphore, #tpu.memory_space<semaphore_mem>>
        %dma_start3A_24 = arith.constant 0 : i32
        %dma_start3A_25 = tpu.memref_slice %arg8[%scan3A_13, %dma_start3A_24] : memref<79x128xi32, #tpu.memory_space<vmem>> -> memref<1x128xi32, #tpu.memory_space<vmem>>
        %dma_start3A_26 = tpu.memref_squeeze %dma_start3A_25 : memref<1x128xi32, #tpu.memory_space<vmem>> -> memref<128xi32, #tpu.memory_space<vmem>>
        %dma_start3A_27 = arith.constant 0 : i32
        %dma_start3A_28 = arith.constant 0 : i32
        %dma_start3A_29 = tpu.memref_slice %arg11[%dma_start3A_27, %dma_start3A_28] : memref<10112x128xf32, #tpu.memory_space<vmem_shared>> -> memref<10112x128xf32, #tpu.memory_space<vmem_shared>>
        tpu.enqueue_indirect_dma source(%arg9 : memref<128x128xf32, #tpu.memory_space<vmem>>) target(%dma_start3A_29 : memref<10112x128xf32, #tpu.memory_space<vmem_shared>>) offsets(%dma_start3A_26 : memref<128xi32, #tpu.memory_space<vmem>>) semaphore(%run_scoped3A : memref<!tpu.dma_semaphore, #tpu.memory_space<semaphore_mem>>) {add = true}
        %dma_wait3A_30 = arith.constant 0 : i32
        %dma_wait3A_31 = tpu.memref_slice %arg8[%scan3A_13, %dma_wait3A_30] : memref<79x128xi32, #tpu.memory_space<vmem>> -> memref<1x128xi32, #tpu.memory_space<vmem>>
        %dma_wait3A_32 = tpu.memref_squeeze %dma_wait3A_31 : memref<1x128xi32, #tpu.memory_space<vmem>> -> memref<128xi32, #tpu.memory_space<vmem>>
        %dma_wait3A_33 = arith.constant 0 : i32
        %dma_wait3A_34 = arith.constant 0 : i32
        %dma_wait3A_35 = tpu.memref_slice %arg11[%dma_wait3A_33, %dma_wait3A_34] : memref<10112x128xf32, #tpu.memory_space<vmem_shared>> -> memref<10112x128xf32, #tpu.memory_space<vmem_shared>>
        tpu.wait_indirect_dma semaphore(%run_scoped3A : memref<!tpu.dma_semaphore, #tpu.memory_space<semaphore_mem>>) src(%arg9 : memref<128x128xf32, #tpu.memory_space<vmem>>) dst(%dma_wait3A_35 : memref<10112x128xf32, #tpu.memory_space<vmem_shared>>)
        tpu.yield
      }) : () -> ()
    }
    %scan3A_7 = arith.constant 79 : i32
    %barrier3A_8 = arith.constant 0 : index
    tpu.barrier barrier_id(%barrier3A_8)
    %mul3A_9 = arith.constant 632 : i32
    %mul3A_10 = arith.muli %arg1, %mul3A_9 : i32
    %mul3A_11 = arith.constant 632 : i32
    %mul3A_12 = arith.muli %arg1, %mul3A_11 : i32
    "tpu.region"() ({
      %run_scoped3A = tpu.sem_alloc : memref<!tpu.dma_semaphore, #tpu.memory_space<semaphore_mem>>
      %dma_start3A = arith.constant 0 : i32
      %dma_start3A_13 = tpu.memref_slice %arg6[%arg0, %mul3A_12, %dma_start3A] : memref<2x10112x128xf32, #tpu.memory_space<hbm>> -> memref<1x632x128xf32, #tpu.memory_space<hbm>>
      %dma_start3A_14 = tpu.memref_squeeze %dma_start3A_13 : memref<1x632x128xf32, #tpu.memory_space<hbm>> -> memref<632x128xf32, #tpu.memory_space<hbm>>
      %dma_start3A_15 = arith.constant 0 : i32
      %dma_start3A_16 = tpu.memref_slice %arg11[%mul3A_10, %dma_start3A_15] : memref<10112x128xf32, #tpu.memory_space<vmem_shared>> -> memref<632x128xf32, #tpu.memory_space<vmem_shared>>
      tpu.enqueue_dma source(%dma_start3A_16 : memref<632x128xf32, #tpu.memory_space<vmem_shared>>) target(%dma_start3A_14 : memref<632x128xf32, #tpu.memory_space<hbm>>) target_semaphore(%run_scoped3A : memref<!tpu.dma_semaphore, #tpu.memory_space<semaphore_mem>>)
      %dma_wait3A = arith.constant 0 : i32
      %dma_wait3A_17 = tpu.memref_slice %arg6[%arg0, %mul3A_12, %dma_wait3A] : memref<2x10112x128xf32, #tpu.memory_space<hbm>> -> memref<1x632x128xf32, #tpu.memory_space<hbm>>
      %dma_wait3A_18 = tpu.memref_squeeze %dma_wait3A_17 : memref<1x632x128xf32, #tpu.memory_space<hbm>> -> memref<632x128xf32, #tpu.memory_space<hbm>>
      %dma_wait3A_19 = arith.constant 0 : i32
      %dma_wait3A_20 = tpu.memref_slice %arg11[%mul3A_10, %dma_wait3A_19] : memref<10112x128xf32, #tpu.memory_space<vmem_shared>> -> memref<632x128xf32, #tpu.memory_space<vmem_shared>>
      tpu.wait_dma2 semaphore(%run_scoped3A : memref<!tpu.dma_semaphore, #tpu.memory_space<semaphore_mem>>) src(%dma_wait3A_20 : memref<632x128xf32, #tpu.memory_space<vmem_shared>>) dst(%dma_wait3A_18 : memref<632x128xf32, #tpu.memory_space<hbm>>)
      tpu.yield
    }) : () -> ()
    return
  }
}

#map = affine_map<(d0, d1) -> (0, 0)>
#map1 = affine_map<(d0, d1) -> (0, 0, 0)>
module attributes {stable_mosaic.version = 14 : i64} {
  func.func @_agg_body(%arg0: i32, %arg1: i32, %arg2: memref<160000x128xf32, #tpu.memory_space<hbm>>, %arg3: memref<32x79x128xi32, #tpu.memory_space<hbm>>, %arg4: memref<32x79x128xi32, #tpu.memory_space<hbm>>, %arg5: memref<632x128xf32, #tpu.memory_space<hbm>>, %arg6: memref<2x10112x128xf32, #tpu.memory_space<hbm>>, %arg7: memref<79x128xi32, #tpu.memory_space<vmem>>, %arg8: memref<79x128xi32, #tpu.memory_space<vmem>>, %arg9: memref<128x128xf32, #tpu.memory_space<vmem>>, %arg10: memref<!tpu.dma_semaphore, #tpu.memory_space<semaphore_mem>>, %arg11: memref<10112x128xf32, #tpu.memory_space<vmem_shared>>) attributes {dimension_semantics = [#tpu.dimension_semantics<core_parallel>, #tpu.dimension_semantics<subcore_parallel>], iteration_bounds = array<i64: 2, 16>, scalar_prefetch = 0 : i64, scratch_operands = 5 : i64, tpu.core_type = #tpu.core_type<sc_vector_subcore>, window_params = [{transform_indices = #map}, {transform_indices = #map1}, {transform_indices = #map1}, {transform_indices = #map}, {transform_indices = #map1}]} {
    %mul3A = arith.constant 2 : i32
    %mul3A_0 = arith.muli %arg1, %mul3A : i32
    %add3A = arith.addi %mul3A_0, %arg0 : i32
    %mul3A_1 = arith.constant 632 : i32
    %mul3A_2 = arith.muli %arg1, %mul3A_1 : i32
    "tpu.region"() ({
      %run_scoped3A = tpu.sem_alloc : memref<!tpu.dma_semaphore, #tpu.memory_space<semaphore_mem>>
      %dma_start3A = arith.constant 0 : i32
      %dma_start3A_13 = tpu.memref_slice %arg11[%mul3A_2, %dma_start3A] : memref<10112x128xf32, #tpu.memory_space<vmem_shared>> -> memref<632x128xf32, #tpu.memory_space<vmem_shared>>
      tpu.enqueue_dma source(%arg5 : memref<632x128xf32, #tpu.memory_space<hbm>>) target(%dma_start3A_13 : memref<632x128xf32, #tpu.memory_space<vmem_shared>>) target_semaphore(%run_scoped3A : memref<!tpu.dma_semaphore, #tpu.memory_space<semaphore_mem>>)
      %dma_wait3A = arith.constant 0 : i32
      %dma_wait3A_14 = tpu.memref_slice %arg11[%mul3A_2, %dma_wait3A] : memref<10112x128xf32, #tpu.memory_space<vmem_shared>> -> memref<632x128xf32, #tpu.memory_space<vmem_shared>>
      tpu.wait_dma2 semaphore(%run_scoped3A : memref<!tpu.dma_semaphore, #tpu.memory_space<semaphore_mem>>) src(%arg5 : memref<632x128xf32, #tpu.memory_space<hbm>>) dst(%dma_wait3A_14 : memref<632x128xf32, #tpu.memory_space<vmem_shared>>)
      tpu.yield
    }) : () -> ()
    "tpu.region"() ({
      %run_scoped3A = tpu.sem_alloc : memref<!tpu.dma_semaphore, #tpu.memory_space<semaphore_mem>>
      %dma_start3A = arith.constant 0 : i32
      %dma_start3A_13 = arith.constant 0 : i32
      %dma_start3A_14 = tpu.memref_slice %arg3[%add3A, %dma_start3A, %dma_start3A_13] : memref<32x79x128xi32, #tpu.memory_space<hbm>> -> memref<1x79x128xi32, #tpu.memory_space<hbm>>
      %dma_start3A_15 = tpu.memref_squeeze %dma_start3A_14 : memref<1x79x128xi32, #tpu.memory_space<hbm>> -> memref<79x128xi32, #tpu.memory_space<hbm>>
      %dma_start3A_16 = arith.constant 0 : i32
      %dma_start3A_17 = arith.constant 0 : i32
      %dma_start3A_18 = tpu.memref_slice %arg3[%add3A, %dma_start3A_16, %dma_start3A_17] : memref<32x79x128xi32, #tpu.memory_space<hbm>> -> memref<1x79x128xi32, #tpu.memory_space<hbm>>
      %dma_start3A_19 = tpu.memref_squeeze %dma_start3A_18 : memref<1x79x128xi32, #tpu.memory_space<hbm>> -> memref<79x128xi32, #tpu.memory_space<hbm>>
      tpu.enqueue_dma source(%dma_start3A_19 : memref<79x128xi32, #tpu.memory_space<hbm>>) target(%arg7 : memref<79x128xi32, #tpu.memory_space<vmem>>) target_semaphore(%run_scoped3A : memref<!tpu.dma_semaphore, #tpu.memory_space<semaphore_mem>>)
      %dma_wait3A = arith.constant 0 : i32
      %dma_wait3A_20 = arith.constant 0 : i32
      %dma_wait3A_21 = tpu.memref_slice %arg3[%add3A, %dma_wait3A, %dma_wait3A_20] : memref<32x79x128xi32, #tpu.memory_space<hbm>> -> memref<1x79x128xi32, #tpu.memory_space<hbm>>
      %dma_wait3A_22 = tpu.memref_squeeze %dma_wait3A_21 : memref<1x79x128xi32, #tpu.memory_space<hbm>> -> memref<79x128xi32, #tpu.memory_space<hbm>>
      %dma_wait3A_23 = arith.constant 0 : i32
      %dma_wait3A_24 = arith.constant 0 : i32
      %dma_wait3A_25 = tpu.memref_slice %arg3[%add3A, %dma_wait3A_23, %dma_wait3A_24] : memref<32x79x128xi32, #tpu.memory_space<hbm>> -> memref<1x79x128xi32, #tpu.memory_space<hbm>>
      %dma_wait3A_26 = tpu.memref_squeeze %dma_wait3A_25 : memref<1x79x128xi32, #tpu.memory_space<hbm>> -> memref<79x128xi32, #tpu.memory_space<hbm>>
      tpu.wait_dma2 semaphore(%run_scoped3A : memref<!tpu.dma_semaphore, #tpu.memory_space<semaphore_mem>>) src(%dma_wait3A_26 : memref<79x128xi32, #tpu.memory_space<hbm>>) dst(%arg7 : memref<79x128xi32, #tpu.memory_space<vmem>>)
      tpu.yield
    }) : () -> ()
    "tpu.region"() ({
      %run_scoped3A = tpu.sem_alloc : memref<!tpu.dma_semaphore, #tpu.memory_space<semaphore_mem>>
      %dma_start3A = arith.constant 0 : i32
      %dma_start3A_13 = arith.constant 0 : i32
      %dma_start3A_14 = tpu.memref_slice %arg4[%add3A, %dma_start3A, %dma_start3A_13] : memref<32x79x128xi32, #tpu.memory_space<hbm>> -> memref<1x79x128xi32, #tpu.memory_space<hbm>>
      %dma_start3A_15 = tpu.memref_squeeze %dma_start3A_14 : memref<1x79x128xi32, #tpu.memory_space<hbm>> -> memref<79x128xi32, #tpu.memory_space<hbm>>
      %dma_start3A_16 = arith.constant 0 : i32
      %dma_start3A_17 = arith.constant 0 : i32
      %dma_start3A_18 = tpu.memref_slice %arg4[%add3A, %dma_start3A_16, %dma_start3A_17] : memref<32x79x128xi32, #tpu.memory_space<hbm>> -> memref<1x79x128xi32, #tpu.memory_space<hbm>>
      %dma_start3A_19 = tpu.memref_squeeze %dma_start3A_18 : memref<1x79x128xi32, #tpu.memory_space<hbm>> -> memref<79x128xi32, #tpu.memory_space<hbm>>
      tpu.enqueue_dma source(%dma_start3A_19 : memref<79x128xi32, #tpu.memory_space<hbm>>) target(%arg8 : memref<79x128xi32, #tpu.memory_space<vmem>>) target_semaphore(%run_scoped3A : memref<!tpu.dma_semaphore, #tpu.memory_space<semaphore_mem>>)
      %dma_wait3A = arith.constant 0 : i32
      %dma_wait3A_20 = arith.constant 0 : i32
      %dma_wait3A_21 = tpu.memref_slice %arg4[%add3A, %dma_wait3A, %dma_wait3A_20] : memref<32x79x128xi32, #tpu.memory_space<hbm>> -> memref<1x79x128xi32, #tpu.memory_space<hbm>>
      %dma_wait3A_22 = tpu.memref_squeeze %dma_wait3A_21 : memref<1x79x128xi32, #tpu.memory_space<hbm>> -> memref<79x128xi32, #tpu.memory_space<hbm>>
      %dma_wait3A_23 = arith.constant 0 : i32
      %dma_wait3A_24 = arith.constant 0 : i32
      %dma_wait3A_25 = tpu.memref_slice %arg4[%add3A, %dma_wait3A_23, %dma_wait3A_24] : memref<32x79x128xi32, #tpu.memory_space<hbm>> -> memref<1x79x128xi32, #tpu.memory_space<hbm>>
      %dma_wait3A_26 = tpu.memref_squeeze %dma_wait3A_25 : memref<1x79x128xi32, #tpu.memory_space<hbm>> -> memref<79x128xi32, #tpu.memory_space<hbm>>
      tpu.wait_dma2 semaphore(%run_scoped3A : memref<!tpu.dma_semaphore, #tpu.memory_space<semaphore_mem>>) src(%dma_wait3A_26 : memref<79x128xi32, #tpu.memory_space<hbm>>) dst(%arg8 : memref<79x128xi32, #tpu.memory_space<vmem>>)
      tpu.yield
    }) : () -> ()
    %barrier3A = arith.constant 0 : index
    tpu.barrier barrier_id(%barrier3A)
    %scan3A = arith.constant 0 : i32
    %scan3A_3 = arith.constant 0 : i32
    %scan3A_4 = arith.constant 79 : i32
    %scan3A_5 = arith.addi %scan3A_3, %scan3A_4 : i32
    %scan3A_6 = arith.constant 1 : i32
    scf.for %scan3A_13 = %scan3A_3 to %scan3A_5 step %scan3A_6  : i32 {
      %dma_start3A = arith.constant 0 : i32
      %dma_start3A_14 = tpu.memref_slice %arg7[%scan3A_13, %dma_start3A] : memref<79x128xi32, #tpu.memory_space<vmem>> -> memref<1x128xi32, #tpu.memory_space<vmem>>
      %dma_start3A_15 = tpu.memref_squeeze %dma_start3A_14 : memref<1x128xi32, #tpu.memory_space<vmem>> -> memref<128xi32, #tpu.memory_space<vmem>>
      %dma_start3A_16 = arith.constant 0 : i32
      %dma_start3A_17 = arith.constant 0 : i32
      %dma_start3A_18 = tpu.memref_slice %arg2[%dma_start3A_16, %dma_start3A_17] : memref<160000x128xf32, #tpu.memory_space<hbm>> -> memref<160000x128xf32, #tpu.memory_space<hbm>>
      tpu.enqueue_indirect_dma source(%dma_start3A_18 : memref<160000x128xf32, #tpu.memory_space<hbm>>) target(%arg9 : memref<128x128xf32, #tpu.memory_space<vmem>>) offsets(%dma_start3A_15 : memref<128xi32, #tpu.memory_space<vmem>>) semaphore(%arg10 : memref<!tpu.dma_semaphore, #tpu.memory_space<semaphore_mem>>)
      %dma_wait3A = arith.constant 0 : i32
      %dma_wait3A_19 = tpu.memref_slice %arg7[%scan3A_13, %dma_wait3A] : memref<79x128xi32, #tpu.memory_space<vmem>> -> memref<1x128xi32, #tpu.memory_space<vmem>>
      %dma_wait3A_20 = tpu.memref_squeeze %dma_wait3A_19 : memref<1x128xi32, #tpu.memory_space<vmem>> -> memref<128xi32, #tpu.memory_space<vmem>>
      %dma_wait3A_21 = arith.constant 0 : i32
      %dma_wait3A_22 = arith.constant 0 : i32
      %dma_wait3A_23 = tpu.memref_slice %arg2[%dma_wait3A_21, %dma_wait3A_22] : memref<160000x128xf32, #tpu.memory_space<hbm>> -> memref<160000x128xf32, #tpu.memory_space<hbm>>
      tpu.wait_indirect_dma semaphore(%arg10 : memref<!tpu.dma_semaphore, #tpu.memory_space<semaphore_mem>>) src(%dma_wait3A_23 : memref<160000x128xf32, #tpu.memory_space<hbm>>) dst(%arg9 : memref<128x128xf32, #tpu.memory_space<vmem>>)
      "tpu.region"() ({
        %run_scoped3A = tpu.sem_alloc : memref<!tpu.dma_semaphore, #tpu.memory_space<semaphore_mem>>
        %dma_start3A_24 = arith.constant 0 : i32
        %dma_start3A_25 = tpu.memref_slice %arg8[%scan3A_13, %dma_start3A_24] : memref<79x128xi32, #tpu.memory_space<vmem>> -> memref<1x128xi32, #tpu.memory_space<vmem>>
        %dma_start3A_26 = tpu.memref_squeeze %dma_start3A_25 : memref<1x128xi32, #tpu.memory_space<vmem>> -> memref<128xi32, #tpu.memory_space<vmem>>
        %dma_start3A_27 = arith.constant 0 : i32
        %dma_start3A_28 = arith.constant 0 : i32
        %dma_start3A_29 = tpu.memref_slice %arg11[%dma_start3A_27, %dma_start3A_28] : memref<10112x128xf32, #tpu.memory_space<vmem_shared>> -> memref<10112x128xf32, #tpu.memory_space<vmem_shared>>
        tpu.enqueue_indirect_dma source(%arg9 : memref<128x128xf32, #tpu.memory_space<vmem>>) target(%dma_start3A_29 : memref<10112x128xf32, #tpu.memory_space<vmem_shared>>) offsets(%dma_start3A_26 : memref<128xi32, #tpu.memory_space<vmem>>) semaphore(%run_scoped3A : memref<!tpu.dma_semaphore, #tpu.memory_space<semaphore_mem>>) {add = true}
        %dma_wait3A_30 = arith.constant 0 : i32
        %dma_wait3A_31 = tpu.memref_slice %arg8[%scan3A_13, %dma_wait3A_30] : memref<79x128xi32, #tpu.memory_space<vmem>> -> memref<1x128xi32, #tpu.memory_space<vmem>>
        %dma_wait3A_32 = tpu.memref_squeeze %dma_wait3A_31 : memref<1x128xi32, #tpu.memory_space<vmem>> -> memref<128xi32, #tpu.memory_space<vmem>>
        %dma_wait3A_33 = arith.constant 0 : i32
        %dma_wait3A_34 = arith.constant 0 : i32
        %dma_wait3A_35 = tpu.memref_slice %arg11[%dma_wait3A_33, %dma_wait3A_34] : memref<10112x128xf32, #tpu.memory_space<vmem_shared>> -> memref<10112x128xf32, #tpu.memory_space<vmem_shared>>
        tpu.wait_indirect_dma semaphore(%run_scoped3A : memref<!tpu.dma_semaphore, #tpu.memory_space<semaphore_mem>>) src(%arg9 : memref<128x128xf32, #tpu.memory_space<vmem>>) dst(%dma_wait3A_35 : memref<10112x128xf32, #tpu.memory_space<vmem_shared>>)
        tpu.yield
      }) : () -> ()
    }
    %scan3A_7 = arith.constant 79 : i32
    %barrier3A_8 = arith.constant 0 : index
    tpu.barrier barrier_id(%barrier3A_8)
    %mul3A_9 = arith.constant 632 : i32
    %mul3A_10 = arith.muli %arg1, %mul3A_9 : i32
    %mul3A_11 = arith.constant 632 : i32
    %mul3A_12 = arith.muli %arg1, %mul3A_11 : i32
    "tpu.region"() ({
      %run_scoped3A = tpu.sem_alloc : memref<!tpu.dma_semaphore, #tpu.memory_space<semaphore_mem>>
      %dma_start3A = arith.constant 0 : i32
      %dma_start3A_13 = tpu.memref_slice %arg6[%arg0, %mul3A_12, %dma_start3A] : memref<2x10112x128xf32, #tpu.memory_space<hbm>> -> memref<1x632x128xf32, #tpu.memory_space<hbm>>
      %dma_start3A_14 = tpu.memref_squeeze %dma_start3A_13 : memref<1x632x128xf32, #tpu.memory_space<hbm>> -> memref<632x128xf32, #tpu.memory_space<hbm>>
      %dma_start3A_15 = arith.constant 0 : i32
      %dma_start3A_16 = tpu.memref_slice %arg11[%mul3A_10, %dma_start3A_15] : memref<10112x128xf32, #tpu.memory_space<vmem_shared>> -> memref<632x128xf32, #tpu.memory_space<vmem_shared>>
      tpu.enqueue_dma source(%dma_start3A_16 : memref<632x128xf32, #tpu.memory_space<vmem_shared>>) target(%dma_start3A_14 : memref<632x128xf32, #tpu.memory_space<hbm>>) target_semaphore(%run_scoped3A : memref<!tpu.dma_semaphore, #tpu.memory_space<semaphore_mem>>)
      %dma_wait3A = arith.constant 0 : i32
      %dma_wait3A_17 = tpu.memref_slice %arg6[%arg0, %mul3A_12, %dma_wait3A] : memref<2x10112x128xf32, #tpu.memory_space<hbm>> -> memref<1x632x128xf32, #tpu.memory_space<hbm>>
      %dma_wait3A_18 = tpu.memref_squeeze %dma_wait3A_17 : memref<1x632x128xf32, #tpu.memory_space<hbm>> -> memref<632x128xf32, #tpu.memory_space<hbm>>
      %dma_wait3A_19 = arith.constant 0 : i32
      %dma_wait3A_20 = tpu.memref_slice %arg11[%mul3A_10, %dma_wait3A_19] : memref<10112x128xf32, #tpu.memory_space<vmem_shared>> -> memref<632x128xf32, #tpu.memory_space<vmem_shared>>
      tpu.wait_dma2 semaphore(%run_scoped3A : memref<!tpu.dma_semaphore, #tpu.memory_space<semaphore_mem>>) src(%dma_wait3A_20 : memref<632x128xf32, #tpu.memory_space<vmem_shared>>) dst(%dma_wait3A_18 : memref<632x128xf32, #tpu.memory_space<hbm>>)
      tpu.yield
    }) : () -> ()
    return
  }
}

module attributes {stable_mosaic.version = 14 : i64} {
  func.func @_pair_body(%arg0: memref<120x128xf32, #tpu.memory_space<vmem>>, %arg1: memref<120x128xf32, #tpu.memory_space<vmem>>, %arg2: memref<14400x128xf32, #tpu.memory_space<vmem>>) attributes {dimension_semantics = [], scalar_prefetch = 0 : i64, scratch_operands = 0 : i64, tpu.core_type = #tpu.core_type<tc>} {
    %get3A = arith.constant 0 : index
    %get3A_0 = arith.constant 0 : index
    %get3A_1 = vector.load %arg0[%get3A, %get3A_0] : memref<120x128xf32, #tpu.memory_space<vmem>>, vector<120x128xf32>
    %broadcast_in_dim3A = vector.shape_cast %get3A_1 : vector<120x128xf32> to vector<120x1x128xf32>
    %get3A_2 = arith.constant 0 : index
    %get3A_3 = arith.constant 0 : index
    %get3A_4 = vector.load %arg1[%get3A_2, %get3A_3] : memref<120x128xf32, #tpu.memory_space<vmem>>, vector<120x128xf32>
    %broadcast_in_dim3A_5 = vector.shape_cast %get3A_4 : vector<120x128xf32> to vector<1x120x128xf32>
    %add3A = vector.broadcast %broadcast_in_dim3A : vector<120x1x128xf32> to vector<120x120x128xf32>
    %add3A_6 = vector.broadcast %broadcast_in_dim3A_5 : vector<1x120x128xf32> to vector<120x120x128xf32>
    %add3A_7 = arith.addf %add3A, %add3A_6 : vector<120x120x128xf32>
    %reshape3A = vector.shape_cast %add3A_7 : vector<120x120x128xf32> to vector<14400x128xf32>
    %swap3A = arith.constant 0 : index
    %swap3A_8 = arith.constant 0 : index
    %swap3A_9 = vector.load %arg2[%swap3A, %swap3A_8] : memref<14400x128xf32, #tpu.memory_space<vmem>>, vector<14400x128xf32>
    tpu.vector_store %arg2[%swap3A, %swap3A_8], %reshape3A {strides = array<i32>} : memref<14400x128xf32, #tpu.memory_space<vmem>>, vector<14400x128xf32>,
    return
  }
}

module attributes {stable_mosaic.version = 14 : i64} {
  func.func @_prep_body(%arg0: memref<2528x128xi32, #tpu.memory_space<vmem>>, %arg1: memref<2528x128xi32, #tpu.memory_space<vmem>>, %arg2: memref<2528x128xi32, #tpu.memory_space<vmem>>, %arg3: memref<96x128xi32, #tpu.memory_space<vmem>>, %arg4: memref<96x128xi32, #tpu.memory_space<vmem>>, %arg5: memref<2528x128xi32, #tpu.memory_space<vmem>>, %arg6: memref<96x128xi32, #tpu.memory_space<vmem>>) attributes {dimension_semantics = [], scalar_prefetch = 0 : i64, scratch_operands = 0 : i64, tpu.core_type = #tpu.core_type<tc>} {
    %get3A = arith.constant 0 : index
    %get3A_0 = arith.constant 0 : index
    %get3A_1 = vector.load %arg0[%get3A, %get3A_0] : memref<2528x128xi32, #tpu.memory_space<vmem>>, vector<2528x128xi32>
    %mul3A = arith.constant 4 : i32
    %mul3A_2 = vector.broadcast %mul3A : i32 to vector<2528x128xi32>
    %mul3A_3 = arith.muli %get3A_1, %mul3A_2 : vector<2528x128xi32>
    %get3A_4 = arith.constant 0 : index
    %get3A_5 = arith.constant 0 : index
    %get3A_6 = vector.load %arg1[%get3A_4, %get3A_5] : memref<2528x128xi32, #tpu.memory_space<vmem>>, vector<2528x128xi32>
    %add3A = arith.addi %mul3A_3, %get3A_6 : vector<2528x128xi32>
    %mul3A_7 = arith.constant 10000 : i32
    %mul3A_8 = vector.broadcast %mul3A_7 : i32 to vector<2528x128xi32>
    %mul3A_9 = arith.muli %add3A, %mul3A_8 : vector<2528x128xi32>
    %get3A_10 = arith.constant 0 : index
    %get3A_11 = arith.constant 0 : index
    %get3A_12 = vector.load %arg2[%get3A_10, %get3A_11] : memref<2528x128xi32, #tpu.memory_space<vmem>>, vector<2528x128xi32>
    %add3A_13 = arith.addi %mul3A_9, %get3A_12 : vector<2528x128xi32>
    %swap3A = arith.constant 0 : index
    %swap3A_14 = arith.constant 0 : index
    %swap3A_15 = vector.load %arg5[%swap3A, %swap3A_14] : memref<2528x128xi32, #tpu.memory_space<vmem>>, vector<2528x128xi32>
    tpu.vector_store %arg5[%swap3A, %swap3A_14], %add3A_13 {strides = array<i32>} : memref<2528x128xi32, #tpu.memory_space<vmem>>, vector<2528x128xi32>,
    %get3A_16 = arith.constant 0 : index
    %get3A_17 = arith.constant 0 : index
    %get3A_18 = vector.load %arg3[%get3A_16, %get3A_17] : memref<96x128xi32, #tpu.memory_space<vmem>>, vector<96x128xi32>
    %mul3A_19 = arith.constant 120 : i32
    %mul3A_20 = vector.broadcast %mul3A_19 : i32 to vector<96x128xi32>
    %mul3A_21 = arith.muli %get3A_18, %mul3A_20 : vector<96x128xi32>
    %get3A_22 = arith.constant 0 : index
    %get3A_23 = arith.constant 0 : index
    %get3A_24 = vector.load %arg4[%get3A_22, %get3A_23] : memref<96x128xi32, #tpu.memory_space<vmem>>, vector<96x128xi32>
    %add3A_25 = arith.addi %mul3A_21, %get3A_24 : vector<96x128xi32>
    %swap3A_26 = arith.constant 0 : index
    %swap3A_27 = arith.constant 0 : index
    %swap3A_28 = vector.load %arg6[%swap3A_26, %swap3A_27] : memref<96x128xi32, #tpu.memory_space<vmem>>, vector<96x128xi32>
    tpu.vector_store %arg6[%swap3A_26, %swap3A_27], %add3A_25 {strides = array<i32>} : memref<96x128xi32, #tpu.memory_space<vmem>>, vector<96x128xi32>,
    return
  }
}

module attributes {stable_mosaic.version = 14 : i64} {
  func.func @_hcat_body(%arg0: i32, %arg1: i32, %arg2: memref<1000x128xf32, #tpu.memory_space<vmem>>, %arg3: memref<8x128xf32, #tpu.memory_space<vmem>>, %arg4: memref<8x128xf32, #tpu.memory_space<vmem>>, %arg5: memref<1000x128xf32, #tpu.memory_space<vmem>>) attributes {dimension_semantics = [#tpu.dimension_semantics<arbitrary>, #tpu.dimension_semantics<arbitrary>], iteration_bounds = array<i64: 10, 16>, scalar_prefetch = 0 : i64, scratch_operands = 0 : i64, tpu.core_type = #tpu.core_type<tc>, window_params = [{transform_indices = @transform_0, window_bounds = array<i64: 1000, 128>}, {pipeline_mode = #tpu.pipeline_mode<synchronous>, transform_indices = @transform_1, window_bounds = array<i64: 8, 128>}, {pipeline_mode = #tpu.pipeline_mode<synchronous>, transform_indices = @transform_2, window_bounds = array<i64: 8, 128>}, {transform_indices = @transform_3, window_bounds = array<i64: 1000, 128>}]} {
    %jit3A = arith.constant 4 : i32
    %div3A = arith.divsi %arg1, %jit3A : i32
    %sign3A = arith.constant 0 : i32
    %sign3A_0 = arith.cmpi sgt, %arg1, %sign3A : i32
    %sign3A_1 = arith.extui %sign3A_0 : i1 to i32
    %sign3A_2 = arith.constant 0 : i32
    %sign3A_3 = arith.cmpi slt, %arg1, %sign3A_2 : i32
    %sign3A_4 = arith.extui %sign3A_3 : i1 to i32
    %sign3A_5 = arith.subi %sign3A_1, %sign3A_4 : i32
    %sign3A_6 = arith.constant 0 : i32
    %sign3A_7 = arith.cmpi sgt, %jit3A, %sign3A_6 : i32
    %sign3A_8 = arith.extui %sign3A_7 : i1 to i32
    %sign3A_9 = arith.constant 0 : i32
    %sign3A_10 = arith.cmpi slt, %jit3A, %sign3A_9 : i32
    %sign3A_11 = arith.extui %sign3A_10 : i1 to i32
    %sign3A_12 = arith.subi %sign3A_8, %sign3A_11 : i32
    %ne3A = arith.cmpi ne, %sign3A_5, %sign3A_12 : i32
    %rem3A = arith.remsi %arg1, %jit3A : i32
    %ne3A_13 = arith.constant 0 : i32
    %ne3A_14 = arith.cmpi ne, %rem3A, %ne3A_13 : i32
    %and3A = arith.andi %ne3A, %ne3A_14 : i1
    %sub3A = arith.constant 1 : i32
    %sub3A_15 = arith.subi %div3A, %sub3A : i32
    %select_n3A = arith.select %and3A, %sub3A_15, %div3A : i32
    %get3A = arith.index_cast %select_n3A : i32 to index
    %get3A_16 = arith.constant 0 : index
    %get3A_17 = vector.load %arg3[%get3A, %get3A_16] : memref<8x128xf32, #tpu.memory_space<vmem>>, vector<1x128xf32>
    %jit3A_18 = arith.constant 4 : i32
    %eq3A = arith.constant 0 : i32
    %eq3A_19 = arith.cmpi eq, %jit3A_18, %eq3A : i32
    %jit3A_20 = arith.constant 1 : i32
    %select_n3A_21 = arith.select %eq3A_19, %jit3A_20, %jit3A_18 : i32
    %rem3A_22 = arith.remsi %arg1, %select_n3A_21 : i32
    %ne3A_23 = arith.constant 0 : i32
    %ne3A_24 = arith.cmpi ne, %rem3A_22, %ne3A_23 : i32
    %lt3A = arith.constant 0 : i32
    %lt3A_25 = arith.cmpi slt, %rem3A_22, %lt3A : i32
    %lt3A_26 = arith.constant 0 : i32
    %lt3A_27 = arith.cmpi slt, %select_n3A_21, %lt3A_26 : i32
    %ne3A_28 = arith.xori %lt3A_25, %lt3A_27 : i1
    %and3A_29 = arith.andi %ne3A_28, %ne3A_24 : i1
    %add3A = arith.addi %rem3A_22, %select_n3A_21 : i32
    %select_n3A_30 = arith.select %and3A_29, %add3A, %rem3A_22 : i32
    %get3A_31 = arith.index_cast %select_n3A_30 : i32 to index
    %get3A_32 = arith.constant 0 : index
    %get3A_33 = vector.load %arg4[%get3A_31, %get3A_32] : memref<8x128xf32, #tpu.memory_space<vmem>>, vector<1x128xf32>
    %add3A_34 = arith.addf %get3A_17, %get3A_33 : vector<1x128xf32>
    %get3A_35 = arith.constant 0 : index
    %get3A_36 = arith.constant 0 : index
    %get3A_37 = vector.load %arg2[%get3A_35, %get3A_36] : memref<1000x128xf32, #tpu.memory_space<vmem>>, vector<1000x128xf32>
    %add3A_38 = vector.broadcast %add3A_34 : vector<1x128xf32> to vector<1000x128xf32>
    %add3A_39 = arith.addf %get3A_37, %add3A_38 : vector<1000x128xf32>
    %max3A = arith.constant 0.000000e+00 : f32
    %max3A_40 = vector.broadcast %max3A : f32 to vector<1000x128xf32>
    %max3A_41 = arith.maximumf %add3A_39, %max3A_40 : vector<1000x128xf32>
    %swap3A = arith.constant 0 : index
    %swap3A_42 = arith.constant 0 : index
    %swap3A_43 = vector.load %arg5[%swap3A, %swap3A_42] : memref<1000x128xf32, #tpu.memory_space<vmem>>, vector<1000x128xf32>
    tpu.vector_store %arg5[%swap3A, %swap3A_42], %max3A_41 {strides = array<i32>} : memref<1000x128xf32, #tpu.memory_space<vmem>>, vector<1000x128xf32>,
    return
  }
  func.func @transform_0(%arg0: i32, %arg1: i32) -> (i32, i32) {
    %c0_i32 = arith.constant 0 : i32
    %c0_i32_0 = arith.constant 0 : i32
    return %arg0, %c0_i32 : i32, i32
  }
  func.func @transform_1(%arg0: i32, %arg1: i32) -> (i32, i32) {
    %c0_i32 = arith.constant 0 : i32
    %c0_i32_0 = arith.constant 0 : i32
    %c0_i32_1 = arith.constant 0 : i32
    return %c0_i32, %c0_i32_0 : i32, i32
  }
  func.func @transform_2(%arg0: i32, %arg1: i32) -> (i32, i32) {
    %c0_i32 = arith.constant 0 : i32
    %c0_i32_0 = arith.constant 0 : i32
    %c0_i32_1 = arith.constant 0 : i32
    return %c0_i32, %c0_i32_0 : i32, i32
  }
  func.func @transform_3(%arg0: i32, %arg1: i32) -> (i32, i32) {
    %mul3A = arith.constant 10 : i32
    %mul3A_0 = arith.muli %arg1, %mul3A : i32
    %add3A = arith.addi %mul3A_0, %arg0 : i32
    %c0_i32 = arith.constant 0 : i32
    %c0_i32_1 = arith.constant 0 : i32
    return %add3A, %c0_i32 : i32, i32
  }
}

module attributes {stable_mosaic.version = 14 : i64} {
  func.func @_mlp_body(%arg0: i32, %arg1: memref<1000x128xf32, #tpu.memory_space<vmem>>, %arg2: memref<1000x128xf32, #tpu.memory_space<vmem>>, %arg3: memref<1000x128xf32, #tpu.memory_space<vmem>>, %arg4: memref<128x256xf32, #tpu.memory_space<vmem>>, %arg5: memref<1x256xf32, #tpu.memory_space<vmem>>, %arg6: memref<256x128xf32, #tpu.memory_space<vmem>>, %arg7: memref<1x128xf32, #tpu.memory_space<vmem>>, %arg8: memref<1000x128xf32, #tpu.memory_space<vmem>>) attributes {dimension_semantics = [#tpu.dimension_semantics<arbitrary>], iteration_bounds = array<i64: 10>, scalar_prefetch = 0 : i64, scratch_operands = 0 : i64, tpu.core_type = #tpu.core_type<tc>, window_params = [{transform_indices = @transform_0, window_bounds = array<i64: 1000, 128>}, {transform_indices = @transform_1, window_bounds = array<i64: 1000, 128>}, {transform_indices = @transform_2, window_bounds = array<i64: 1000, 128>}, {pipeline_mode = #tpu.pipeline_mode<synchronous>, transform_indices = @transform_3, window_bounds = array<i64: 128, 256>}, {pipeline_mode = #tpu.pipeline_mode<synchronous>, transform_indices = @transform_4, window_bounds = array<i64: 1, 256>}, {pipeline_mode = #tpu.pipeline_mode<synchronous>, transform_indices = @transform_5, window_bounds = array<i64: 256, 128>}, {pipeline_mode = #tpu.pipeline_mode<synchronous>, transform_indices = @transform_6, window_bounds = array<i64: 1, 128>}, {transform_indices = @transform_7, window_bounds = array<i64: 1000, 128>}]} {
    %get3A = arith.constant 0 : index
    %get3A_0 = arith.constant 0 : index
    %get3A_1 = vector.load %arg1[%get3A, %get3A_0] : memref<1000x128xf32, #tpu.memory_space<vmem>>, vector<1000x128xf32>
    %get3A_2 = arith.constant 0 : index
    %get3A_3 = arith.constant 0 : index
    %get3A_4 = vector.load %arg2[%get3A_2, %get3A_3] : memref<1000x128xf32, #tpu.memory_space<vmem>>, vector<1000x128xf32>
    %add3A = arith.addf %get3A_1, %get3A_4 : vector<1000x128xf32>
    %get3A_5 = arith.constant 0 : index
    %get3A_6 = arith.constant 0 : index
    %get3A_7 = vector.load %arg3[%get3A_5, %get3A_6] : memref<1000x128xf32, #tpu.memory_space<vmem>>, vector<1000x128xf32>
    %add3A_8 = arith.addf %add3A, %get3A_7 : vector<1000x128xf32>
    %get3A_9 = arith.constant 0 : index
    %get3A_10 = arith.constant 0 : index
    %get3A_11 = vector.load %arg4[%get3A_9, %get3A_10] : memref<128x256xf32, #tpu.memory_space<vmem>>, vector<128x256xf32>
    %dot_general3A = arith.constant dense<0.000000e+00> : vector<1000x256xf32>
    %dot_general3A_12 = tpu.matmul %add3A_8, %get3A_11, %dot_general3A {dimension_numbers = #tpu.dot_dimension_numbers<[1], [0], [0], [1], [0, 0, 1, 1], [], []>, transpose_lhs_hint = false} : vector<1000x128xf32>, vector<128x256xf32>, vector<1000x256xf32> -> vector<1000x256xf32>
    %get3A_13 = arith.constant 0 : index
    %get3A_14 = arith.constant 0 : index
    %get3A_15 = vector.load %arg5[%get3A_13, %get3A_14] : memref<1x256xf32, #tpu.memory_space<vmem>>, vector<1x256xf32>
    %add3A_16 = vector.broadcast %get3A_15 : vector<1x256xf32> to vector<1000x256xf32>
    %add3A_17 = arith.addf %dot_general3A_12, %add3A_16 : vector<1000x256xf32>
    %max3A = arith.constant 0.000000e+00 : f32
    %max3A_18 = vector.broadcast %max3A : f32 to vector<1000x256xf32>
    %max3A_19 = arith.maximumf %add3A_17, %max3A_18 : vector<1000x256xf32>
    %get3A_20 = arith.constant 0 : index
    %get3A_21 = arith.constant 0 : index
    %get3A_22 = vector.load %arg6[%get3A_20, %get3A_21] : memref<256x128xf32, #tpu.memory_space<vmem>>, vector<256x128xf32>
    %dot_general3A_23 = arith.constant dense<0.000000e+00> : vector<1000x128xf32>
    %dot_general3A_24 = tpu.matmul %max3A_19, %get3A_22, %dot_general3A_23 {dimension_numbers = #tpu.dot_dimension_numbers<[1], [0], [0], [1], [0, 0, 1, 1], [], []>, transpose_lhs_hint = false} : vector<1000x256xf32>, vector<256x128xf32>, vector<1000x128xf32> -> vector<1000x128xf32>
    %get3A_25 = arith.constant 0 : index
    %get3A_26 = arith.constant 0 : index
    %get3A_27 = vector.load %arg7[%get3A_25, %get3A_26] : memref<1x128xf32, #tpu.memory_space<vmem>>, vector<1x128xf32>
    %add3A_28 = vector.broadcast %get3A_27 : vector<1x128xf32> to vector<1000x128xf32>
    %add3A_29 = arith.addf %dot_general3A_24, %add3A_28 : vector<1000x128xf32>
    %max3A_30 = arith.constant 0.000000e+00 : f32
    %max3A_31 = vector.broadcast %max3A_30 : f32 to vector<1000x128xf32>
    %max3A_32 = arith.maximumf %add3A_29, %max3A_31 : vector<1000x128xf32>
    %swap3A = arith.constant 0 : index
    %swap3A_33 = arith.constant 0 : index
    %swap3A_34 = vector.load %arg8[%swap3A, %swap3A_33] : memref<1000x128xf32, #tpu.memory_space<vmem>>, vector<1000x128xf32>
    tpu.vector_store %arg8[%swap3A, %swap3A_33], %max3A_32 {strides = array<i32>} : memref<1000x128xf32, #tpu.memory_space<vmem>>, vector<1000x128xf32>,
    return
  }
  func.func @transform_0(%arg0: i32) -> (i32, i32) {
    %c0_i32 = arith.constant 0 : i32
    %c0_i32_0 = arith.constant 0 : i32
    return %arg0, %c0_i32 : i32, i32
  }
  func.func @transform_1(%arg0: i32) -> (i32, i32) {
    %c0_i32 = arith.constant 0 : i32
    %c0_i32_0 = arith.constant 0 : i32
    return %arg0, %c0_i32 : i32, i32
  }
  func.func @transform_2(%arg0: i32) -> (i32, i32) {
    %c0_i32 = arith.constant 0 : i32
    %c0_i32_0 = arith.constant 0 : i32
    return %arg0, %c0_i32 : i32, i32
  }
  func.func @transform_3(%arg0: i32) -> (i32, i32) {
    %c0_i32 = arith.constant 0 : i32
    %c0_i32_0 = arith.constant 0 : i32
    %c0_i32_1 = arith.constant 0 : i32
    return %c0_i32, %c0_i32_0 : i32, i32
  }
  func.func @transform_4(%arg0: i32) -> (i32, i32) {
    %c0_i32 = arith.constant 0 : i32
    %c0_i32_0 = arith.constant 0 : i32
    %c0_i32_1 = arith.constant 0 : i32
    return %c0_i32, %c0_i32_0 : i32, i32
  }
  func.func @transform_5(%arg0: i32) -> (i32, i32) {
    %c0_i32 = arith.constant 0 : i32
    %c0_i32_0 = arith.constant 0 : i32
    %c0_i32_1 = arith.constant 0 : i32
    return %c0_i32, %c0_i32_0 : i32, i32
  }
  func.func @transform_6(%arg0: i32) -> (i32, i32) {
    %c0_i32 = arith.constant 0 : i32
    %c0_i32_0 = arith.constant 0 : i32
    %c0_i32_1 = arith.constant 0 : i32
    return %c0_i32, %c0_i32_0 : i32, i32
  }
  func.func @transform_7(%arg0: i32) -> (i32, i32) {
    %c0_i32 = arith.constant 0 : i32
    %c0_i32_0 = arith.constant 0 : i32
    return %arg0, %c0_i32 : i32, i32
  }
}

module attributes {stable_mosaic.version = 14 : i64} {
  func.func @_mlp_mask_body(%arg0: i32, %arg1: memref<1000x128xf32, #tpu.memory_space<vmem>>, %arg2: memref<1000x128xf32, #tpu.memory_space<vmem>>, %arg3: memref<1000x128xf32, #tpu.memory_space<vmem>>, %arg4: memref<128x256xf32, #tpu.memory_space<vmem>>, %arg5: memref<1x256xf32, #tpu.memory_space<vmem>>, %arg6: memref<256x128xf32, #tpu.memory_space<vmem>>, %arg7: memref<1x128xf32, #tpu.memory_space<vmem>>, %arg8: memref<1000x1xi32, #tpu.memory_space<vmem>>, %arg9: memref<1x128xf32, #tpu.memory_space<vmem>>, %arg10: memref<1000x128xf32, #tpu.memory_space<vmem>>) attributes {dimension_semantics = [#tpu.dimension_semantics<arbitrary>], iteration_bounds = array<i64: 10>, scalar_prefetch = 0 : i64, scratch_operands = 0 : i64, tpu.core_type = #tpu.core_type<tc>, window_params = [{transform_indices = @transform_0, window_bounds = array<i64: 1000, 128>}, {transform_indices = @transform_1, window_bounds = array<i64: 1000, 128>}, {transform_indices = @transform_2, window_bounds = array<i64: 1000, 128>}, {pipeline_mode = #tpu.pipeline_mode<synchronous>, transform_indices = @transform_3, window_bounds = array<i64: 128, 256>}, {pipeline_mode = #tpu.pipeline_mode<synchronous>, transform_indices = @transform_4, window_bounds = array<i64: 1, 256>}, {pipeline_mode = #tpu.pipeline_mode<synchronous>, transform_indices = @transform_5, window_bounds = array<i64: 256, 128>}, {pipeline_mode = #tpu.pipeline_mode<synchronous>, transform_indices = @transform_6, window_bounds = array<i64: 1, 128>}, {transform_indices = @transform_7, window_bounds = array<i64: 1000, 1>}, {pipeline_mode = #tpu.pipeline_mode<synchronous>, transform_indices = @transform_8, window_bounds = array<i64: 1, 128>}, {transform_indices = @transform_9, window_bounds = array<i64: 1000, 128>}]} {
    %get3A = arith.constant 0 : index
    %get3A_0 = arith.constant 0 : index
    %get3A_1 = vector.load %arg1[%get3A, %get3A_0] : memref<1000x128xf32, #tpu.memory_space<vmem>>, vector<1000x128xf32>
    %get3A_2 = arith.constant 0 : index
    %get3A_3 = arith.constant 0 : index
    %get3A_4 = vector.load %arg2[%get3A_2, %get3A_3] : memref<1000x128xf32, #tpu.memory_space<vmem>>, vector<1000x128xf32>
    %add3A = arith.addf %get3A_1, %get3A_4 : vector<1000x128xf32>
    %get3A_5 = arith.constant 0 : index
    %get3A_6 = arith.constant 0 : index
    %get3A_7 = vector.load %arg3[%get3A_5, %get3A_6] : memref<1000x128xf32, #tpu.memory_space<vmem>>, vector<1000x128xf32>
    %add3A_8 = arith.addf %add3A, %get3A_7 : vector<1000x128xf32>
    %get3A_9 = arith.constant 0 : index
    %get3A_10 = arith.constant 0 : index
    %get3A_11 = vector.load %arg4[%get3A_9, %get3A_10] : memref<128x256xf32, #tpu.memory_space<vmem>>, vector<128x256xf32>
    %dot_general3A = arith.constant dense<0.000000e+00> : vector<1000x256xf32>
    %dot_general3A_12 = tpu.matmul %add3A_8, %get3A_11, %dot_general3A {dimension_numbers = #tpu.dot_dimension_numbers<[1], [0], [0], [1], [0, 0, 1, 1], [], []>, transpose_lhs_hint = false} : vector<1000x128xf32>, vector<128x256xf32>, vector<1000x256xf32> -> vector<1000x256xf32>
    %get3A_13 = arith.constant 0 : index
    %get3A_14 = arith.constant 0 : index
    %get3A_15 = vector.load %arg5[%get3A_13, %get3A_14] : memref<1x256xf32, #tpu.memory_space<vmem>>, vector<1x256xf32>
    %add3A_16 = vector.broadcast %get3A_15 : vector<1x256xf32> to vector<1000x256xf32>
    %add3A_17 = arith.addf %dot_general3A_12, %add3A_16 : vector<1000x256xf32>
    %max3A = arith.constant 0.000000e+00 : f32
    %max3A_18 = vector.broadcast %max3A : f32 to vector<1000x256xf32>
    %max3A_19 = arith.maximumf %add3A_17, %max3A_18 : vector<1000x256xf32>
    %get3A_20 = arith.constant 0 : index
    %get3A_21 = arith.constant 0 : index
    %get3A_22 = vector.load %arg6[%get3A_20, %get3A_21] : memref<256x128xf32, #tpu.memory_space<vmem>>, vector<256x128xf32>
    %dot_general3A_23 = arith.constant dense<0.000000e+00> : vector<1000x128xf32>
    %dot_general3A_24 = tpu.matmul %max3A_19, %get3A_22, %dot_general3A_23 {dimension_numbers = #tpu.dot_dimension_numbers<[1], [0], [0], [1], [0, 0, 1, 1], [], []>, transpose_lhs_hint = false} : vector<1000x256xf32>, vector<256x128xf32>, vector<1000x128xf32> -> vector<1000x128xf32>
    %get3A_25 = arith.constant 0 : index
    %get3A_26 = arith.constant 0 : index
    %get3A_27 = vector.load %arg7[%get3A_25, %get3A_26] : memref<1x128xf32, #tpu.memory_space<vmem>>, vector<1x128xf32>
    %add3A_28 = vector.broadcast %get3A_27 : vector<1x128xf32> to vector<1000x128xf32>
    %add3A_29 = arith.addf %dot_general3A_24, %add3A_28 : vector<1000x128xf32>
    %get3A_30 = arith.constant 0 : index
    %get3A_31 = arith.constant 0 : index
    %get3A_32 = vector.load %arg8[%get3A_30, %get3A_31] : memref<1000x1xi32, #tpu.memory_space<vmem>>, vector<1000x1xi32>
    %gt3A = arith.constant 0 : i32
    %gt3A_33 = vector.broadcast %gt3A : i32 to vector<1000x1xi32>
    %gt3A_34 = arith.cmpi sgt, %get3A_32, %gt3A_33 : vector<1000x1xi32>
    %get3A_35 = arith.constant 0 : index
    %get3A_36 = arith.constant 0 : index
    %get3A_37 = vector.load %arg9[%get3A_35, %get3A_36] : memref<1x128xf32, #tpu.memory_space<vmem>>, vector<1x128xf32>
    %broadcast_in_dim3A = vector.shape_cast %gt3A_34 : vector<1000x1xi1> to vector<1000x1xi1>
    %broadcast_in_dim3A_38 = vector.broadcast %broadcast_in_dim3A : vector<1000x1xi1> to vector<1000x128xi1>
    %broadcast_in_dim3A_39 = vector.shape_cast %get3A_37 : vector<1x128xf32> to vector<1x128xf32>
    %broadcast_in_dim3A_40 = vector.broadcast %broadcast_in_dim3A_39 : vector<1x128xf32> to vector<1000x128xf32>
    %select_n3A = arith.select %broadcast_in_dim3A_38, %broadcast_in_dim3A_40, %add3A_29 : vector<1000x128xi1>, vector<1000x128xf32>
    %swap3A = arith.constant 0 : index
    %swap3A_41 = arith.constant 0 : index
    %swap3A_42 = vector.load %arg10[%swap3A, %swap3A_41] : memref<1000x128xf32, #tpu.memory_space<vmem>>, vector<1000x128xf32>
    tpu.vector_store %arg10[%swap3A, %swap3A_41], %select_n3A {strides = array<i32>} : memref<1000x128xf32, #tpu.memory_space<vmem>>, vector<1000x128xf32>,
    return
  }
  func.func @transform_0(%arg0: i32) -> (i32, i32) {
    %c0_i32 = arith.constant 0 : i32
    %c0_i32_0 = arith.constant 0 : i32
    return %arg0, %c0_i32 : i32, i32
  }
  func.func @transform_1(%arg0: i32) -> (i32, i32) {
    %c0_i32 = arith.constant 0 : i32
    %c0_i32_0 = arith.constant 0 : i32
    return %arg0, %c0_i32 : i32, i32
  }
  func.func @transform_2(%arg0: i32) -> (i32, i32) {
    %c0_i32 = arith.constant 0 : i32
    %c0_i32_0 = arith.constant 0 : i32
    return %arg0, %c0_i32 : i32, i32
  }
  func.func @transform_3(%arg0: i32) -> (i32, i32) {
    %c0_i32 = arith.constant 0 : i32
    %c0_i32_0 = arith.constant 0 : i32
    %c0_i32_1 = arith.constant 0 : i32
    return %c0_i32, %c0_i32_0 : i32, i32
  }
  func.func @transform_4(%arg0: i32) -> (i32, i32) {
    %c0_i32 = arith.constant 0 : i32
    %c0_i32_0 = arith.constant 0 : i32
    %c0_i32_1 = arith.constant 0 : i32
    return %c0_i32, %c0_i32_0 : i32, i32
  }
  func.func @transform_5(%arg0: i32) -> (i32, i32) {
    %c0_i32 = arith.constant 0 : i32
    %c0_i32_0 = arith.constant 0 : i32
    %c0_i32_1 = arith.constant 0 : i32
    return %c0_i32, %c0_i32_0 : i32, i32
  }
  func.func @transform_6(%arg0: i32) -> (i32, i32) {
    %c0_i32 = arith.constant 0 : i32
    %c0_i32_0 = arith.constant 0 : i32
    %c0_i32_1 = arith.constant 0 : i32
    return %c0_i32, %c0_i32_0 : i32, i32
  }
  func.func @transform_7(%arg0: i32) -> (i32, i32) {
    %c0_i32 = arith.constant 0 : i32
    %c0_i32_0 = arith.constant 0 : i32
    return %arg0, %c0_i32 : i32, i32
  }
  func.func @transform_8(%arg0: i32) -> (i32, i32) {
    %c0_i32 = arith.constant 0 : i32
    %c0_i32_0 = arith.constant 0 : i32
    %c0_i32_1 = arith.constant 0 : i32
    return %c0_i32, %c0_i32_0 : i32, i32
  }
  func.func @transform_9(%arg0: i32) -> (i32, i32) {
    %c0_i32 = arith.constant 0 : i32
    %c0_i32_0 = arith.constant 0 : i32
    return %arg0, %c0_i32 : i32, i32
  }
}

module attributes {stable_mosaic.version = 14 : i64} {
  func.func @_mlp_body(%arg0: i32, %arg1: memref<1000x128xf32, #tpu.memory_space<vmem>>, %arg2: memref<1000x128xf32, #tpu.memory_space<vmem>>, %arg3: memref<1000x128xf32, #tpu.memory_space<vmem>>, %arg4: memref<128x256xf32, #tpu.memory_space<vmem>>, %arg5: memref<1x256xf32, #tpu.memory_space<vmem>>, %arg6: memref<256x128xf32, #tpu.memory_space<vmem>>, %arg7: memref<1x128xf32, #tpu.memory_space<vmem>>, %arg8: memref<1000x128xf32, #tpu.memory_space<vmem>>) attributes {dimension_semantics = [#tpu.dimension_semantics<arbitrary>], iteration_bounds = array<i64: 10>, scalar_prefetch = 0 : i64, scratch_operands = 0 : i64, tpu.core_type = #tpu.core_type<tc>, window_params = [{transform_indices = @transform_0, window_bounds = array<i64: 1000, 128>}, {transform_indices = @transform_1, window_bounds = array<i64: 1000, 128>}, {transform_indices = @transform_2, window_bounds = array<i64: 1000, 128>}, {pipeline_mode = #tpu.pipeline_mode<synchronous>, transform_indices = @transform_3, window_bounds = array<i64: 128, 256>}, {pipeline_mode = #tpu.pipeline_mode<synchronous>, transform_indices = @transform_4, window_bounds = array<i64: 1, 256>}, {pipeline_mode = #tpu.pipeline_mode<synchronous>, transform_indices = @transform_5, window_bounds = array<i64: 256, 128>}, {pipeline_mode = #tpu.pipeline_mode<synchronous>, transform_indices = @transform_6, window_bounds = array<i64: 1, 128>}, {transform_indices = @transform_7, window_bounds = array<i64: 1000, 128>}]} {
    %get3A = arith.constant 0 : index
    %get3A_0 = arith.constant 0 : index
    %get3A_1 = vector.load %arg1[%get3A, %get3A_0] : memref<1000x128xf32, #tpu.memory_space<vmem>>, vector<1000x128xf32>
    %get3A_2 = arith.constant 0 : index
    %get3A_3 = arith.constant 0 : index
    %get3A_4 = vector.load %arg2[%get3A_2, %get3A_3] : memref<1000x128xf32, #tpu.memory_space<vmem>>, vector<1000x128xf32>
    %add3A = arith.addf %get3A_1, %get3A_4 : vector<1000x128xf32>
    %get3A_5 = arith.constant 0 : index
    %get3A_6 = arith.constant 0 : index
    %get3A_7 = vector.load %arg3[%get3A_5, %get3A_6] : memref<1000x128xf32, #tpu.memory_space<vmem>>, vector<1000x128xf32>
    %add3A_8 = arith.addf %add3A, %get3A_7 : vector<1000x128xf32>
    %get3A_9 = arith.constant 0 : index
    %get3A_10 = arith.constant 0 : index
    %get3A_11 = vector.load %arg4[%get3A_9, %get3A_10] : memref<128x256xf32, #tpu.memory_space<vmem>>, vector<128x256xf32>
    %dot_general3A = arith.constant dense<0.000000e+00> : vector<1000x256xf32>
    %dot_general3A_12 = tpu.matmul %add3A_8, %get3A_11, %dot_general3A {dimension_numbers = #tpu.dot_dimension_numbers<[1], [0], [0], [1], [0, 0, 1, 1], [], []>, transpose_lhs_hint = false} : vector<1000x128xf32>, vector<128x256xf32>, vector<1000x256xf32> -> vector<1000x256xf32>
    %get3A_13 = arith.constant 0 : index
    %get3A_14 = arith.constant 0 : index
    %get3A_15 = vector.load %arg5[%get3A_13, %get3A_14] : memref<1x256xf32, #tpu.memory_space<vmem>>, vector<1x256xf32>
    %add3A_16 = vector.broadcast %get3A_15 : vector<1x256xf32> to vector<1000x256xf32>
    %add3A_17 = arith.addf %dot_general3A_12, %add3A_16 : vector<1000x256xf32>
    %max3A = arith.constant 0.000000e+00 : f32
    %max3A_18 = vector.broadcast %max3A : f32 to vector<1000x256xf32>
    %max3A_19 = arith.maximumf %add3A_17, %max3A_18 : vector<1000x256xf32>
    %get3A_20 = arith.constant 0 : index
    %get3A_21 = arith.constant 0 : index
    %get3A_22 = vector.load %arg6[%get3A_20, %get3A_21] : memref<256x128xf32, #tpu.memory_space<vmem>>, vector<256x128xf32>
    %dot_general3A_23 = arith.constant dense<0.000000e+00> : vector<1000x128xf32>
    %dot_general3A_24 = tpu.matmul %max3A_19, %get3A_22, %dot_general3A_23 {dimension_numbers = #tpu.dot_dimension_numbers<[1], [0], [0], [1], [0, 0, 1, 1], [], []>, transpose_lhs_hint = false} : vector<1000x256xf32>, vector<256x128xf32>, vector<1000x128xf32> -> vector<1000x128xf32>
    %get3A_25 = arith.constant 0 : index
    %get3A_26 = arith.constant 0 : index
    %get3A_27 = vector.load %arg7[%get3A_25, %get3A_26] : memref<1x128xf32, #tpu.memory_space<vmem>>, vector<1x128xf32>
    %add3A_28 = vector.broadcast %get3A_27 : vector<1x128xf32> to vector<1000x128xf32>
    %add3A_29 = arith.addf %dot_general3A_24, %add3A_28 : vector<1000x128xf32>
    %swap3A = arith.constant 0 : index
    %swap3A_30 = arith.constant 0 : index
    %swap3A_31 = vector.load %arg8[%swap3A, %swap3A_30] : memref<1000x128xf32, #tpu.memory_space<vmem>>, vector<1000x128xf32>
    tpu.vector_store %arg8[%swap3A, %swap3A_30], %add3A_29 {strides = array<i32>} : memref<1000x128xf32, #tpu.memory_space<vmem>>, vector<1000x128xf32>,
    return
  }
  func.func @transform_0(%arg0: i32) -> (i32, i32) {
    %c0_i32 = arith.constant 0 : i32
    %c0_i32_0 = arith.constant 0 : i32
    return %arg0, %c0_i32 : i32, i32
  }
  func.func @transform_1(%arg0: i32) -> (i32, i32) {
    %c0_i32 = arith.constant 0 : i32
    %c0_i32_0 = arith.constant 0 : i32
    return %arg0, %c0_i32 : i32, i32
  }
  func.func @transform_2(%arg0: i32) -> (i32, i32) {
    %c0_i32 = arith.constant 0 : i32
    %c0_i32_0 = arith.constant 0 : i32
    return %arg0, %c0_i32 : i32, i32
  }
  func.func @transform_3(%arg0: i32) -> (i32, i32) {
    %c0_i32 = arith.constant 0 : i32
    %c0_i32_0 = arith.constant 0 : i32
    %c0_i32_1 = arith.constant 0 : i32
    return %c0_i32, %c0_i32_0 : i32, i32
  }
  func.func @transform_4(%arg0: i32) -> (i32, i32) {
    %c0_i32 = arith.constant 0 : i32
    %c0_i32_0 = arith.constant 0 : i32
    %c0_i32_1 = arith.constant 0 : i32
    return %c0_i32, %c0_i32_0 : i32, i32
  }
  func.func @transform_5(%arg0: i32) -> (i32, i32) {
    %c0_i32 = arith.constant 0 : i32
    %c0_i32_0 = arith.constant 0 : i32
    %c0_i32_1 = arith.constant 0 : i32
    return %c0_i32, %c0_i32_0 : i32, i32
  }
  func.func @transform_6(%arg0: i32) -> (i32, i32) {
    %c0_i32 = arith.constant 0 : i32
    %c0_i32_0 = arith.constant 0 : i32
    %c0_i32_1 = arith.constant 0 : i32
    return %c0_i32, %c0_i32_0 : i32, i32
  }
  func.func @transform_7(%arg0: i32) -> (i32, i32) {
    %c0_i32 = arith.constant 0 : i32
    %c0_i32_0 = arith.constant 0 : i32
    return %arg0, %c0_i32 : i32, i32
  }
}

module attributes {stable_mosaic.version = 14 : i64} {
  func.func @_loss_body(%arg0: i32, %arg1: memref<1000x128xf32, #tpu.memory_space<vmem>>, %arg2: memref<128x120xf32, #tpu.memory_space<vmem>>, %arg3: memref<1x120xf32, #tpu.memory_space<vmem>>, %arg4: memref<1000x1xi32, #tpu.memory_space<vmem>>, %arg5: memref<1000x1xi32, #tpu.memory_space<vmem>>, %arg6: memref<1x1xf32, #tpu.memory_space<vmem>>, %arg7: memref<2xf32, #tpu.memory_space<smem>>) attributes {dimension_semantics = [#tpu.dimension_semantics<arbitrary>], iteration_bounds = array<i64: 10>, scalar_prefetch = 0 : i64, scratch_operands = 1 : i64, tpu.core_type = #tpu.core_type<tc>, window_params = [{transform_indices = @transform_0, window_bounds = array<i64: 1000, 128>}, {pipeline_mode = #tpu.pipeline_mode<synchronous>, transform_indices = @transform_1, window_bounds = array<i64: 128, 120>}, {pipeline_mode = #tpu.pipeline_mode<synchronous>, transform_indices = @transform_2, window_bounds = array<i64: 1, 120>}, {transform_indices = @transform_3, window_bounds = array<i64: 1000, 1>}, {transform_indices = @transform_4, window_bounds = array<i64: 1000, 1>}, {pipeline_mode = #tpu.pipeline_mode<synchronous>, transform_indices = @transform_5, window_bounds = array<i64: 1, 1>}]} {
    %get3A = arith.constant 0 : index
    %get3A_0 = arith.constant 0 : index
    %get3A_1 = vector.load %arg1[%get3A, %get3A_0] : memref<1000x128xf32, #tpu.memory_space<vmem>>, vector<1000x128xf32>
    %get3A_2 = arith.constant 0 : index
    %get3A_3 = arith.constant 0 : index
    %get3A_4 = vector.load %arg2[%get3A_2, %get3A_3] : memref<128x120xf32, #tpu.memory_space<vmem>>, vector<128x120xf32>
    %dot_general3A = arith.constant dense<0.000000e+00> : vector<1000x120xf32>
    %dot_general3A_5 = tpu.matmul %get3A_1, %get3A_4, %dot_general3A {dimension_numbers = #tpu.dot_dimension_numbers<[1], [0], [0], [1], [0, 0, 1, 1], [], []>, transpose_lhs_hint = false} : vector<1000x128xf32>, vector<128x120xf32>, vector<1000x120xf32> -> vector<1000x120xf32>
    %get3A_6 = arith.constant 0 : index
    %get3A_7 = arith.constant 0 : index
    %get3A_8 = vector.load %arg3[%get3A_6, %get3A_7] : memref<1x120xf32, #tpu.memory_space<vmem>>, vector<1x120xf32>
    %add3A = vector.broadcast %get3A_8 : vector<1x120xf32> to vector<1000x120xf32>
    %add3A_9 = arith.addf %dot_general3A_5, %add3A : vector<1000x120xf32>
    %iota3A = tpu.iota {dimensions = array<i32: 1>} : vector<1000x120xi32>
    %get3A_10 = arith.constant 0 : index
    %get3A_11 = arith.constant 0 : index
    %get3A_12 = vector.load %arg4[%get3A_10, %get3A_11] : memref<1000x1xi32, #tpu.memory_space<vmem>>, vector<1000x1xi32>
    %eq3A = vector.broadcast %get3A_12 : vector<1000x1xi32> to vector<1000x120xi32>
    %eq3A_13 = arith.cmpi eq, %iota3A, %eq3A : vector<1000x120xi32>
    %jit3A = arith.constant 0.000000e+00 : f32
    %broadcast_in_dim3A = vector.broadcast %jit3A : f32 to vector<1000x120xf32>
    %select_n3A = arith.select %eq3A_13, %add3A_9, %broadcast_in_dim3A : vector<1000x120xi1>, vector<1000x120xf32>
    %reduce_sum3A = arith.constant dense<0.000000e+00> : vector<1000xf32>
    %reduce_sum3A_14 = vector.multi_reduction <add>, %select_n3A, %reduce_sum3A [1] : vector<1000x120xf32> to vector<1000xf32>
    %mul3A = arith.mulf %add3A_9, %add3A_9 : vector<1000x120xf32>
    %reduce_sum3A_15 = arith.constant dense<0.000000e+00> : vector<1000xf32>
    %reduce_sum3A_16 = vector.multi_reduction <add>, %mul3A, %reduce_sum3A_15 [1] : vector<1000x120xf32> to vector<1000xf32>
    %sqrt3A = math.sqrt %reduce_sum3A_16 : vector<1000xf32>
    %add3A_17 = arith.constant 9.99999996E-13 : f32
    %add3A_18 = vector.broadcast %add3A_17 : f32 to vector<1000xf32>
    %add3A_19 = arith.addf %sqrt3A, %add3A_18 : vector<1000xf32>
    %mul3A_20 = arith.constant 1.000000e+00 : f32
    %mul3A_21 = vector.broadcast %mul3A_20 : f32 to vector<1000xf32>
    %mul3A_22 = arith.mulf %add3A_19, %mul3A_21 : vector<1000xf32>
    %div3A = arith.divf %reduce_sum3A_14, %mul3A_22 : vector<1000xf32>
    %sub3A = arith.constant 1.000000e+00 : f32
    %sub3A_23 = vector.broadcast %sub3A : f32 to vector<1000xf32>
    %sub3A_24 = arith.subf %sub3A_23, %div3A : vector<1000xf32>
    %get3A_25 = arith.constant 0 : index
    %get3A_26 = arith.constant 0 : index
    %get3A_27 = vector.load %arg5[%get3A_25, %get3A_26] : memref<1000x1xi32, #tpu.memory_space<vmem>>, vector<1000x1xi32>
    %squeeze3A = vector.shape_cast %get3A_27 : vector<1000x1xi32> to vector<1000xi32>
    %gt3A = arith.constant 0 : i32
    %gt3A_28 = vector.broadcast %gt3A : i32 to vector<1000xi32>
    %gt3A_29 = arith.cmpi sgt, %squeeze3A, %gt3A_28 : vector<1000xi32>
    %jit3A_30 = arith.constant 0.000000e+00 : f32
    %broadcast_in_dim3A_31 = vector.broadcast %jit3A_30 : f32 to vector<1000xf32>
    %select_n3A_32 = arith.select %gt3A_29, %sub3A_24, %broadcast_in_dim3A_31 : vector<1000xi1>, vector<1000xf32>
    %reduce_sum3A_33 = vector.shape_cast %select_n3A_32 : vector<1000xf32> to vector<1x1000xf32>
    %reduce_sum3A_34 = arith.constant dense<0.000000e+00> : vector<1xf32>
    %reduce_sum3A_35 = vector.multi_reduction <add>, %reduce_sum3A_33, %reduce_sum3A_34 [1] : vector<1x1000xf32> to vector<1xf32>
    %reduce_sum3A_36 = vector.shape_cast %reduce_sum3A_35 : vector<1xf32> to vector<1x1xf32>
    %reduce_sum3A_37 = vector.extract %reduce_sum3A_36[0, 0] : f32 from vector<1x1xf32>
    %convert_element_type3A = arith.sitofp %squeeze3A : vector<1000xi32> to vector<1000xf32>
    %reduce_sum3A_38 = vector.shape_cast %convert_element_type3A : vector<1000xf32> to vector<1x1000xf32>
    %reduce_sum3A_39 = arith.constant dense<0.000000e+00> : vector<1xf32>
    %reduce_sum3A_40 = vector.multi_reduction <add>, %reduce_sum3A_38, %reduce_sum3A_39 [1] : vector<1x1000xf32> to vector<1xf32>
    %reduce_sum3A_41 = vector.shape_cast %reduce_sum3A_40 : vector<1xf32> to vector<1x1xf32>
    %reduce_sum3A_42 = vector.extract %reduce_sum3A_41[0, 0] : f32 from vector<1x1xf32>
    %eq3A_43 = arith.constant 0 : i32
    %eq3A_44 = arith.cmpi eq, %arg0, %eq3A_43 : i32
    %convert_element_type3A_45 = arith.extui %eq3A_44 : i1 to i32
    %cond3A = arith.constant 0 : i32
    %cond3A_46 = arith.cmpi ne, %convert_element_type3A_45, %cond3A : i32
    scf.if %cond3A_46 {
      %swap3A_61 = arith.constant 0.000000e+00 : f32
      %swap3A_62 = arith.constant 0 : index
      %swap3A_63 = memref.load %arg7[%swap3A_62] : memref<2xf32, #tpu.memory_space<smem>>
      memref.store %swap3A_61, %arg7[%swap3A_62] : memref<2xf32, #tpu.memory_space<smem>>
      %swap3A_64 = arith.constant 0.000000e+00 : f32
      %swap3A_65 = arith.constant 1 : index
      %swap3A_66 = memref.load %arg7[%swap3A_65] : memref<2xf32, #tpu.memory_space<smem>>
      memref.store %swap3A_64, %arg7[%swap3A_65] : memref<2xf32, #tpu.memory_space<smem>>
    } else {
    }
    %get3A_47 = arith.constant 0 : index
    %get3A_48 = memref.load %arg7[%get3A_47] : memref<2xf32, #tpu.memory_space<smem>>
    %add3A_49 = arith.addf %get3A_48, %reduce_sum3A_37 : f32
    %swap3A = arith.constant 0 : index
    %swap3A_50 = memref.load %arg7[%swap3A] : memref<2xf32, #tpu.memory_space<smem>>
    memref.store %add3A_49, %arg7[%swap3A] : memref<2xf32, #tpu.memory_space<smem>>
    %get3A_51 = arith.constant 1 : index
    %get3A_52 = memref.load %arg7[%get3A_51] : memref<2xf32, #tpu.memory_space<smem>>
    %add3A_53 = arith.addf %get3A_52, %reduce_sum3A_42 : f32
    %swap3A_54 = arith.constant 1 : index
    %swap3A_55 = memref.load %arg7[%swap3A_54] : memref<2xf32, #tpu.memory_space<smem>>
    memref.store %add3A_53, %arg7[%swap3A_54] : memref<2xf32, #tpu.memory_space<smem>>
    %eq3A_56 = arith.constant 9 : i32
    %eq3A_57 = arith.cmpi eq, %arg0, %eq3A_56 : i32
    %convert_element_type3A_58 = arith.extui %eq3A_57 : i1 to i32
    %cond3A_59 = arith.constant 0 : i32
    %cond3A_60 = arith.cmpi ne, %convert_element_type3A_58, %cond3A_59 : i32
    scf.if %cond3A_60 {
      %get3A_61 = arith.constant 0 : index
      %get3A_62 = memref.load %arg7[%get3A_61] : memref<2xf32, #tpu.memory_space<smem>>
      %get3A_63 = arith.constant 1 : index
      %get3A_64 = memref.load %arg7[%get3A_63] : memref<2xf32, #tpu.memory_space<smem>>
      %div3A_65 = arith.divf %get3A_62, %get3A_64 : f32
      %broadcast_in_dim3A_66 = vector.broadcast %div3A_65 : f32 to vector<1x1xf32>
      %swap3A_67 = arith.constant 0 : index
      %swap3A_68 = arith.constant 0 : index
      %swap3A_69 = vector.load %arg6[%swap3A_67, %swap3A_68] : memref<1x1xf32, #tpu.memory_space<vmem>>, vector<1x1xf32>
      tpu.vector_store %arg6[%swap3A_67, %swap3A_68], %broadcast_in_dim3A_66 {strides = array<i32>} : memref<1x1xf32, #tpu.memory_space<vmem>>, vector<1x1xf32>,
    } else {
    }
    return
  }
  func.func @transform_0(%arg0: i32) -> (i32, i32) {
    %c0_i32 = arith.constant 0 : i32
    %c0_i32_0 = arith.constant 0 : i32
    return %arg0, %c0_i32 : i32, i32
  }
  func.func @transform_1(%arg0: i32) -> (i32, i32) {
    %c0_i32 = arith.constant 0 : i32
    %c0_i32_0 = arith.constant 0 : i32
    %c0_i32_1 = arith.constant 0 : i32
    return %c0_i32, %c0_i32_0 : i32, i32
  }
  func.func @transform_2(%arg0: i32) -> (i32, i32) {
    %c0_i32 = arith.constant 0 : i32
    %c0_i32_0 = arith.constant 0 : i32
    %c0_i32_1 = arith.constant 0 : i32
    return %c0_i32, %c0_i32_0 : i32, i32
  }
  func.func @transform_3(%arg0: i32) -> (i32, i32) {
    %c0_i32 = arith.constant 0 : i32
    %c0_i32_0 = arith.constant 0 : i32
    return %arg0, %c0_i32 : i32, i32
  }
  func.func @transform_4(%arg0: i32) -> (i32, i32) {
    %c0_i32 = arith.constant 0 : i32
    %c0_i32_0 = arith.constant 0 : i32
    return %arg0, %c0_i32 : i32, i32
  }
  func.func @transform_5(%arg0: i32) -> (i32, i32) {
    %c0_i32 = arith.constant 0 : i32
    %c0_i32_0 = arith.constant 0 : i32
    %c0_i32_1 = arith.constant 0 : i32
    return %c0_i32, %c0_i32_0 : i32, i32
  }
}

</mosaic_0001>

<sc_bundles>
// kernel: kernel.24.cloned.1.call-start
scs
__scs_entry_jumppad:
0x0: {  	(pc) =	sbr.rel $0x88, $3  }
0x1: {  	(tag) =	ssettag $0x0;
	lr =	simm.s32 $0x1  }
0x2: {  	[smem:$0x3F8D] =	sst lr;
	_ =	strace $0xD0000000  }
0x3: {  	_ = 	snop  }
0x4: {  	_ = 	snop  }
0x5: {  	_ = 	snop  }
0x6: {  	_ = 	snop  }
0x7: {  	_ = 	snop  }
__scs_overlays_trampoline_lowered:
0x8: {  	[smem:$0x3F9C] =	sst s0  }
0x9: {  	[smem:$0x3F9D] =	sst s1  }
0xa: {  	[smem:$0x3F9E] =	sst s2  }
0xb: {  	[smem:$0x3F9F] =	sst s3  }
0xc: {  	[smem:$0x3FA0] =	sst s4  }
0xd: {  	[smem:$0x3FA1] =	sst s5  }
0xe: {  	[smem:$0x3FA2] =	sst s6  }
0xf: {  	[smem:$0x3FA3] =	sst s7  }
0x10: {  	[smem:$0x3FA4] =	sst s8  }
0x11: {  	[smem:$0x3FA5] =	sst s9;
	s0 =	simm.s32 @!p0 $0x0  }
0x12: {  	s1 =	sld [smem:$0x3F8B];
	s0 =	simm.s32 @p0 $0x1  }
0x13: {  	[smem:$0x3FA6] =	sst s0;
	s0 =	simm.s32 @!p1 $0x0  }
0x14: {  	s2 =	sld [smem:$0x3F8A];
	s0 =	simm.s32 @p1 $0x1  }
0x15: {  	[smem:$0x3FA7] =	sst s0;
	s0 =	simm.s32 @!p2 $0x0  }
0x16: {  	s3 =	sld [smem:$0x3FDB];
	s0 =	simm.s32 @p2 $0x1  }
0x17: {  	s4 =	simm.s32 $0x1BF5;
	[smem:$0x3FA9] =	sst s0  }
0x18: {  	s0 =	sld [smem:$0x3F8C];
	_ =	swait.ge [sflag:s4], $0x0  }
0x19: {  	s7 =	sld [smem:$0x3F8D]  }
0x1a: {  	s8 =	sadd.s32 $0xFFFFE003, lr  }
0x1b: {  	s9 =	sadd.s32 $0xFFFFFEF7, lr;
	s5 =	simm.s32 $0xFFFFFFFF;
	p2 =	slt.u32 s8, $0xFFFFF086  }
0x1c: {  	p1 =	slt.u32 s9, $0xF7A;
	s5 =	simm.s32 @!p2 $0x0  }
0x1d: {  	s5 =	simm.s32 @p1 $0x1;
	p0 =	seq.s32 s7, s2  }
0x1e: {  	s7 =	smul.u32 @!p0 $0xF7A, s2;
	p2 =	seq.s32 @!p0 s5, $0x0  }
0x1f: {  	s9 =	smul.u32 $0xF7A, s1;
	s8 =	simm.s32 @!p0 $0x1BF5;
	p2 =	por !p2, p0  }
0x20: {  	[sflag:s8] =	ssyncset.s32 @!p0 $0xFFFFF086;
	s6 =	sadd.s32 @!p0 s3, s7;
	s7 =	simm.s32 @!p0 $0x108  }
0x21: {  	s3 =	sadd.s32 s3, s9;
	s6 =	sadd.s32 @!p0 $0x88, s6;
	s7 =	simm.s32 @p2 $0x1082  }
0x22: {  	[simem:s7], [sflag:s8] =	dma.local @!p0 [hbm:s6], $0xF7A  }
0x23: {  	s9 =	sor.u32 $0xD0000000, s2;
	s6 =	simm.s32 $0x108;
	_ =	swait.ge @!p0 [sflag:s8], $0x0  }
0x24: {  	s3 =	sadd.s32 $0x88, s3;
	s6 =	simm.s32 @!p1 $0x1082;
	[sflag:s4] =	ssyncset.s32 $0xFFFFF086  }
0x25: {  	[simem:s6], [sflag:s4] =	dma.local [hbm:s3], $0xF7A  }
0x26: {  	[smem:$0x3F8D] =	sst s1;
	(tag) =	ssettag s2;
	_ =	strace s9  }
0x27: {  	s1 =	sld [smem:$0x3F9D]  }
0x28: {  	s2 =	sld [smem:$0x3F9E]  }
0x29: {  	s4 =	sld [smem:$0x3FA0]  }
0x2a: {  	p0 =	seq.s32 s5, $0x0;
	s5 =	sld [smem:$0x3FA1]  }
0x2b: {  	s6 =	sld [smem:$0x3FA2]  }
0x2c: {  	s7 =	sld [smem:$0x3FA3]  }
0x2d: {  	s3 =	simm.s32 $0x108;
	s8 =	sld [smem:$0x3FA4]  }
0x2e: {  	s3 =	simm.s32 @!p0 $0x1082;
	s9 =	sld [smem:$0x3FA5]  }
0x2f: {  	lr =	sadd.s32 s0, s3;
	s0 =	sld [smem:$0x3F9C]  }
0x30: {  	s3 =	sld [smem:$0x3F9F]  }
0x31: {  	[smem:$0x3FA8] =	sst s10  }
0x32: {  	s10 =	sld [smem:$0x3FA6];
	_ =	sdelay $0x3  }
0x33: {  	p0 =	seq.s32 s10, $0x1;
	s10 =	sld [smem:$0x3FA8];
	_ =	sdelay $0x3  }
0x34: {  	[smem:$0x3FA8] =	sst s10  }
0x35: {  	s10 =	sld [smem:$0x3FA7];
	_ =	sdelay $0x3  }
0x36: {  	p1 =	seq.s32 s10, $0x1;
	s10 =	sld [smem:$0x3FA8];
	_ =	sdelay $0x3  }
0x37: {  	[smem:$0x3FA8] =	sst s10  }
0x38: {  	s10 =	sld [smem:$0x3FA9]  }
0x39: {  	_ = 	snop;
	(pc) =	sbr.ind lr, $3  }
0x3a: {  	_ = 	snop  }
0x3b: {  	_ = 	snop  }
0x3c: {  	p2 =	seq.s32 s10, $0x1;
	s10 =	sld [smem:$0x3FA8]  }
0x3d: {  	_ =	shalt  }
0x3e: {  	_ =	shalt  }
0x3f: {  	_ =	shalt  }
0x40: {  	_ =	shalt  }
0x41: {  	_ =	shalt  }
0x42: {  	_ =	shalt  }
0x43: {  	_ =	shalt  }
0x44: {  	_ =	shalt  }
0x45: {  	_ =	shalt  }
0x46: {  	_ =	shalt  }
0x47: {  	_ =	shalt  }
0x48: {  	_ =	shalt  }
0x49: {  	_ =	shalt  }
0x4a: {  	_ =	shalt  }
0x4b: {  	_ =	shalt  }
0x4c: {  	_ =	shalt  }
0x4d: {  	_ =	shalt  }
0x4e: {  	_ =	shalt  }
0x4f: {  	_ =	shalt  }
0x50: {  	_ =	shalt  }
0x51: {  	_ =	shalt  }
0x52: {  	_ =	shalt  }
0x53: {  	_ =	shalt  }
0x54: {  	_ =	shalt  }
0x55: {  	_ =	shalt  }
0x56: {  	_ =	shalt  }
0x57: {  	_ =	shalt  }
0x58: {  	_ =	shalt  }
0x59: {  	_ =	shalt  }
0x5a: {  	_ =	shalt  }
0x5b: {  	_ =	shalt  }
0x5c: {  	_ =	shalt  }
0x5d: {  	_ =	shalt  }
0x5e: {  	_ =	shalt  }
0x5f: {  	_ =	shalt  }
0x60: {  	_ =	shalt  }
0x61: {  	_ =	shalt  }
0x62: {  	_ =	shalt  }
0x63: {  	_ =	shalt  }
0x64: {  	_ =	shalt  }
0x65: {  	_ =	shalt  }
0x66: {  	_ =	shalt  }
0x67: {  	_ =	shalt  }
0x68: {  	_ =	shalt  }
0x69: {  	_ =	shalt  }
0x6a: {  	_ =	shalt  }
0x6b: {  	_ =	shalt  }
0x6c: {  	_ =	shalt  }
0x6d: {  	_ =	shalt  }
0x6e: {  	_ =	shalt  }
0x6f: {  	_ =	shalt  }
0x70: {  	_ =	shalt  }
0x71: {  	_ =	shalt  }
0x72: {  	_ =	shalt  }
0x73: {  	_ =	shalt  }
0x74: {  	_ =	shalt  }
0x75: {  	_ =	shalt  }
0x76: {  	_ =	shalt  }
0x77: {  	_ =	shalt  }
0x78: {  	_ =	shalt  }
0x79: {  	_ =	shalt  }
0x7a: {  	_ =	shalt  }
0x7b: {  	_ =	shalt  }
0x7c: {  	_ =	shalt  }
0x7d: {  	_ =	shalt  }
0x7e: {  	_ =	shalt  }
0x7f: {  	_ =	shalt  }
0x80: {  	_ =	shalt  }
0x81: {  	_ =	shalt  }
0x82: {  	_ =	shalt  }
0x83: {  	_ =	shalt  }
0x84: {  	_ =	shalt  }
0x85: {  	_ =	shalt  }
0x86: {  	_ =	shalt  }
0x87: {  	_ =	shalt  }
.Lfunc_end0:
.L_simem_size_0:
called_computation_lowered:
.L_overlay_start_0:
0x88: {  	s2 =	sld [smem:$0x3FD9]  }
0x89: {  	s3 =	sld [smem:$0x3FFE];
	_ =	sdelay $0x1  }
0x8a: {  	s1 =	srdreg.scid  }
0x8b: {  	s0 =	sand.u32 $0x1, s1  }
0x8c: {  	s16 =	sshll.u32 s0, $0xA;
	s2 =	sadd.s32 s3, s2  }
0x8d: {  	s2 =	sadd.s32 s2, s16  }
0x8e: {  	[smem:$0x3FB4] =	sst s2  }
0x8f: {  	_ = 	snop  }
0x90: {  	(tm) =	ssettm $0x1  }
0x91: {  	s17 =	sld [smem:$0x3FFB];
	_ =	sdelay $0x3  }
0x92: {  	_ =	strace s17  }
0x93: {  	s2 =	sld [smem:$0x3FFC];
	_ =	sdelay $0x3  }
0x94: {  	_ =	strace s2  }
0x95: {  	s2 =	sld [smem:$0x3FFD];
	_ =	sdelay $0x3  }
0x96: {  	_ =	strace s2  }
0x97: {  	_ =	strace $0x8FFFFFFF  }
0x98: {  	s18 =	sld [smem:$0x3FDB];
	_ =	sdelay $0x1  }
0x99: {  	s19 =	simm.s32 $_scs_section_size  }
0x9a: {  	s4 =	simm.s32 $_size__tile_overlayer_lowered;
	s5 =	simm.s32 $_tile_overlayer_lowered  }
0x9b: {  	s22 =	simm.s32 $0x1BFF;
	s21 =	sshll.u32 s5, $0x1;
	s2 =	sadd.s32 s19, s18  }
0x9c: {  	s6 =	simm.s32 $0x0;
	s20 =	sshll.u32 s4, $0x1;
	s4 =	sadd.s32 s21, s2  }
0x9d: {  	[timem:s6], [sflag:s22] =	dma.local [hbm:s4], s20  }
0x9e: {  	_ =	swait.ge [sflag:s22], s20  }
0x9f: {  	s3 =	ssub.s32 $0x0, s20;
	[sflag:s22] =	ssyncset.done $0x0  }
0xa0: {  	[sflag:s22] =	ssyncadd.s32 s3;
	_ =	sdelay $0x1  }
0xa1: {  	s23 =	simm.s32 $0x1B8B  }
0xa2: {  	_ =	swait.ge [sflag:s23], $0x1  }
0xa3: {  	[sflag:s23] =	ssyncset.done $0x0  }
0xa4: {  	s25 =	simm.s32 $0x1B8E;
	s24 =	sld [smem:$0x3FFE];
	[sflag:s23] =	ssyncadd.s32 $0xFFFFFFFF  }
0xa5: {  	s26 =	simm.s32 $execute0_lowered;
	[smem:$0x3FD2] =	sst s25  }
0xa6: {  	s4 =	sshll.u32 s26, $0x1;
	_ =	strace $0x80000046;
	[dreg:$0x1] =	wrdreg $0xFFFFFFFF  }
0xa7: {  	s28 =	simm.s32 $_size_execute0_lowered;
	s2 =	sadd.s32 s2, s4;
	[dreg:$0x0] =	wrdreg $0x0  }
0xa8: {  	s4 =	sshll.u32 s28, $0x1;
	[dreg:$0x2] =	wrdreg s2  }
0xa9: {  	[dreg:$0x3] =	wrdreg s4  }
0xaa: {  	[dreg:$0x4] =	wrdreg $0xC0  }
0xab: {  	_ =	task [dreg:s6], $0x5FFFF  }
0xac: {  	[dreg:$0x1] =	wrdreg $0xFFFFFFFF  }
0xad: {  	[dreg:$0x0] =	wrdreg $0x60  }
0xae: {  	[dreg:$0x2] =	wrdreg s24  }
0xaf: {  	[dreg:$0x3] =	wrdreg $0x9  }
0xb0: {  	_ =	task.clear_ibuf [dreg:s6], $0x4FFFF;
	_ =	strace $0x90000046  }
0xb1: {  	s29 =	simm.s32 $0x9;
	_ =	strace $0x80000048  }
0xb2: {  	_ =	swait.ge [sflag:s29], $0x1  }
0xb3: {  	[sflag:s29] =	ssyncadd.s32 $0xFFFFFFFF  }
0xb4: {  	_ =	strace $0x90000048  }
0xb5: {  	_ =	sfence  }
0xb6: {  	s30 =	sld [smem:$0x0];
	_ =	sdelay $0x2  }
0xb7: {  	s31 =	sshll.u32 s1, $0xD;
	s1 =	sshrl.u32 s1, $0x2  }
0xb8: {  	s3 =	sand.u32 $0x4000, s31;
	s1 =	sadd.s32 s1, s30  }
0xb9: {  	s0 =	sor.u32 s3, s0;
	s1 =	sshll.u32 s1, $0x11  }
0xba: {  	s0 =	sor.u32 s1, s0  }
0xbb: {  	s0 =	sadd.s32 $0x8F2B, s0  }
0xbc: {  	[sflag:s0] =	ssyncadd.remote.s32 $0x1  }
0xbd: {  	_ =	sfence.sel $0xFFFF  }
0xbe: {  	[dreg:$0x0] =	wrdreg $0xFFFFFFFF;
	(pc) =	sbr.abs _section_cstart, $3  }
0xbf: {  	[dreg:$0x1] =	wrdreg $0xFFFFFFFF  }
0xc0: {  	_ =	task.clear_ibuf [dreg:s6], $0x2FFFF;
	_ =	strace $0x9FFFFFFF  }
0xc1: {  	(tm) =	ssettm $0x7FFFFFFF  }
tec
execute0_lowered:
.L_overlay_start_1:
0x0: {  	(tag) =	ssettag $0x1  }
0x1: {  	s1 =	srdreg.scid;
	s0 =	stileid.u32  }
0x2: {  	s11 =	sand.u32 $0x1, s1;
	s31 =	sshll.u32 s0, $0x1  }
0x3: {  	s9 =	rddreg [dreg:$0x0];
	s6 =	sor.u32 s11, s31  }
0x4: {  	s2 =	simm.s32 $0x0;
	s1 =	rddreg [dreg:$0x1];
	s3 =	sshll.u32 s6, $0x6  }
0x5: {  	[smem:$0x7FF] =	sst s2;
	s3 =	sadd.s32 s3, s9  }
0x6: {  	_ =	strace $0x80000047;
	s4 =	sadd.s32 $0x6400, s3;
	s3 =	simm.s32 $0x2  }
0x7: {  	[tilespmem:s2], [sflag:$0x2] =	stream.linear.gather [hbm4b:s4+s2], $0x180, $0x38;
	[tilespmem:$0x4200] =	vst v63  }
0x8: {  	s7 =	simm.s32 $0x200;
	_ =	swait.ge [sflag:s3], $0x180  }
0x9: {  	s8 =	simm.s32 $0x1;
	s5 =	sadd.s32 $0x6C00, s9;
	[sflag:s3] =	ssyncset.done $0x0  }
0xa: {  	s10 =	smul.u32 $0x1800, s6;
	s6 =	simm.s32 $0x80;
	[sflag:s3] =	ssyncadd.s32 $0xFFFFFE80  }
0xb: {  	[tilespmem:s7], [sflag:$0x1] =	stream.indirect.gather [hbm4b:s5+s6], $0x80, s2, s6, $0xb8;
	[tilespmem:$0x4200] =	vst v63  }
0xc: {  	_ =	swait.ge [sflag:s8], $0x4000  }
0xd: {  	s12 =	sadd.s32 s10, s9;
	[sflag:s8] =	ssyncset.done $0x0  }
0xe: {  	s9 =	sadd.s32 $0x3F000, s12;
	[sflag:s8] =	ssyncadd.s32 $0xFFFFC000  }
0xf: {  	[hbm4b:s9+s2] =	stream.linear.scatter [tilespmem:s7], [sflag:$0x2], $0x4000, $0x38;
	[tilespmem:$0x4200] =	vst v63  }
0x10: {  	_ =	swait.ge [sflag:s3], $0x4000  }
0x11: {  	[sflag:s3] =	ssyncset.done $0x0  }
0x12: {  	[sflag:s3] =	ssyncadd.s32 $0xFFFFC000  }
0x13: {  	[tilespmem:s7], [sflag:$0x1] =	stream.indirect.gather [hbm4b:s5+s6], $0x80, s6, s6, $0xb8;
	[tilespmem:$0x4200] =	vst v63  }
0x14: {  	_ =	swait.ge [sflag:s8], $0x4000  }
0x15: {  	[sflag:s8] =	ssyncset.done $0x0  }
0x16: {  	s13 =	ssub.s32 $0x2, s11;
	s10 =	sadd.s32 $0x3F800, s12;
	[sflag:s8] =	ssyncadd.s32 $0xFFFFC000  }
0x17: {  	[hbm4b:s10+s2] =	stream.linear.scatter [tilespmem:s7], [sflag:$0x2], $0x4000, $0x38;
	[tilespmem:$0x4200] =	vst v63  }
0x18: {  	s14 =	sshrl.u32 s13, $0x1;
	_ =	swait.ge [sflag:s3], $0x4000  }
0x19: {  	s13 =	ssub.s32 s13, s14;
	[sflag:s3] =	ssyncset.done $0x0  }
0x1a: {  	s11 =	simm.s32 $0x100;
	s13 =	smax.u32 s13, $0x1;
	[sflag:s3] =	ssyncadd.s32 $0xFFFFC000  }
0x1b: {  	[tilespmem:s7], [sflag:$0x1] =	stream.indirect.gather [hbm4b:s5+s6], $0x80, s11, s6, $0xb8;
	[tilespmem:$0x4200] =	vst v63  }
0x1c: {  	p0 =	sne.s32 s13, $0x1;
	_ =	swait.ge [sflag:s8], $0x4000  }
.Ltmp0:
0x1d: {  	[sflag:s8] =	ssyncset.done $0x0;
	(pc) =	sbr.rel @!p0 .LBB2_2-.Ltmp0, $4  }
0x1e: {  	s12 =	sadd.s32 $0x40000, s12;
	[sflag:s8] =	ssyncadd.s32 $0xFFFFC000  }
0x1f: {  	[hbm4b:s12+s2] =	stream.linear.scatter [tilespmem:s7], [sflag:$0x2], $0x4000, $0x38;
	[tilespmem:$0x4200] =	vst v63  }
0x20: {  	_ =	swait.ge [sflag:s3], $0x4000  }
0x21: {  	s13 =	sadd.s32 $0xFFFFFFFF, s13;
	[sflag:s3] =	ssyncset.done $0x0  }
.LBB2_1:
0x22: {  	p0 =	sne.s32 s13, $0x1;
	s13 =	sadd.s32 $0xFFFFFFFF, s13;
	[sflag:s3] =	ssyncadd.s32 $0xFFFFC000  }
0x23: {  	[tilespmem:s2], [sflag:$0x2] =	stream.linear.gather [hbm4b:s4+s2], $0x180, $0x38;
	[tilespmem:$0x4200] =	vst v63  }
0x24: {  	_ =	swait.ge [sflag:s3], $0x180  }
0x25: {  	[sflag:s3] =	ssyncset.done $0x0  }
0x26: {  	[sflag:s3] =	ssyncadd.s32 $0xFFFFFE80  }
0x27: {  	[tilespmem:s7], [sflag:$0x1] =	stream.indirect.gather [hbm4b:s5+s6], $0x80, s2, s6, $0xb8;
	[tilespmem:$0x4200] =	vst v63  }
0x28: {  	_ =	swait.ge [sflag:s8], $0x4000  }
0x29: {  	[sflag:s8] =	ssyncset.done $0x0  }
0x2a: {  	[sflag:s8] =	ssyncadd.s32 $0xFFFFC000  }
0x2b: {  	[hbm4b:s9+s2] =	stream.linear.scatter [tilespmem:s7], [sflag:$0x2], $0x4000, $0x38;
	[tilespmem:$0x4200] =	vst v63  }
0x2c: {  	_ =	swait.ge [sflag:s3], $0x4000  }
0x2d: {  	[sflag:s3] =	ssyncset.done $0x0  }
0x2e: {  	[sflag:s3] =	ssyncadd.s32 $0xFFFFC000  }
0x2f: {  	[tilespmem:s7], [sflag:$0x1] =	stream.indirect.gather [hbm4b:s5+s6], $0x80, s6, s6, $0xb8;
	[tilespmem:$0x4200] =	vst v63  }
0x30: {  	_ =	swait.ge [sflag:s8], $0x4000  }
0x31: {  	[sflag:s8] =	ssyncset.done $0x0  }
0x32: {  	[sflag:s8] =	ssyncadd.s32 $0xFFFFC000  }
0x33: {  	[hbm4b:s10+s2] =	stream.linear.scatter [tilespmem:s7], [sflag:$0x2], $0x4000, $0x38;
	[tilespmem:$0x4200] =	vst v63  }
0x34: {  	_ =	swait.ge [sflag:s3], $0x4000  }
0x35: {  	[sflag:s3] =	ssyncset.done $0x0  }
0x36: {  	[sflag:s3] =	ssyncadd.s32 $0xFFFFC000  }
0x37: {  	[tilespmem:s7], [sflag:$0x1] =	stream.indirect.gather [hbm4b:s5+s6], $0x80, s11, s6, $0xb8;
	[tilespmem:$0x4200] =	vst v63  }
0x38: {  	_ =	swait.ge [sflag:s8], $0x4000  }
.Ltmp1:
0x39: {  	[sflag:s8] =	ssyncset.done $0x0;
	(pc) =	sbr.rel @p0 .LBB2_1-.Ltmp1, $4  }
0x3a: {  	[sflag:s8] =	ssyncadd.s32 $0xFFFFC000  }
0x3b: {  	[hbm4b:s12+s2] =	stream.linear.scatter [tilespmem:s7], [sflag:$0x2], $0x4000, $0x38;
	[tilespmem:$0x4200] =	vst v63  }
0x3c: {  	_ =	swait.ge [sflag:s3], $0x4000  }
0x3d: {  	[sflag:s3] =	ssyncset.done $0x0  }
.LBB2_2:
0x3e: {  	[sflag:s3] =	ssyncadd.s32 $0xFFFFC000  }
0x3f: {  	_ =	sfence.sel $0x180000  }
0x40: {  	[bflag:$0x0] =	sbarrier.arrive $0xFFFF  }
0x41: {  	p0 =	sne.s32 s0, $0x0;
	_ =	strace $0x90000047  }
0x42: {  	s0 =	sadd.s32 @!p0 $0x100000, s1;
	[bflag:$0x2] =	sbarrier.arrive $0xFFFF  }
0x43: {  	[sflag:s0] =	ssyncadd.tile.s32 @!p0 $0x1;
	_ =	shalt  }
.Lfunc_end2:
_tile_overlayer_lowered:
.L_overlay_start_2:
0x44: {  	(tag) =	ssettag $0x2  }
0x45: {  	s0 =	rddreg [dreg:$0x0];
	s2 =	stileid.u32  }
0x46: {  	s1 =	rddreg [dreg:$0x1];
	p0 =	sne.s32 s2, $0x0  }
0x47: {  	s3 =	rddreg [dreg:$0x2];
	[bflag:$0x3] =	sbarrier.arrive $0xFFFF;
	s2 =	simm.s32 @!p0 $0x1C02  }
0x48: {  	[timem:s3], [sflag:s2] =	dma.local @!p0 [hbm:s0], s1  }
0x49: {  	s0 =	simm.s32 @!p0 $0x2  }
0x4a: {  	_ =	swait.ge @!p0 [sflag:s0], s1  }
0x4b: {  	s1 =	ssub.s32 @!p0 $0x0, s1;
	[sflag:s0] =	ssyncset.done @!p0 $0x0  }
0x4c: {  	[sflag:s0] =	ssyncadd.s32 @!p0 s1  }
0x4d: {  	[bflag:$0x3] =	sbarrier.arrive $0xFFFF  }
0x4e: {  	_ =	shalt  }

// kernel: kernel.27.cloned.1.call-start
scs
__scs_entry_jumppad:
0x0: {  	(pc) =	sbr.rel $0x88, $3  }
0x1: {  	(tag) =	ssettag $0x0;
	lr =	simm.s32 $0x1  }
0x2: {  	[smem:$0x3F8D] =	sst lr;
	_ =	strace $0xD0000000  }
0x3: {  	_ = 	snop  }
0x4: {  	_ = 	snop  }
0x5: {  	_ = 	snop  }
0x6: {  	_ = 	snop  }
0x7: {  	_ = 	snop  }
__scs_overlays_trampoline_lowered:
0x8: {  	[smem:$0x3F9C] =	sst s0  }
0x9: {  	[smem:$0x3F9D] =	sst s1  }
0xa: {  	[smem:$0x3F9E] =	sst s2  }
0xb: {  	[smem:$0x3F9F] =	sst s3  }
0xc: {  	[smem:$0x3FA0] =	sst s4  }
0xd: {  	[smem:$0x3FA1] =	sst s5  }
0xe: {  	[smem:$0x3FA2] =	sst s6  }
0xf: {  	[smem:$0x3FA3] =	sst s7  }
0x10: {  	[smem:$0x3FA4] =	sst s8  }
0x11: {  	[smem:$0x3FA5] =	sst s9;
	s0 =	simm.s32 @!p0 $0x0  }
0x12: {  	s1 =	sld [smem:$0x3F8B];
	s0 =	simm.s32 @p0 $0x1  }
0x13: {  	[smem:$0x3FA6] =	sst s0;
	s0 =	simm.s32 @!p1 $0x0  }
0x14: {  	s2 =	sld [smem:$0x3F8A];
	s0 =	simm.s32 @p1 $0x1  }
0x15: {  	[smem:$0x3FA7] =	sst s0;
	s0 =	simm.s32 @!p2 $0x0  }
0x16: {  	s3 =	sld [smem:$0x3FDB];
	s0 =	simm.s32 @p2 $0x1  }
0x17: {  	s4 =	simm.s32 $0x1BF5;
	[smem:$0x3FA9] =	sst s0  }
0x18: {  	s0 =	sld [smem:$0x3F8C];
	_ =	swait.ge [sflag:s4], $0x0  }
0x19: {  	s7 =	sld [smem:$0x3F8D]  }
0x1a: {  	s8 =	sadd.s32 $0xFFFFE003, lr  }
0x1b: {  	s9 =	sadd.s32 $0xFFFFFEF7, lr;
	s5 =	simm.s32 $0xFFFFFFFF;
	p2 =	slt.u32 s8, $0xFFFFF086  }
0x1c: {  	p1 =	slt.u32 s9, $0xF7A;
	s5 =	simm.s32 @!p2 $0x0  }
0x1d: {  	s5 =	simm.s32 @p1 $0x1;
	p0 =	seq.s32 s7, s2  }
0x1e: {  	s7 =	smul.u32 @!p0 $0xF7A, s2;
	p2 =	seq.s32 @!p0 s5, $0x0  }
0x1f: {  	s9 =	smul.u32 $0xF7A, s1;
	s8 =	simm.s32 @!p0 $0x1BF5;
	p2 =	por !p2, p0  }
0x20: {  	[sflag:s8] =	ssyncset.s32 @!p0 $0xFFFFF086;
	s6 =	sadd.s32 @!p0 s3, s7;
	s7 =	simm.s32 @!p0 $0x108  }
0x21: {  	s3 =	sadd.s32 s3, s9;
	s6 =	sadd.s32 @!p0 $0x88, s6;
	s7 =	simm.s32 @p2 $0x1082  }
0x22: {  	[simem:s7], [sflag:s8] =	dma.local @!p0 [hbm:s6], $0xF7A  }
0x23: {  	s9 =	sor.u32 $0xD0000000, s2;
	s6 =	simm.s32 $0x108;
	_ =	swait.ge @!p0 [sflag:s8], $0x0  }
0x24: {  	s3 =	sadd.s32 $0x88, s3;
	s6 =	simm.s32 @!p1 $0x1082;
	[sflag:s4] =	ssyncset.s32 $0xFFFFF086  }
0x25: {  	[simem:s6], [sflag:s4] =	dma.local [hbm:s3], $0xF7A  }
0x26: {  	[smem:$0x3F8D] =	sst s1;
	(tag) =	ssettag s2;
	_ =	strace s9  }
0x27: {  	s1 =	sld [smem:$0x3F9D]  }
0x28: {  	s2 =	sld [smem:$0x3F9E]  }
0x29: {  	s4 =	sld [smem:$0x3FA0]  }
0x2a: {  	p0 =	seq.s32 s5, $0x0;
	s5 =	sld [smem:$0x3FA1]  }
0x2b: {  	s6 =	sld [smem:$0x3FA2]  }
0x2c: {  	s7 =	sld [smem:$0x3FA3]  }
0x2d: {  	s3 =	simm.s32 $0x108;
	s8 =	sld [smem:$0x3FA4]  }
0x2e: {  	s3 =	simm.s32 @!p0 $0x1082;
	s9 =	sld [smem:$0x3FA5]  }
0x2f: {  	lr =	sadd.s32 s0, s3;
	s0 =	sld [smem:$0x3F9C]  }
0x30: {  	s3 =	sld [smem:$0x3F9F]  }
0x31: {  	[smem:$0x3FA8] =	sst s10  }
0x32: {  	s10 =	sld [smem:$0x3FA6];
	_ =	sdelay $0x3  }
0x33: {  	p0 =	seq.s32 s10, $0x1;
	s10 =	sld [smem:$0x3FA8];
	_ =	sdelay $0x3  }
0x34: {  	[smem:$0x3FA8] =	sst s10  }
0x35: {  	s10 =	sld [smem:$0x3FA7];
	_ =	sdelay $0x3  }
0x36: {  	p1 =	seq.s32 s10, $0x1;
	s10 =	sld [smem:$0x3FA8];
	_ =	sdelay $0x3  }
0x37: {  	[smem:$0x3FA8] =	sst s10  }
0x38: {  	s10 =	sld [smem:$0x3FA9]  }
0x39: {  	_ = 	snop;
	(pc) =	sbr.ind lr, $3  }
0x3a: {  	_ = 	snop  }
0x3b: {  	_ = 	snop  }
0x3c: {  	p2 =	seq.s32 s10, $0x1;
	s10 =	sld [smem:$0x3FA8]  }
0x3d: {  	_ =	shalt  }
0x3e: {  	_ =	shalt  }
0x3f: {  	_ =	shalt  }
0x40: {  	_ =	shalt  }
0x41: {  	_ =	shalt  }
0x42: {  	_ =	shalt  }
0x43: {  	_ =	shalt  }
0x44: {  	_ =	shalt  }
0x45: {  	_ =	shalt  }
0x46: {  	_ =	shalt  }
0x47: {  	_ =	shalt  }
0x48: {  	_ =	shalt  }
0x49: {  	_ =	shalt  }
0x4a: {  	_ =	shalt  }
0x4b: {  	_ =	shalt  }
0x4c: {  	_ =	shalt  }
0x4d: {  	_ =	shalt  }
0x4e: {  	_ =	shalt  }
0x4f: {  	_ =	shalt  }
0x50: {  	_ =	shalt  }
0x51: {  	_ =	shalt  }
0x52: {  	_ =	shalt  }
0x53: {  	_ =	shalt  }
0x54: {  	_ =	shalt  }
0x55: {  	_ =	shalt  }
0x56: {  	_ =	shalt  }
0x57: {  	_ =	shalt  }
0x58: {  	_ =	shalt  }
0x59: {  	_ =	shalt  }
0x5a: {  	_ =	shalt  }
0x5b: {  	_ =	shalt  }
0x5c: {  	_ =	shalt  }
0x5d: {  	_ =	shalt  }
0x5e: {  	_ =	shalt  }
0x5f: {  	_ =	shalt  }
0x60: {  	_ =	shalt  }
0x61: {  	_ =	shalt  }
0x62: {  	_ =	shalt  }
0x63: {  	_ =	shalt  }
0x64: {  	_ =	shalt  }
0x65: {  	_ =	shalt  }
0x66: {  	_ =	shalt  }
0x67: {  	_ =	shalt  }
0x68: {  	_ =	shalt  }
0x69: {  	_ =	shalt  }
0x6a: {  	_ =	shalt  }
0x6b: {  	_ =	shalt  }
0x6c: {  	_ =	shalt  }
0x6d: {  	_ =	shalt  }
0x6e: {  	_ =	shalt  }
0x6f: {  	_ =	shalt  }
0x70: {  	_ =	shalt  }
0x71: {  	_ =	shalt  }
0x72: {  	_ =	shalt  }
0x73: {  	_ =	shalt  }
0x74: {  	_ =	shalt  }
0x75: {  	_ =	shalt  }
0x76: {  	_ =	shalt  }
0x77: {  	_ =	shalt  }
0x78: {  	_ =	shalt  }
0x79: {  	_ =	shalt  }
0x7a: {  	_ =	shalt  }
0x7b: {  	_ =	shalt  }
0x7c: {  	_ =	shalt  }
0x7d: {  	_ =	shalt  }
0x7e: {  	_ =	shalt  }
0x7f: {  	_ =	shalt  }
0x80: {  	_ =	shalt  }
0x81: {  	_ =	shalt  }
0x82: {  	_ =	shalt  }
0x83: {  	_ =	shalt  }
0x84: {  	_ =	shalt  }
0x85: {  	_ =	shalt  }
0x86: {  	_ =	shalt  }
0x87: {  	_ =	shalt  }
.Lfunc_end0:
.L_simem_size_0:
called_computation.1_lowered:
.L_overlay_start_0:
0x88: {  	s2 =	sld [smem:$0x3FD9]  }
0x89: {  	s3 =	sld [smem:$0x3FFE];
	_ =	sdelay $0x1  }
0x8a: {  	s1 =	srdreg.scid  }
0x8b: {  	s0 =	sand.u32 $0x1, s1  }
0x8c: {  	s16 =	sshll.u32 s0, $0xA;
	s2 =	sadd.s32 s3, s2  }
0x8d: {  	s2 =	sadd.s32 s2, s16  }
0x8e: {  	[smem:$0x3FB4] =	sst s2  }
0x8f: {  	_ = 	snop  }
0x90: {  	(tm) =	ssettm $0x1  }
0x91: {  	s17 =	sld [smem:$0x3FFB];
	_ =	sdelay $0x3  }
0x92: {  	_ =	strace s17  }
0x93: {  	s2 =	sld [smem:$0x3FFC];
	_ =	sdelay $0x3  }
0x94: {  	_ =	strace s2  }
0x95: {  	s2 =	sld [smem:$0x3FFD];
	_ =	sdelay $0x3  }
0x96: {  	_ =	strace s2  }
0x97: {  	_ =	strace $0x8FFFFFFF  }
0x98: {  	s18 =	sld [smem:$0x3FDB];
	_ =	sdelay $0x1  }
0x99: {  	s19 =	simm.s32 $_scs_section_size  }
0x9a: {  	s4 =	simm.s32 $_size__tile_overlayer_lowered;
	s5 =	simm.s32 $_tile_overlayer_lowered  }
0x9b: {  	s22 =	simm.s32 $0x1BFF;
	s21 =	sshll.u32 s5, $0x1;
	s2 =	sadd.s32 s19, s18  }
0x9c: {  	s6 =	simm.s32 $0x0;
	s20 =	sshll.u32 s4, $0x1;
	s4 =	sadd.s32 s21, s2  }
0x9d: {  	[timem:s6], [sflag:s22] =	dma.local [hbm:s4], s20  }
0x9e: {  	_ =	swait.ge [sflag:s22], s20  }
0x9f: {  	s3 =	ssub.s32 $0x0, s20;
	[sflag:s22] =	ssyncset.done $0x0  }
0xa0: {  	[sflag:s22] =	ssyncadd.s32 s3;
	_ =	sdelay $0x1  }
0xa1: {  	s23 =	simm.s32 $0x1B8B  }
0xa2: {  	_ =	swait.ge [sflag:s23], $0x1  }
0xa3: {  	[sflag:s23] =	ssyncset.done $0x0  }
0xa4: {  	s25 =	simm.s32 $0x1B8E;
	s24 =	sld [smem:$0x3FFE];
	[sflag:s23] =	ssyncadd.s32 $0xFFFFFFFF  }
0xa5: {  	s26 =	simm.s32 $execute0_lowered;
	[smem:$0x3FD2] =	sst s25  }
0xa6: {  	s4 =	sshll.u32 s26, $0x1;
	_ =	strace $0x80000049;
	[dreg:$0x1] =	wrdreg $0xFFFFFFFF  }
0xa7: {  	s28 =	simm.s32 $_size_execute0_lowered;
	s2 =	sadd.s32 s2, s4;
	[dreg:$0x0] =	wrdreg $0x0  }
0xa8: {  	s4 =	sshll.u32 s28, $0x1;
	[dreg:$0x2] =	wrdreg s2  }
0xa9: {  	[dreg:$0x3] =	wrdreg s4  }
0xaa: {  	[dreg:$0x4] =	wrdreg $0xC0  }
0xab: {  	_ =	task [dreg:s6], $0x5FFFF  }
0xac: {  	[dreg:$0x1] =	wrdreg $0xFFFFFFFF  }
0xad: {  	[dreg:$0x0] =	wrdreg $0x60  }
0xae: {  	[dreg:$0x2] =	wrdreg s24  }
0xaf: {  	[dreg:$0x3] =	wrdreg $0x90000  }
0xb0: {  	[dreg:$0x4] =	wrdreg $0x9  }
0xb1: {  	_ =	task.clear_ibuf [dreg:s6], $0x5FFFF;
	_ =	strace $0x90000049  }
0xb2: {  	s29 =	simm.s32 $0x9;
	_ =	strace $0x8000004B  }
0xb3: {  	_ =	swait.ge [sflag:s29], $0x1  }
0xb4: {  	[sflag:s29] =	ssyncadd.s32 $0xFFFFFFFF  }
0xb5: {  	_ =	strace $0x9000004B  }
0xb6: {  	_ =	sfence  }
0xb7: {  	s30 =	sld [smem:$0x0];
	_ =	sdelay $0x2  }
0xb8: {  	s31 =	sshll.u32 s1, $0xD;
	s1 =	sshrl.u32 s1, $0x2  }
0xb9: {  	s3 =	sand.u32 $0x4000, s31;
	s1 =	sadd.s32 s1, s30  }
0xba: {  	s0 =	sor.u32 s3, s0;
	s1 =	sshll.u32 s1, $0x11  }
0xbb: {  	s0 =	sor.u32 s1, s0  }
0xbc: {  	s0 =	sadd.s32 $0x8F2B, s0  }
0xbd: {  	[sflag:s0] =	ssyncadd.remote.s32 $0x1  }
0xbe: {  	_ =	sfence.sel $0xFFFF  }
0xbf: {  	[dreg:$0x0] =	wrdreg $0xFFFFFFFF;
	(pc) =	sbr.abs _section_cstart, $3  }
0xc0: {  	[dreg:$0x1] =	wrdreg $0xFFFFFFFF  }
0xc1: {  	_ =	task.clear_ibuf [dreg:s6], $0x2FFFF;
	_ =	strace $0x9FFFFFFF  }
0xc2: {  	(tm) =	ssettm $0x7FFFFFFF  }
0xc3: {  	_ =	shalt  }
tec
execute0_lowered:
.L_overlay_start_1:
0x0: {  	(tag) =	ssettag $0x1  }
0x1: {  	s1 =	srdreg.scid  }
0x2: {  	s0 =	stileid.u32;
	s7 =	rddreg [dreg:$0x0]  }
0x3: {  	s2 =	rddreg [dreg:$0x1];
	s3 =	simm.s32 $0x0;
	s14 =	simm.s32 $0x80  }
0x4: {  	s15 =	simm.s32 $0x5000;
	s16 =	simm.s32 $0x1;
	s17 =	simm.s32 $0x0  }
0x5: {  	s6 =	sand.u32 $0x1, s1;
	s26 =	sshll.u32 s0, $0x1;
	s9 =	smul.u32 $0x13C00, s0  }
0x6: {  	[smem:$0x7FF] =	sst s3;
	s4 =	sadd.s32 $0x83000, s7;
	s28 =	smul.u32 $0x4F000, s0  }
0x7: {  	s31 =	sshll.u32 s0, $0x6;
	s1 =	sor.u32 s6, s26;
	s8 =	smul.u32 $0x13C000, s6  }
0x8: {  	s6 =	ssub.s32 $0x2, s6;
	s5 =	smul.u32 $0x500, s1;
	s1 =	rddreg [dreg:$0x2]  }
0x9: {  	_ =	strace $0x8000004A;
	s29 =	sshrl.u32 s6, $0x1;
	s30 =	sshrl.u32 s28, $0x2  }
0xa: {  	s8 =	sadd.s32 s9, s8;
	s12 =	ssub.s32 s6, s29;
	s13 =	sadd.s32 s30, s2  }
0xb: {  	s6 =	sor.u32 $0x1C02, s31;
	s10 =	sadd.s32 s5, s7;
	s8 =	sshrl.u32 s8, $0x3  }
0xc: {  	s5 =	sadd.s32 $0x6400, s7;
	s11 =	sadd.s32 s8, s7;
	s7 =	sadd.s32 $0x6F000, s10  }
0xd: {  	s8 =	sadd.s32 $0x79000, s10;
	s10 =	smax.u32 s12, $0x1;
	s12 =	simm.s32 $0x2  }
0xe: {  	s9 =	sadd.s32 $0x8C00, s11;
	s11 =	sshrl.u32 s13, $0x3;
	s13 =	simm.s32 $0x2800  }
.LBB2_1:
0xf: {  	[spmem:s11], [sflag:s6] =	dma.local [hbm:s5], $0x2780  }
0x10: {  	_ =	swait.ge [sflag:s12], $0x2780  }
0x11: {  	[sflag:s12] =	ssyncset.done $0x0  }
0x12: {  	[sflag:s12] =	ssyncadd.s32 $0xFFFFD880  }
0x13: {  	[tilespmem:s3], [sflag:$0x2] =	stream.linear.gather [hbm4b:s7+s3], $0x2780, $0x38;
	[tilespmem:$0x1CC00] =	vst v63  }
0x14: {  	_ =	swait.ge [sflag:s12], $0x2780  }
0x15: {  	[sflag:s12] =	ssyncset.done $0x0  }
0x16: {  	[sflag:s12] =	ssyncadd.s32 $0xFFFFD880  }
0x17: {  	[tilespmem:s13], [sflag:$0x2] =	stream.linear.gather [hbm4b:s8+s3], $0x2780, $0x38;
	[tilespmem:$0x1CC00] =	vst v63  }
0x18: {  	_ =	swait.ge [sflag:s12], $0x2780  }
0x19: {  	[sflag:s12] =	ssyncset.done $0x0  }
0x1a: {  	[sflag:s12] =	ssyncadd.s32 $0xFFFFD880  }
0x1b: {  	s18 =	simm.s32 $0x0;
	[bflag:$0x0] =	sbarrier.arrive $0xFFFF  }
0x1c: {  	[tilespmem:s15], [sflag:$0x1] =	stream.indirect.gather [hbm4b:s4+s14], $0x80, s18, s14, $0xb8;
	[tilespmem:$0x1CC00] =	vst v63  }
0x1d: {  	_ =	swait.ge [sflag:s16], $0x4000  }
0x1e: {  	[sflag:s16] =	ssyncset.done $0x0  }
0x1f: {  	s31 =	simm.s32 $0x2800;
	[sflag:s16] =	ssyncadd.s32 $0xFFFFC000  }
0x20: {  	[spmem:s2] =	stream.indirect.scatter.add.f32 [tilespmem:s15], [sflag:$0x2], $0x80, s31, s14, $0xb8;
	[tilespmem:$0x1CC00] =	vst v63  }
0x21: {  	_ =	swait.ge [sflag:s12], $0x4000  }
0x22: {  	s19 =	simm.s32 $0x400;
	s18 =	simm.s32 $0x200;
	[sflag:s12] =	ssyncset.done $0x0  }
.LBB2_2:
0x23: {  	s20 =	sshra.s32 s18, $0x2  }
0x24: {  	[sflag:s12] =	ssyncadd.s32 $0xFFFFC000;
	s18 =	smov.u32 s19;
	s21 =	sadd.s32 $0x200, s19  }
0x25: {  	[tilespmem:s15], [sflag:$0x1] =	stream.indirect.gather [hbm4b:s4+s14], $0x80, s20, s14, $0xb8;
	[tilespmem:$0x1CC00] =	vst v63  }
0x26: {  	p0 =	sne.s32 s19, $0x9C00;
	_ =	swait.ge [sflag:s16], $0x4000  }
.Ltmp0:
0x27: {  	[sflag:s16] =	ssyncset.done $0x0;
	(pc) =	sbr.rel @p0 .LBB2_2-.Ltmp0, $4  }
0x28: {  	s19 =	sadd.s32 $0x2800, s20;
	[sflag:s16] =	ssyncadd.s32 $0xFFFFC000  }
0x29: {  	[spmem:s2] =	stream.indirect.scatter.add.f32 [tilespmem:s15], [sflag:$0x2], $0x80, s19, s14, $0xb8;
	[tilespmem:$0x1CC00] =	vst v63  }
0x2a: {  	_ =	swait.ge [sflag:s12], $0x4000  }
0x2b: {  	s19 =	smov.u32 s21;
	[sflag:s12] =	ssyncset.done $0x0  }
0x2c: {  	s18 =	sshra.s32 s18, $0x2;
	[sflag:s12] =	ssyncadd.s32 $0xFFFFC000  }
0x2d: {  	[tilespmem:s15], [sflag:$0x1] =	stream.indirect.gather [hbm4b:s4+s14], $0x80, s18, s14, $0xb8;
	[tilespmem:$0x1CC00] =	vst v63  }
0x2e: {  	_ =	swait.ge [sflag:s16], $0x4000  }
0x2f: {  	[sflag:s16] =	ssyncset.done $0x0  }
0x30: {  	s18 =	sadd.s32 $0x2800, s18;
	[sflag:s16] =	ssyncadd.s32 $0xFFFFC000  }
0x31: {  	[spmem:s2] =	stream.indirect.scatter.add.f32 [tilespmem:s15], [sflag:$0x2], $0x80, s18, s14, $0xb8;
	[tilespmem:$0x1CC00] =	vst v63  }
0x32: {  	_ =	swait.ge [sflag:s12], $0x4000  }
0x33: {  	s17 =	sadd.s32 $0x1, s17;
	[sflag:s12] =	ssyncset.done $0x0  }
0x34: {  	p0 =	sne.s32 s17, s10;
	[sflag:s12] =	ssyncadd.s32 $0xFFFFC000  }
.Ltmp1:
0x35: {  	[bflag:$0x0] =	sbarrier.arrive $0xFFFF;
	(pc) =	sbr.rel @p0 .LBB2_1-.Ltmp1, $4  }
0x36: {  	[hbm:s9], [sflag:s6] =	dma.local [spmem:s11], $0x2780  }
0x37: {  	_ =	swait.ge [sflag:s12], $0x2780  }
0x38: {  	[sflag:s12] =	ssyncset.done $0x0  }
0x39: {  	[sflag:s12] =	ssyncadd.s32 $0xFFFFD880  }
0x3a: {  	_ =	sfence.sel $0x180000  }
0x3b: {  	[bflag:$0x0] =	sbarrier.arrive $0xFFFF  }
0x3c: {  	p0 =	sne.s32 s0, $0x0;
	_ =	strace $0x9000004A  }
0x3d: {  	s0 =	sadd.s32 @!p0 $0x100000, s1;
	[bflag:$0x2] =	sbarrier.arrive $0xFFFF  }
0x3e: {  	[sflag:s0] =	ssyncadd.tile.s32 @!p0 $0x1;
	_ =	shalt  }
.Lfunc_end2:
_tile_overlayer_lowered:
.L_overlay_start_2:
0x3f: {  	(tag) =	ssettag $0x2  }
0x40: {  	s0 =	rddreg [dreg:$0x0];
	s2 =	stileid.u32  }
0x41: {  	s1 =	rddreg [dreg:$0x1];
	p0 =	sne.s32 s2, $0x0  }
0x42: {  	s3 =	rddreg [dreg:$0x2];
	[bflag:$0x3] =	sbarrier.arrive $0xFFFF;
	s2 =	simm.s32 @!p0 $0x1C02  }
0x43: {  	[timem:s3], [sflag:s2] =	dma.local @!p0 [hbm:s0], s1  }
0x44: {  	s0 =	simm.s32 @!p0 $0x2  }
0x45: {  	_ =	swait.ge @!p0 [sflag:s0], s1  }
0x46: {  	s1 =	ssub.s32 @!p0 $0x0, s1;
	[sflag:s0] =	ssyncset.done @!p0 $0x0  }
0x47: {  	[sflag:s0] =	ssyncadd.s32 @!p0 s1  }
0x48: {  	[bflag:$0x3] =	sbarrier.arrive $0xFFFF  }
0x49: {  	_ =	shalt  }

// kernel: kernel.30.cloned.1.call-start
scs
__scs_entry_jumppad:
0x0: {  	(pc) =	sbr.rel $0x88, $3  }
0x1: {  	(tag) =	ssettag $0x0;
	lr =	simm.s32 $0x1  }
0x2: {  	[smem:$0x3F8D] =	sst lr;
	_ =	strace $0xD0000000  }
0x3: {  	_ = 	snop  }
0x4: {  	_ = 	snop  }
0x5: {  	_ = 	snop  }
0x6: {  	_ = 	snop  }
0x7: {  	_ = 	snop  }
__scs_overlays_trampoline_lowered:
0x8: {  	[smem:$0x3F9C] =	sst s0  }
0x9: {  	[smem:$0x3F9D] =	sst s1  }
0xa: {  	[smem:$0x3F9E] =	sst s2  }
0xb: {  	[smem:$0x3F9F] =	sst s3  }
0xc: {  	[smem:$0x3FA0] =	sst s4  }
0xd: {  	[smem:$0x3FA1] =	sst s5  }
0xe: {  	[smem:$0x3FA2] =	sst s6  }
0xf: {  	[smem:$0x3FA3] =	sst s7  }
0x10: {  	[smem:$0x3FA4] =	sst s8  }
0x11: {  	[smem:$0x3FA5] =	sst s9;
	s0 =	simm.s32 @!p0 $0x0  }
0x12: {  	s1 =	sld [smem:$0x3F8B];
	s0 =	simm.s32 @p0 $0x1  }
0x13: {  	[smem:$0x3FA6] =	sst s0;
	s0 =	simm.s32 @!p1 $0x0  }
0x14: {  	s2 =	sld [smem:$0x3F8A];
	s0 =	simm.s32 @p1 $0x1  }
0x15: {  	[smem:$0x3FA7] =	sst s0;
	s0 =	simm.s32 @!p2 $0x0  }
0x16: {  	s3 =	sld [smem:$0x3FDB];
	s0 =	simm.s32 @p2 $0x1  }
0x17: {  	s4 =	simm.s32 $0x1BF5;
	[smem:$0x3FA9] =	sst s0  }
0x18: {  	s0 =	sld [smem:$0x3F8C];
	_ =	swait.ge [sflag:s4], $0x0  }
0x19: {  	s7 =	sld [smem:$0x3F8D]  }
0x1a: {  	s8 =	sadd.s32 $0xFFFFE003, lr  }
0x1b: {  	s9 =	sadd.s32 $0xFFFFFEF7, lr;
	s5 =	simm.s32 $0xFFFFFFFF;
	p2 =	slt.u32 s8, $0xFFFFF086  }
0x1c: {  	p1 =	slt.u32 s9, $0xF7A;
	s5 =	simm.s32 @!p2 $0x0  }
0x1d: {  	s5 =	simm.s32 @p1 $0x1;
	p0 =	seq.s32 s7, s2  }
0x1e: {  	s7 =	smul.u32 @!p0 $0xF7A, s2;
	p2 =	seq.s32 @!p0 s5, $0x0  }
0x1f: {  	s9 =	smul.u32 $0xF7A, s1;
	s8 =	simm.s32 @!p0 $0x1BF5;
	p2 =	por !p2, p0  }
0x20: {  	[sflag:s8] =	ssyncset.s32 @!p0 $0xFFFFF086;
	s6 =	sadd.s32 @!p0 s3, s7;
	s7 =	simm.s32 @!p0 $0x108  }
0x21: {  	s3 =	sadd.s32 s3, s9;
	s6 =	sadd.s32 @!p0 $0x88, s6;
	s7 =	simm.s32 @p2 $0x1082  }
0x22: {  	[simem:s7], [sflag:s8] =	dma.local @!p0 [hbm:s6], $0xF7A  }
0x23: {  	s9 =	sor.u32 $0xD0000000, s2;
	s6 =	simm.s32 $0x108;
	_ =	swait.ge @!p0 [sflag:s8], $0x0  }
0x24: {  	s3 =	sadd.s32 $0x88, s3;
	s6 =	simm.s32 @!p1 $0x1082;
	[sflag:s4] =	ssyncset.s32 $0xFFFFF086  }
0x25: {  	[simem:s6], [sflag:s4] =	dma.local [hbm:s3], $0xF7A  }
0x26: {  	[smem:$0x3F8D] =	sst s1;
	(tag) =	ssettag s2;
	_ =	strace s9  }
0x27: {  	s1 =	sld [smem:$0x3F9D]  }
0x28: {  	s2 =	sld [smem:$0x3F9E]  }
0x29: {  	s4 =	sld [smem:$0x3FA0]  }
0x2a: {  	p0 =	seq.s32 s5, $0x0;
	s5 =	sld [smem:$0x3FA1]  }
0x2b: {  	s6 =	sld [smem:$0x3FA2]  }
0x2c: {  	s7 =	sld [smem:$0x3FA3]  }
0x2d: {  	s3 =	simm.s32 $0x108;
	s8 =	sld [smem:$0x3FA4]  }
0x2e: {  	s3 =	simm.s32 @!p0 $0x1082;
	s9 =	sld [smem:$0x3FA5]  }
0x2f: {  	lr =	sadd.s32 s0, s3;
	s0 =	sld [smem:$0x3F9C]  }
0x30: {  	s3 =	sld [smem:$0x3F9F]  }
0x31: {  	[smem:$0x3FA8] =	sst s10  }
0x32: {  	s10 =	sld [smem:$0x3FA6];
	_ =	sdelay $0x3  }
0x33: {  	p0 =	seq.s32 s10, $0x1;
	s10 =	sld [smem:$0x3FA8];
	_ =	sdelay $0x3  }
0x34: {  	[smem:$0x3FA8] =	sst s10  }
0x35: {  	s10 =	sld [smem:$0x3FA7];
	_ =	sdelay $0x3  }
0x36: {  	p1 =	seq.s32 s10, $0x1;
	s10 =	sld [smem:$0x3FA8];
	_ =	sdelay $0x3  }
0x37: {  	[smem:$0x3FA8] =	sst s10  }
0x38: {  	s10 =	sld [smem:$0x3FA9]  }
0x39: {  	_ = 	snop;
	(pc) =	sbr.ind lr, $3  }
0x3a: {  	_ = 	snop  }
0x3b: {  	_ = 	snop  }
0x3c: {  	p2 =	seq.s32 s10, $0x1;
	s10 =	sld [smem:$0x3FA8]  }
0x3d: {  	_ =	shalt  }
0x3e: {  	_ =	shalt  }
0x3f: {  	_ =	shalt  }
0x40: {  	_ =	shalt  }
0x41: {  	_ =	shalt  }
0x42: {  	_ =	shalt  }
0x43: {  	_ =	shalt  }
0x44: {  	_ =	shalt  }
0x45: {  	_ =	shalt  }
0x46: {  	_ =	shalt  }
0x47: {  	_ =	shalt  }
0x48: {  	_ =	shalt  }
0x49: {  	_ =	shalt  }
0x4a: {  	_ =	shalt  }
0x4b: {  	_ =	shalt  }
0x4c: {  	_ =	shalt  }
0x4d: {  	_ =	shalt  }
0x4e: {  	_ =	shalt  }
0x4f: {  	_ =	shalt  }
0x50: {  	_ =	shalt  }
0x51: {  	_ =	shalt  }
0x52: {  	_ =	shalt  }
0x53: {  	_ =	shalt  }
0x54: {  	_ =	shalt  }
0x55: {  	_ =	shalt  }
0x56: {  	_ =	shalt  }
0x57: {  	_ =	shalt  }
0x58: {  	_ =	shalt  }
0x59: {  	_ =	shalt  }
0x5a: {  	_ =	shalt  }
0x5b: {  	_ =	shalt  }
0x5c: {  	_ =	shalt  }
0x5d: {  	_ =	shalt  }
0x5e: {  	_ =	shalt  }
0x5f: {  	_ =	shalt  }
0x60: {  	_ =	shalt  }
0x61: {  	_ =	shalt  }
0x62: {  	_ =	shalt  }
0x63: {  	_ =	shalt  }
0x64: {  	_ =	shalt  }
0x65: {  	_ =	shalt  }
0x66: {  	_ =	shalt  }
0x67: {  	_ =	shalt  }
0x68: {  	_ =	shalt  }
0x69: {  	_ =	shalt  }
0x6a: {  	_ =	shalt  }
0x6b: {  	_ =	shalt  }
0x6c: {  	_ =	shalt  }
0x6d: {  	_ =	shalt  }
0x6e: {  	_ =	shalt  }
0x6f: {  	_ =	shalt  }
0x70: {  	_ =	shalt  }
0x71: {  	_ =	shalt  }
0x72: {  	_ =	shalt  }
0x73: {  	_ =	shalt  }
0x74: {  	_ =	shalt  }
0x75: {  	_ =	shalt  }
0x76: {  	_ =	shalt  }
0x77: {  	_ =	shalt  }
0x78: {  	_ =	shalt  }
0x79: {  	_ =	shalt  }
0x7a: {  	_ =	shalt  }
0x7b: {  	_ =	shalt  }
0x7c: {  	_ =	shalt  }
0x7d: {  	_ =	shalt  }
0x7e: {  	_ =	shalt  }
0x7f: {  	_ =	shalt  }
0x80: {  	_ =	shalt  }
0x81: {  	_ =	shalt  }
0x82: {  	_ =	shalt  }
0x83: {  	_ =	shalt  }
0x84: {  	_ =	shalt  }
0x85: {  	_ =	shalt  }
0x86: {  	_ =	shalt  }
0x87: {  	_ =	shalt  }
.Lfunc_end0:
.L_simem_size_0:
called_computation.2_lowered:
.L_overlay_start_0:
0x88: {  	s2 =	sld [smem:$0x3FD9]  }
0x89: {  	s3 =	sld [smem:$0x3FFE];
	_ =	sdelay $0x1  }
0x8a: {  	s1 =	srdreg.scid  }
0x8b: {  	s0 =	sand.u32 $0x1, s1  }
0x8c: {  	s16 =	sshll.u32 s0, $0xA;
	s2 =	sadd.s32 s3, s2  }
0x8d: {  	s2 =	sadd.s32 s2, s16  }
0x8e: {  	[smem:$0x3FB4] =	sst s2  }
0x8f: {  	_ = 	snop  }
0x90: {  	(tm) =	ssettm $0x1  }
0x91: {  	s17 =	sld [smem:$0x3FFB];
	_ =	sdelay $0x3  }
0x92: {  	_ =	strace s17  }
0x93: {  	s2 =	sld [smem:$0x3FFC];
	_ =	sdelay $0x3  }
0x94: {  	_ =	strace s2  }
0x95: {  	s2 =	sld [smem:$0x3FFD];
	_ =	sdelay $0x3  }
0x96: {  	_ =	strace s2  }
0x97: {  	_ =	strace $0x8FFFFFFF  }
0x98: {  	s18 =	sld [smem:$0x3FDB];
	_ =	sdelay $0x1  }
0x99: {  	s19 =	simm.s32 $_scs_section_size  }
0x9a: {  	s4 =	simm.s32 $_size__tile_overlayer_lowered;
	s5 =	simm.s32 $_tile_overlayer_lowered  }
0x9b: {  	s22 =	simm.s32 $0x1BFF;
	s21 =	sshll.u32 s5, $0x1;
	s2 =	sadd.s32 s19, s18  }
0x9c: {  	s6 =	simm.s32 $0x0;
	s20 =	sshll.u32 s4, $0x1;
	s4 =	sadd.s32 s21, s2  }
0x9d: {  	[timem:s6], [sflag:s22] =	dma.local [hbm:s4], s20  }
0x9e: {  	_ =	swait.ge [sflag:s22], s20  }
0x9f: {  	s3 =	ssub.s32 $0x0, s20;
	[sflag:s22] =	ssyncset.done $0x0  }
0xa0: {  	[sflag:s22] =	ssyncadd.s32 s3;
	_ =	sdelay $0x1  }
0xa1: {  	s23 =	simm.s32 $0x1B8B  }
0xa2: {  	_ =	swait.ge [sflag:s23], $0x1  }
0xa3: {  	[sflag:s23] =	ssyncset.done $0x0  }
0xa4: {  	s25 =	simm.s32 $0x1B8E;
	s24 =	sld [smem:$0x3FFE];
	[sflag:s23] =	ssyncadd.s32 $0xFFFFFFFF  }
0xa5: {  	s26 =	simm.s32 $execute0_lowered;
	[smem:$0x3FD2] =	sst s25  }
0xa6: {  	s4 =	sshll.u32 s26, $0x1;
	_ =	strace $0x8000004C;
	[dreg:$0x1] =	wrdreg $0xFFFFFFFF  }
0xa7: {  	s28 =	simm.s32 $_size_execute0_lowered;
	s2 =	sadd.s32 s2, s4;
	[dreg:$0x0] =	wrdreg $0x0  }
0xa8: {  	s4 =	sshll.u32 s28, $0x1;
	[dreg:$0x2] =	wrdreg s2  }
0xa9: {  	[dreg:$0x3] =	wrdreg s4  }
0xaa: {  	[dreg:$0x4] =	wrdreg $0xC0  }
0xab: {  	_ =	task [dreg:s6], $0x5FFFF  }
0xac: {  	[dreg:$0x1] =	wrdreg $0xFFFFFFFF  }
0xad: {  	[dreg:$0x0] =	wrdreg $0x60  }
0xae: {  	[dreg:$0x2] =	wrdreg s24  }
0xaf: {  	[dreg:$0x3] =	wrdreg $0x90000  }
0xb0: {  	[dreg:$0x4] =	wrdreg $0x9  }
0xb1: {  	_ =	task.clear_ibuf [dreg:s6], $0x5FFFF;
	_ =	strace $0x9000004C  }
0xb2: {  	s29 =	simm.s32 $0x9;
	_ =	strace $0x8000004E  }
0xb3: {  	_ =	swait.ge [sflag:s29], $0x1  }
0xb4: {  	[sflag:s29] =	ssyncadd.s32 $0xFFFFFFFF  }
0xb5: {  	_ =	strace $0x9000004E  }
0xb6: {  	_ =	sfence  }
0xb7: {  	s30 =	sld [smem:$0x0];
	_ =	sdelay $0x2  }
0xb8: {  	s31 =	sshll.u32 s1, $0xD;
	s1 =	sshrl.u32 s1, $0x2  }
0xb9: {  	s3 =	sand.u32 $0x4000, s31;
	s1 =	sadd.s32 s1, s30  }
0xba: {  	s0 =	sor.u32 s3, s0;
	s1 =	sshll.u32 s1, $0x11  }
0xbb: {  	s0 =	sor.u32 s1, s0  }
0xbc: {  	s0 =	sadd.s32 $0x8F2B, s0  }
0xbd: {  	[sflag:s0] =	ssyncadd.remote.s32 $0x1  }
0xbe: {  	_ =	sfence.sel $0xFFFF  }
0xbf: {  	[dreg:$0x0] =	wrdreg $0xFFFFFFFF;
	(pc) =	sbr.abs _section_cstart, $3  }
0xc0: {  	[dreg:$0x1] =	wrdreg $0xFFFFFFFF  }
0xc1: {  	_ =	task.clear_ibuf [dreg:s6], $0x2FFFF;
	_ =	strace $0x9FFFFFFF  }
0xc2: {  	(tm) =	ssettm $0x7FFFFFFF  }
0xc3: {  	_ =	shalt  }
tec
execute0_lowered:
.L_overlay_start_1:
0x0: {  	(tag) =	ssettag $0x1  }
0x1: {  	s1 =	srdreg.scid  }
0x2: {  	s0 =	stileid.u32;
	s7 =	rddreg [dreg:$0x0]  }
0x3: {  	s2 =	rddreg [dreg:$0x1];
	s3 =	simm.s32 $0x0;
	s14 =	simm.s32 $0x80  }
0x4: {  	s15 =	simm.s32 $0x5000;
	s16 =	simm.s32 $0x1;
	s17 =	simm.s32 $0x0  }
0x5: {  	s6 =	sand.u32 $0x1, s1;
	s26 =	sshll.u32 s0, $0x1;
	s9 =	smul.u32 $0x13C00, s0  }
0x6: {  	[smem:$0x7FF] =	sst s3;
	s4 =	sadd.s32 $0x83000, s7;
	s28 =	smul.u32 $0x4F000, s0  }
0x7: {  	s31 =	sshll.u32 s0, $0x6;
	s1 =	sor.u32 s6, s26;
	s8 =	smul.u32 $0x13C000, s6  }
0x8: {  	s6 =	ssub.s32 $0x2, s6;
	s5 =	smul.u32 $0x500, s1;
	s1 =	rddreg [dreg:$0x2]  }
0x9: {  	_ =	strace $0x8000004D;
	s29 =	sshrl.u32 s6, $0x1;
	s30 =	sshrl.u32 s28, $0x2  }
0xa: {  	s8 =	sadd.s32 s9, s8;
	s12 =	ssub.s32 s6, s29;
	s13 =	sadd.s32 s30, s2  }
0xb: {  	s6 =	sor.u32 $0x1C02, s31;
	s10 =	sadd.s32 s5, s7;
	s8 =	sshrl.u32 s8, $0x3  }
0xc: {  	s5 =	sadd.s32 $0x6400, s7;
	s11 =	sadd.s32 s8, s7;
	s7 =	sadd.s32 $0x6F000, s10  }
0xd: {  	s8 =	sadd.s32 $0x79000, s10;
	s10 =	smax.u32 s12, $0x1;
	s12 =	simm.s32 $0x2  }
0xe: {  	s9 =	sadd.s32 $0x8C00, s11;
	s11 =	sshrl.u32 s13, $0x3;
	s13 =	simm.s32 $0x2800  }
.LBB2_1:
0xf: {  	[spmem:s11], [sflag:s6] =	dma.local [hbm:s5], $0x2780  }
0x10: {  	_ =	swait.ge [sflag:s12], $0x2780  }
0x11: {  	[sflag:s12] =	ssyncset.done $0x0  }
0x12: {  	[sflag:s12] =	ssyncadd.s32 $0xFFFFD880  }
0x13: {  	[tilespmem:s3], [sflag:$0x2] =	stream.linear.gather [hbm4b:s7+s3], $0x2780, $0x38;
	[tilespmem:$0x1CC00] =	vst v63  }
0x14: {  	_ =	swait.ge [sflag:s12], $0x2780  }
0x15: {  	[sflag:s12] =	ssyncset.done $0x0  }
0x16: {  	[sflag:s12] =	ssyncadd.s32 $0xFFFFD880  }
0x17: {  	[tilespmem:s13], [sflag:$0x2] =	stream.linear.gather [hbm4b:s8+s3], $0x2780, $0x38;
	[tilespmem:$0x1CC00] =	vst v63  }
0x18: {  	_ =	swait.ge [sflag:s12], $0x2780  }
0x19: {  	[sflag:s12] =	ssyncset.done $0x0  }
0x1a: {  	[sflag:s12] =	ssyncadd.s32 $0xFFFFD880  }
0x1b: {  	s18 =	simm.s32 $0x0;
	[bflag:$0x0] =	sbarrier.arrive $0xFFFF  }
0x1c: {  	[tilespmem:s15], [sflag:$0x1] =	stream.indirect.gather [hbm4b:s4+s14], $0x80, s18, s14, $0xb8;
	[tilespmem:$0x1CC00] =	vst v63  }
0x1d: {  	_ =	swait.ge [sflag:s16], $0x4000  }
0x1e: {  	[sflag:s16] =	ssyncset.done $0x0  }
0x1f: {  	s31 =	simm.s32 $0x2800;
	[sflag:s16] =	ssyncadd.s32 $0xFFFFC000  }
0x20: {  	[spmem:s2] =	stream.indirect.scatter.add.f32 [tilespmem:s15], [sflag:$0x2], $0x80, s31, s14, $0xb8;
	[tilespmem:$0x1CC00] =	vst v63  }
0x21: {  	_ =	swait.ge [sflag:s12], $0x4000  }
0x22: {  	s19 =	simm.s32 $0x400;
	s18 =	simm.s32 $0x200;
	[sflag:s12] =	ssyncset.done $0x0  }
.LBB2_2:
0x23: {  	s20 =	sshra.s32 s18, $0x2  }
0x24: {  	[sflag:s12] =	ssyncadd.s32 $0xFFFFC000;
	s18 =	smov.u32 s19;
	s21 =	sadd.s32 $0x200, s19  }
0x25: {  	[tilespmem:s15], [sflag:$0x1] =	stream.indirect.gather [hbm4b:s4+s14], $0x80, s20, s14, $0xb8;
	[tilespmem:$0x1CC00] =	vst v63  }
0x26: {  	p0 =	sne.s32 s19, $0x9C00;
	_ =	swait.ge [sflag:s16], $0x4000  }
.Ltmp0:
0x27: {  	[sflag:s16] =	ssyncset.done $0x0;
	(pc) =	sbr.rel @p0 .LBB2_2-.Ltmp0, $4  }
0x28: {  	s19 =	sadd.s32 $0x2800, s20;
	[sflag:s16] =	ssyncadd.s32 $0xFFFFC000  }
0x29: {  	[spmem:s2] =	stream.indirect.scatter.add.f32 [tilespmem:s15], [sflag:$0x2], $0x80, s19, s14, $0xb8;
	[tilespmem:$0x1CC00] =	vst v63  }
0x2a: {  	_ =	swait.ge [sflag:s12], $0x4000  }
0x2b: {  	s19 =	smov.u32 s21;
	[sflag:s12] =	ssyncset.done $0x0  }
0x2c: {  	s18 =	sshra.s32 s18, $0x2;
	[sflag:s12] =	ssyncadd.s32 $0xFFFFC000  }
0x2d: {  	[tilespmem:s15], [sflag:$0x1] =	stream.indirect.gather [hbm4b:s4+s14], $0x80, s18, s14, $0xb8;
	[tilespmem:$0x1CC00] =	vst v63  }
0x2e: {  	_ =	swait.ge [sflag:s16], $0x4000  }
0x2f: {  	[sflag:s16] =	ssyncset.done $0x0  }
0x30: {  	s18 =	sadd.s32 $0x2800, s18;
	[sflag:s16] =	ssyncadd.s32 $0xFFFFC000  }
0x31: {  	[spmem:s2] =	stream.indirect.scatter.add.f32 [tilespmem:s15], [sflag:$0x2], $0x80, s18, s14, $0xb8;
	[tilespmem:$0x1CC00] =	vst v63  }
0x32: {  	_ =	swait.ge [sflag:s12], $0x4000  }
0x33: {  	s17 =	sadd.s32 $0x1, s17;
	[sflag:s12] =	ssyncset.done $0x0  }
0x34: {  	p0 =	sne.s32 s17, s10;
	[sflag:s12] =	ssyncadd.s32 $0xFFFFC000  }
.Ltmp1:
0x35: {  	[bflag:$0x0] =	sbarrier.arrive $0xFFFF;
	(pc) =	sbr.rel @p0 .LBB2_1-.Ltmp1, $4  }
0x36: {  	[hbm:s9], [sflag:s6] =	dma.local [spmem:s11], $0x2780  }
0x37: {  	_ =	swait.ge [sflag:s12], $0x2780  }
0x38: {  	[sflag:s12] =	ssyncset.done $0x0  }
0x39: {  	[sflag:s12] =	ssyncadd.s32 $0xFFFFD880  }
0x3a: {  	_ =	sfence.sel $0x180000  }
0x3b: {  	[bflag:$0x0] =	sbarrier.arrive $0xFFFF  }
0x3c: {  	p0 =	sne.s32 s0, $0x0;
	_ =	strace $0x9000004D  }
0x3d: {  	s0 =	sadd.s32 @!p0 $0x100000, s1;
	[bflag:$0x2] =	sbarrier.arrive $0xFFFF  }
0x3e: {  	[sflag:s0] =	ssyncadd.tile.s32 @!p0 $0x1;
	_ =	shalt  }
.Lfunc_end2:
_tile_overlayer_lowered:
.L_overlay_start_2:
0x3f: {  	(tag) =	ssettag $0x2  }
0x40: {  	s0 =	rddreg [dreg:$0x0];
	s2 =	stileid.u32  }
0x41: {  	s1 =	rddreg [dreg:$0x1];
	p0 =	sne.s32 s2, $0x0  }
0x42: {  	s3 =	rddreg [dreg:$0x2];
	[bflag:$0x3] =	sbarrier.arrive $0xFFFF;
	s2 =	simm.s32 @!p0 $0x1C02  }
0x43: {  	[timem:s3], [sflag:s2] =	dma.local @!p0 [hbm:s0], s1  }
0x44: {  	s0 =	simm.s32 @!p0 $0x2  }
0x45: {  	_ =	swait.ge @!p0 [sflag:s0], s1  }
0x46: {  	s1 =	ssub.s32 @!p0 $0x0, s1;
	[sflag:s0] =	ssyncset.done @!p0 $0x0  }
0x47: {  	[sflag:s0] =	ssyncadd.s32 @!p0 s1  }
0x48: {  	[bflag:$0x3] =	sbarrier.arrive $0xFFFF  }
0x49: {  	_ =	shalt  }

// kernel: kernel.33.cloned.1.call-start
scs
__scs_entry_jumppad:
0x0: {  	(pc) =	sbr.rel $0x88, $3  }
0x1: {  	(tag) =	ssettag $0x0;
	lr =	simm.s32 $0x1  }
0x2: {  	[smem:$0x3F8D] =	sst lr;
	_ =	strace $0xD0000000  }
0x3: {  	_ = 	snop  }
0x4: {  	_ = 	snop  }
0x5: {  	_ = 	snop  }
0x6: {  	_ = 	snop  }
0x7: {  	_ = 	snop  }
__scs_overlays_trampoline_lowered:
0x8: {  	[smem:$0x3F9C] =	sst s0  }
0x9: {  	[smem:$0x3F9D] =	sst s1  }
0xa: {  	[smem:$0x3F9E] =	sst s2  }
0xb: {  	[smem:$0x3F9F] =	sst s3  }
0xc: {  	[smem:$0x3FA0] =	sst s4  }
0xd: {  	[smem:$0x3FA1] =	sst s5  }
0xe: {  	[smem:$0x3FA2] =	sst s6  }
0xf: {  	[smem:$0x3FA3] =	sst s7  }
0x10: {  	[smem:$0x3FA4] =	sst s8  }
0x11: {  	[smem:$0x3FA5] =	sst s9;
	s0 =	simm.s32 @!p0 $0x0  }
0x12: {  	s1 =	sld [smem:$0x3F8B];
	s0 =	simm.s32 @p0 $0x1  }
0x13: {  	[smem:$0x3FA6] =	sst s0;
	s0 =	simm.s32 @!p1 $0x0  }
0x14: {  	s2 =	sld [smem:$0x3F8A];
	s0 =	simm.s32 @p1 $0x1  }
0x15: {  	[smem:$0x3FA7] =	sst s0;
	s0 =	simm.s32 @!p2 $0x0  }
0x16: {  	s3 =	sld [smem:$0x3FDB];
	s0 =	simm.s32 @p2 $0x1  }
0x17: {  	s4 =	simm.s32 $0x1BF5;
	[smem:$0x3FA9] =	sst s0  }
0x18: {  	s0 =	sld [smem:$0x3F8C];
	_ =	swait.ge [sflag:s4], $0x0  }
0x19: {  	s7 =	sld [smem:$0x3F8D]  }
0x1a: {  	s8 =	sadd.s32 $0xFFFFE003, lr  }
0x1b: {  	s9 =	sadd.s32 $0xFFFFFEF7, lr;
	s5 =	simm.s32 $0xFFFFFFFF;
	p2 =	slt.u32 s8, $0xFFFFF086  }
0x1c: {  	p1 =	slt.u32 s9, $0xF7A;
	s5 =	simm.s32 @!p2 $0x0  }
0x1d: {  	s5 =	simm.s32 @p1 $0x1;
	p0 =	seq.s32 s7, s2  }
0x1e: {  	s7 =	smul.u32 @!p0 $0xF7A, s2;
	p2 =	seq.s32 @!p0 s5, $0x0  }
0x1f: {  	s9 =	smul.u32 $0xF7A, s1;
	s8 =	simm.s32 @!p0 $0x1BF5;
	p2 =	por !p2, p0  }
0x20: {  	[sflag:s8] =	ssyncset.s32 @!p0 $0xFFFFF086;
	s6 =	sadd.s32 @!p0 s3, s7;
	s7 =	simm.s32 @!p0 $0x108  }
0x21: {  	s3 =	sadd.s32 s3, s9;
	s6 =	sadd.s32 @!p0 $0x88, s6;
	s7 =	simm.s32 @p2 $0x1082  }
0x22: {  	[simem:s7], [sflag:s8] =	dma.local @!p0 [hbm:s6], $0xF7A  }
0x23: {  	s9 =	sor.u32 $0xD0000000, s2;
	s6 =	simm.s32 $0x108;
	_ =	swait.ge @!p0 [sflag:s8], $0x0  }
0x24: {  	s3 =	sadd.s32 $0x88, s3;
	s6 =	simm.s32 @!p1 $0x1082;
	[sflag:s4] =	ssyncset.s32 $0xFFFFF086  }
0x25: {  	[simem:s6], [sflag:s4] =	dma.local [hbm:s3], $0xF7A  }
0x26: {  	[smem:$0x3F8D] =	sst s1;
	(tag) =	ssettag s2;
	_ =	strace s9  }
0x27: {  	s1 =	sld [smem:$0x3F9D]  }
0x28: {  	s2 =	sld [smem:$0x3F9E]  }
0x29: {  	s4 =	sld [smem:$0x3FA0]  }
0x2a: {  	p0 =	seq.s32 s5, $0x0;
	s5 =	sld [smem:$0x3FA1]  }
0x2b: {  	s6 =	sld [smem:$0x3FA2]  }
0x2c: {  	s7 =	sld [smem:$0x3FA3]  }
0x2d: {  	s3 =	simm.s32 $0x108;
	s8 =	sld [smem:$0x3FA4]  }
0x2e: {  	s3 =	simm.s32 @!p0 $0x1082;
	s9 =	sld [smem:$0x3FA5]  }
0x2f: {  	lr =	sadd.s32 s0, s3;
	s0 =	sld [smem:$0x3F9C]  }
0x30: {  	s3 =	sld [smem:$0x3F9F]  }
0x31: {  	[smem:$0x3FA8] =	sst s10  }
0x32: {  	s10 =	sld [smem:$0x3FA6];
	_ =	sdelay $0x3  }
0x33: {  	p0 =	seq.s32 s10, $0x1;
	s10 =	sld [smem:$0x3FA8];
	_ =	sdelay $0x3  }
0x34: {  	[smem:$0x3FA8] =	sst s10  }
0x35: {  	s10 =	sld [smem:$0x3FA7];
	_ =	sdelay $0x3  }
0x36: {  	p1 =	seq.s32 s10, $0x1;
	s10 =	sld [smem:$0x3FA8];
	_ =	sdelay $0x3  }
0x37: {  	[smem:$0x3FA8] =	sst s10  }
0x38: {  	s10 =	sld [smem:$0x3FA9]  }
0x39: {  	_ = 	snop;
	(pc) =	sbr.ind lr, $3  }
0x3a: {  	_ = 	snop  }
0x3b: {  	_ = 	snop  }
0x3c: {  	p2 =	seq.s32 s10, $0x1;
	s10 =	sld [smem:$0x3FA8]  }
0x3d: {  	_ =	shalt  }
0x3e: {  	_ =	shalt  }
0x3f: {  	_ =	shalt  }
0x40: {  	_ =	shalt  }
0x41: {  	_ =	shalt  }
0x42: {  	_ =	shalt  }
0x43: {  	_ =	shalt  }
0x44: {  	_ =	shalt  }
0x45: {  	_ =	shalt  }
0x46: {  	_ =	shalt  }
0x47: {  	_ =	shalt  }
0x48: {  	_ =	shalt  }
0x49: {  	_ =	shalt  }
0x4a: {  	_ =	shalt  }
0x4b: {  	_ =	shalt  }
0x4c: {  	_ =	shalt  }
0x4d: {  	_ =	shalt  }
0x4e: {  	_ =	shalt  }
0x4f: {  	_ =	shalt  }
0x50: {  	_ =	shalt  }
0x51: {  	_ =	shalt  }
0x52: {  	_ =	shalt  }
0x53: {  	_ =	shalt  }
0x54: {  	_ =	shalt  }
0x55: {  	_ =	shalt  }
0x56: {  	_ =	shalt  }
0x57: {  	_ =	shalt  }
0x58: {  	_ =	shalt  }
0x59: {  	_ =	shalt  }
0x5a: {  	_ =	shalt  }
0x5b: {  	_ =	shalt  }
0x5c: {  	_ =	shalt  }
0x5d: {  	_ =	shalt  }
0x5e: {  	_ =	shalt  }
0x5f: {  	_ =	shalt  }
0x60: {  	_ =	shalt  }
0x61: {  	_ =	shalt  }
0x62: {  	_ =	shalt  }
0x63: {  	_ =	shalt  }
0x64: {  	_ =	shalt  }
0x65: {  	_ =	shalt  }
0x66: {  	_ =	shalt  }
0x67: {  	_ =	shalt  }
0x68: {  	_ =	shalt  }
0x69: {  	_ =	shalt  }
0x6a: {  	_ =	shalt  }
0x6b: {  	_ =	shalt  }
0x6c: {  	_ =	shalt  }
0x6d: {  	_ =	shalt  }
0x6e: {  	_ =	shalt  }
0x6f: {  	_ =	shalt  }
0x70: {  	_ =	shalt  }
0x71: {  	_ =	shalt  }
0x72: {  	_ =	shalt  }
0x73: {  	_ =	shalt  }
0x74: {  	_ =	shalt  }
0x75: {  	_ =	shalt  }
0x76: {  	_ =	shalt  }
0x77: {  	_ =	shalt  }
0x78: {  	_ =	shalt  }
0x79: {  	_ =	shalt  }
0x7a: {  	_ =	shalt  }
0x7b: {  	_ =	shalt  }
0x7c: {  	_ =	shalt  }
0x7d: {  	_ =	shalt  }
0x7e: {  	_ =	shalt  }
0x7f: {  	_ =	shalt  }
0x80: {  	_ =	shalt  }
0x81: {  	_ =	shalt  }
0x82: {  	_ =	shalt  }
0x83: {  	_ =	shalt  }
0x84: {  	_ =	shalt  }
0x85: {  	_ =	shalt  }
0x86: {  	_ =	shalt  }
0x87: {  	_ =	shalt  }
.Lfunc_end0:
.L_simem_size_0:
called_computation.3_lowered:
.L_overlay_start_0:
0x88: {  	s2 =	sld [smem:$0x3FD9]  }
0x89: {  	s3 =	sld [smem:$0x3FFE];
	_ =	sdelay $0x1  }
0x8a: {  	s1 =	srdreg.scid  }
0x8b: {  	s0 =	sand.u32 $0x1, s1  }
0x8c: {  	s16 =	sshll.u32 s0, $0xA;
	s2 =	sadd.s32 s3, s2  }
0x8d: {  	s2 =	sadd.s32 s2, s16  }
0x8e: {  	[smem:$0x3FB4] =	sst s2  }
0x8f: {  	_ = 	snop  }
0x90: {  	(tm) =	ssettm $0x1  }
0x91: {  	s17 =	sld [smem:$0x3FFB];
	_ =	sdelay $0x3  }
0x92: {  	_ =	strace s17  }
0x93: {  	s2 =	sld [smem:$0x3FFC];
	_ =	sdelay $0x3  }
0x94: {  	_ =	strace s2  }
0x95: {  	s2 =	sld [smem:$0x3FFD];
	_ =	sdelay $0x3  }
0x96: {  	_ =	strace s2  }
0x97: {  	_ =	strace $0x8FFFFFFF  }
0x98: {  	s18 =	sld [smem:$0x3FDB];
	_ =	sdelay $0x1  }
0x99: {  	s19 =	simm.s32 $_scs_section_size  }
0x9a: {  	s4 =	simm.s32 $_size__tile_overlayer_lowered;
	s5 =	simm.s32 $_tile_overlayer_lowered  }
0x9b: {  	s22 =	simm.s32 $0x1BFF;
	s21 =	sshll.u32 s5, $0x1;
	s2 =	sadd.s32 s19, s18  }
0x9c: {  	s6 =	simm.s32 $0x0;
	s20 =	sshll.u32 s4, $0x1;
	s4 =	sadd.s32 s21, s2  }
0x9d: {  	[timem:s6], [sflag:s22] =	dma.local [hbm:s4], s20  }
0x9e: {  	_ =	swait.ge [sflag:s22], s20  }
0x9f: {  	s3 =	ssub.s32 $0x0, s20;
	[sflag:s22] =	ssyncset.done $0x0  }
0xa0: {  	[sflag:s22] =	ssyncadd.s32 s3;
	_ =	sdelay $0x1  }
0xa1: {  	s23 =	simm.s32 $0x1B8B  }
0xa2: {  	_ =	swait.ge [sflag:s23], $0x1  }
0xa3: {  	[sflag:s23] =	ssyncset.done $0x0  }
0xa4: {  	s25 =	simm.s32 $0x1B8E;
	s24 =	sld [smem:$0x3FFE];
	[sflag:s23] =	ssyncadd.s32 $0xFFFFFFFF  }
0xa5: {  	s26 =	simm.s32 $execute0_lowered;
	[smem:$0x3FD2] =	sst s25  }
0xa6: {  	s4 =	sshll.u32 s26, $0x1;
	_ =	strace $0x8000004F;
	[dreg:$0x1] =	wrdreg $0xFFFFFFFF  }
0xa7: {  	s28 =	simm.s32 $_size_execute0_lowered;
	s2 =	sadd.s32 s2, s4;
	[dreg:$0x0] =	wrdreg $0x0  }
0xa8: {  	s4 =	sshll.u32 s28, $0x1;
	[dreg:$0x2] =	wrdreg s2  }
0xa9: {  	[dreg:$0x3] =	wrdreg s4  }
0xaa: {  	[dreg:$0x4] =	wrdreg $0xC0  }
0xab: {  	_ =	task [dreg:s6], $0x5FFFF  }
0xac: {  	[dreg:$0x1] =	wrdreg $0xFFFFFFFF  }
0xad: {  	[dreg:$0x0] =	wrdreg $0x60  }
0xae: {  	[dreg:$0x2] =	wrdreg s24  }
0xaf: {  	[dreg:$0x3] =	wrdreg $0x90000  }
0xb0: {  	[dreg:$0x4] =	wrdreg $0x9  }
0xb1: {  	_ =	task.clear_ibuf [dreg:s6], $0x5FFFF;
	_ =	strace $0x9000004F  }
0xb2: {  	s29 =	simm.s32 $0x9;
	_ =	strace $0x80000051  }
0xb3: {  	_ =	swait.ge [sflag:s29], $0x1  }
0xb4: {  	[sflag:s29] =	ssyncadd.s32 $0xFFFFFFFF  }
0xb5: {  	_ =	strace $0x90000051  }
0xb6: {  	_ =	sfence  }
0xb7: {  	s30 =	sld [smem:$0x0];
	_ =	sdelay $0x2  }
0xb8: {  	s31 =	sshll.u32 s1, $0xD;
	s1 =	sshrl.u32 s1, $0x2  }
0xb9: {  	s3 =	sand.u32 $0x4000, s31;
	s1 =	sadd.s32 s1, s30  }
0xba: {  	s0 =	sor.u32 s3, s0;
	s1 =	sshll.u32 s1, $0x11  }
0xbb: {  	s0 =	sor.u32 s1, s0  }
0xbc: {  	s0 =	sadd.s32 $0x8F2B, s0  }
0xbd: {  	[sflag:s0] =	ssyncadd.remote.s32 $0x1  }
0xbe: {  	_ =	sfence.sel $0xFFFF  }
0xbf: {  	[dreg:$0x0] =	wrdreg $0xFFFFFFFF;
	(pc) =	sbr.abs _section_cstart, $3  }
0xc0: {  	[dreg:$0x1] =	wrdreg $0xFFFFFFFF  }
0xc1: {  	_ =	task.clear_ibuf [dreg:s6], $0x2FFFF;
	_ =	strace $0x9FFFFFFF  }
0xc2: {  	(tm) =	ssettm $0x7FFFFFFF  }
0xc3: {  	_ =	shalt  }
tec
execute0_lowered:
.L_overlay_start_1:
0x0: {  	(tag) =	ssettag $0x1  }
0x1: {  	s1 =	srdreg.scid  }
0x2: {  	s0 =	stileid.u32;
	s7 =	rddreg [dreg:$0x0]  }
0x3: {  	s2 =	rddreg [dreg:$0x1];
	s3 =	simm.s32 $0x0;
	s14 =	simm.s32 $0x80  }
0x4: {  	s15 =	simm.s32 $0x5000;
	s16 =	simm.s32 $0x1;
	s17 =	simm.s32 $0x0  }
0x5: {  	s6 =	sand.u32 $0x1, s1;
	s26 =	sshll.u32 s0, $0x1;
	s9 =	smul.u32 $0x13C00, s0  }
0x6: {  	[smem:$0x7FF] =	sst s3;
	s4 =	sadd.s32 $0x83000, s7;
	s28 =	smul.u32 $0x4F000, s0  }
0x7: {  	s31 =	sshll.u32 s0, $0x6;
	s1 =	sor.u32 s6, s26;
	s8 =	smul.u32 $0x13C000, s6  }
0x8: {  	s6 =	ssub.s32 $0x2, s6;
	s5 =	smul.u32 $0x500, s1;
	s1 =	rddreg [dreg:$0x2]  }
0x9: {  	_ =	strace $0x80000050;
	s29 =	sshrl.u32 s6, $0x1;
	s30 =	sshrl.u32 s28, $0x2  }
0xa: {  	s8 =	sadd.s32 s9, s8;
	s12 =	ssub.s32 s6, s29;
	s13 =	sadd.s32 s30, s2  }
0xb: {  	s6 =	sor.u32 $0x1C02, s31;
	s10 =	sadd.s32 s5, s7;
	s8 =	sshrl.u32 s8, $0x3  }
0xc: {  	s5 =	sadd.s32 $0x6400, s7;
	s11 =	sadd.s32 s8, s7;
	s7 =	sadd.s32 $0x6F000, s10  }
0xd: {  	s8 =	sadd.s32 $0x79000, s10;
	s10 =	smax.u32 s12, $0x1;
	s12 =	simm.s32 $0x2  }
0xe: {  	s9 =	sadd.s32 $0x8C00, s11;
	s11 =	sshrl.u32 s13, $0x3;
	s13 =	simm.s32 $0x2800  }
.LBB2_1:
0xf: {  	[spmem:s11], [sflag:s6] =	dma.local [hbm:s5], $0x2780  }
0x10: {  	_ =	swait.ge [sflag:s12], $0x2780  }
0x11: {  	[sflag:s12] =	ssyncset.done $0x0  }
0x12: {  	[sflag:s12] =	ssyncadd.s32 $0xFFFFD880  }
0x13: {  	[tilespmem:s3], [sflag:$0x2] =	stream.linear.gather [hbm4b:s7+s3], $0x2780, $0x38;
	[tilespmem:$0x1CC00] =	vst v63  }
0x14: {  	_ =	swait.ge [sflag:s12], $0x2780  }
0x15: {  	[sflag:s12] =	ssyncset.done $0x0  }
0x16: {  	[sflag:s12] =	ssyncadd.s32 $0xFFFFD880  }
0x17: {  	[tilespmem:s13], [sflag:$0x2] =	stream.linear.gather [hbm4b:s8+s3], $0x2780, $0x38;
	[tilespmem:$0x1CC00] =	vst v63  }
0x18: {  	_ =	swait.ge [sflag:s12], $0x2780  }
0x19: {  	[sflag:s12] =	ssyncset.done $0x0  }
0x1a: {  	[sflag:s12] =	ssyncadd.s32 $0xFFFFD880  }
0x1b: {  	s18 =	simm.s32 $0x0;
	[bflag:$0x0] =	sbarrier.arrive $0xFFFF  }
0x1c: {  	[tilespmem:s15], [sflag:$0x1] =	stream.indirect.gather [hbm4b:s4+s14], $0x80, s18, s14, $0xb8;
	[tilespmem:$0x1CC00] =	vst v63  }
0x1d: {  	_ =	swait.ge [sflag:s16], $0x4000  }
0x1e: {  	[sflag:s16] =	ssyncset.done $0x0  }
0x1f: {  	s31 =	simm.s32 $0x2800;
	[sflag:s16] =	ssyncadd.s32 $0xFFFFC000  }
0x20: {  	[spmem:s2] =	stream.indirect.scatter.add.f32 [tilespmem:s15], [sflag:$0x2], $0x80, s31, s14, $0xb8;
	[tilespmem:$0x1CC00] =	vst v63  }
0x21: {  	_ =	swait.ge [sflag:s12], $0x4000  }
0x22: {  	s19 =	simm.s32 $0x400;
	s18 =	simm.s32 $0x200;
	[sflag:s12] =	ssyncset.done $0x0  }
.LBB2_2:
0x23: {  	s20 =	sshra.s32 s18, $0x2  }
0x24: {  	[sflag:s12] =	ssyncadd.s32 $0xFFFFC000;
	s18 =	smov.u32 s19;
	s21 =	sadd.s32 $0x200, s19  }
0x25: {  	[tilespmem:s15], [sflag:$0x1] =	stream.indirect.gather [hbm4b:s4+s14], $0x80, s20, s14, $0xb8;
	[tilespmem:$0x1CC00] =	vst v63  }
0x26: {  	p0 =	sne.s32 s19, $0x9C00;
	_ =	swait.ge [sflag:s16], $0x4000  }
.Ltmp0:
0x27: {  	[sflag:s16] =	ssyncset.done $0x0;
	(pc) =	sbr.rel @p0 .LBB2_2-.Ltmp0, $4  }
0x28: {  	s19 =	sadd.s32 $0x2800, s20;
	[sflag:s16] =	ssyncadd.s32 $0xFFFFC000  }
0x29: {  	[spmem:s2] =	stream.indirect.scatter.add.f32 [tilespmem:s15], [sflag:$0x2], $0x80, s19, s14, $0xb8;
	[tilespmem:$0x1CC00] =	vst v63  }
0x2a: {  	_ =	swait.ge [sflag:s12], $0x4000  }
0x2b: {  	s19 =	smov.u32 s21;
	[sflag:s12] =	ssyncset.done $0x0  }
0x2c: {  	s18 =	sshra.s32 s18, $0x2;
	[sflag:s12] =	ssyncadd.s32 $0xFFFFC000  }
0x2d: {  	[tilespmem:s15], [sflag:$0x1] =	stream.indirect.gather [hbm4b:s4+s14], $0x80, s18, s14, $0xb8;
	[tilespmem:$0x1CC00] =	vst v63  }
0x2e: {  	_ =	swait.ge [sflag:s16], $0x4000  }
0x2f: {  	[sflag:s16] =	ssyncset.done $0x0  }
0x30: {  	s18 =	sadd.s32 $0x2800, s18;
	[sflag:s16] =	ssyncadd.s32 $0xFFFFC000  }
0x31: {  	[spmem:s2] =	stream.indirect.scatter.add.f32 [tilespmem:s15], [sflag:$0x2], $0x80, s18, s14, $0xb8;
	[tilespmem:$0x1CC00] =	vst v63  }
0x32: {  	_ =	swait.ge [sflag:s12], $0x4000  }
0x33: {  	s17 =	sadd.s32 $0x1, s17;
	[sflag:s12] =	ssyncset.done $0x0  }
0x34: {  	p0 =	sne.s32 s17, s10;
	[sflag:s12] =	ssyncadd.s32 $0xFFFFC000  }
.Ltmp1:
0x35: {  	[bflag:$0x0] =	sbarrier.arrive $0xFFFF;
	(pc) =	sbr.rel @p0 .LBB2_1-.Ltmp1, $4  }
0x36: {  	[hbm:s9], [sflag:s6] =	dma.local [spmem:s11], $0x2780  }
0x37: {  	_ =	swait.ge [sflag:s12], $0x2780  }
0x38: {  	[sflag:s12] =	ssyncset.done $0x0  }
0x39: {  	[sflag:s12] =	ssyncadd.s32 $0xFFFFD880  }
0x3a: {  	_ =	sfence.sel $0x180000  }
0x3b: {  	[bflag:$0x0] =	sbarrier.arrive $0xFFFF  }
0x3c: {  	p0 =	sne.s32 s0, $0x0;
	_ =	strace $0x90000050  }
0x3d: {  	s0 =	sadd.s32 @!p0 $0x100000, s1;
	[bflag:$0x2] =	sbarrier.arrive $0xFFFF  }
0x3e: {  	[sflag:s0] =	ssyncadd.tile.s32 @!p0 $0x1;
	_ =	shalt  }
.Lfunc_end2:
_tile_overlayer_lowered:
.L_overlay_start_2:
0x3f: {  	(tag) =	ssettag $0x2  }
0x40: {  	s0 =	rddreg [dreg:$0x0];
	s2 =	stileid.u32  }
0x41: {  	s1 =	rddreg [dreg:$0x1];
	p0 =	sne.s32 s2, $0x0  }
0x42: {  	s3 =	rddreg [dreg:$0x2];
	[bflag:$0x3] =	sbarrier.arrive $0xFFFF;
	s2 =	simm.s32 @!p0 $0x1C02  }
0x43: {  	[timem:s3], [sflag:s2] =	dma.local @!p0 [hbm:s0], s1  }
0x44: {  	s0 =	simm.s32 @!p0 $0x2  }
0x45: {  	_ =	swait.ge @!p0 [sflag:s0], s1  }
0x46: {  	s1 =	ssub.s32 @!p0 $0x0, s1;
	[sflag:s0] =	ssyncset.done @!p0 $0x0  }
0x47: {  	[sflag:s0] =	ssyncadd.s32 @!p0 s1  }
0x48: {  	[bflag:$0x3] =	sbarrier.arrive $0xFFFF  }
0x49: {  	_ =	shalt  }

// kernel: kernel.36.cloned.1.call-start
scs
__scs_entry_jumppad:
0x0: {  	(pc) =	sbr.rel $0x88, $3  }
0x1: {  	(tag) =	ssettag $0x0;
	lr =	simm.s32 $0x1  }
0x2: {  	[smem:$0x3F8D] =	sst lr;
	_ =	strace $0xD0000000  }
0x3: {  	_ = 	snop  }
0x4: {  	_ = 	snop  }
0x5: {  	_ = 	snop  }
0x6: {  	_ = 	snop  }
0x7: {  	_ = 	snop  }
__scs_overlays_trampoline_lowered:
0x8: {  	[smem:$0x3F9C] =	sst s0  }
0x9: {  	[smem:$0x3F9D] =	sst s1  }
0xa: {  	[smem:$0x3F9E] =	sst s2  }
0xb: {  	[smem:$0x3F9F] =	sst s3  }
0xc: {  	[smem:$0x3FA0] =	sst s4  }
0xd: {  	[smem:$0x3FA1] =	sst s5  }
0xe: {  	[smem:$0x3FA2] =	sst s6  }
0xf: {  	[smem:$0x3FA3] =	sst s7  }
0x10: {  	[smem:$0x3FA4] =	sst s8  }
0x11: {  	[smem:$0x3FA5] =	sst s9;
	s0 =	simm.s32 @!p0 $0x0  }
0x12: {  	s1 =	sld [smem:$0x3F8B];
	s0 =	simm.s32 @p0 $0x1  }
0x13: {  	[smem:$0x3FA6] =	sst s0;
	s0 =	simm.s32 @!p1 $0x0  }
0x14: {  	s2 =	sld [smem:$0x3F8A];
	s0 =	simm.s32 @p1 $0x1  }
0x15: {  	[smem:$0x3FA7] =	sst s0;
	s0 =	simm.s32 @!p2 $0x0  }
0x16: {  	s3 =	sld [smem:$0x3FDB];
	s0 =	simm.s32 @p2 $0x1  }
0x17: {  	s4 =	simm.s32 $0x1BF5;
	[smem:$0x3FA9] =	sst s0  }
0x18: {  	s0 =	sld [smem:$0x3F8C];
	_ =	swait.ge [sflag:s4], $0x0  }
0x19: {  	s7 =	sld [smem:$0x3F8D]  }
0x1a: {  	s8 =	sadd.s32 $0xFFFFE003, lr  }
0x1b: {  	s9 =	sadd.s32 $0xFFFFFEF7, lr;
	s5 =	simm.s32 $0xFFFFFFFF;
	p2 =	slt.u32 s8, $0xFFFFF086  }
0x1c: {  	p1 =	slt.u32 s9, $0xF7A;
	s5 =	simm.s32 @!p2 $0x0  }
0x1d: {  	s5 =	simm.s32 @p1 $0x1;
	p0 =	seq.s32 s7, s2  }
0x1e: {  	s7 =	smul.u32 @!p0 $0xF7A, s2;
	p2 =	seq.s32 @!p0 s5, $0x0  }
0x1f: {  	s9 =	smul.u32 $0xF7A, s1;
	s8 =	simm.s32 @!p0 $0x1BF5;
	p2 =	por !p2, p0  }
0x20: {  	[sflag:s8] =	ssyncset.s32 @!p0 $0xFFFFF086;
	s6 =	sadd.s32 @!p0 s3, s7;
	s7 =	simm.s32 @!p0 $0x108  }
0x21: {  	s3 =	sadd.s32 s3, s9;
	s6 =	sadd.s32 @!p0 $0x88, s6;
	s7 =	simm.s32 @p2 $0x1082  }
0x22: {  	[simem:s7], [sflag:s8] =	dma.local @!p0 [hbm:s6], $0xF7A  }
0x23: {  	s9 =	sor.u32 $0xD0000000, s2;
	s6 =	simm.s32 $0x108;
	_ =	swait.ge @!p0 [sflag:s8], $0x0  }
0x24: {  	s3 =	sadd.s32 $0x88, s3;
	s6 =	simm.s32 @!p1 $0x1082;
	[sflag:s4] =	ssyncset.s32 $0xFFFFF086  }
0x25: {  	[simem:s6], [sflag:s4] =	dma.local [hbm:s3], $0xF7A  }
0x26: {  	[smem:$0x3F8D] =	sst s1;
	(tag) =	ssettag s2;
	_ =	strace s9  }
0x27: {  	s1 =	sld [smem:$0x3F9D]  }
0x28: {  	s2 =	sld [smem:$0x3F9E]  }
0x29: {  	s4 =	sld [smem:$0x3FA0]  }
0x2a: {  	p0 =	seq.s32 s5, $0x0;
	s5 =	sld [smem:$0x3FA1]  }
0x2b: {  	s6 =	sld [smem:$0x3FA2]  }
0x2c: {  	s7 =	sld [smem:$0x3FA3]  }
0x2d: {  	s3 =	simm.s32 $0x108;
	s8 =	sld [smem:$0x3FA4]  }
0x2e: {  	s3 =	simm.s32 @!p0 $0x1082;
	s9 =	sld [smem:$0x3FA5]  }
0x2f: {  	lr =	sadd.s32 s0, s3;
	s0 =	sld [smem:$0x3F9C]  }
0x30: {  	s3 =	sld [smem:$0x3F9F]  }
0x31: {  	[smem:$0x3FA8] =	sst s10  }
0x32: {  	s10 =	sld [smem:$0x3FA6];
	_ =	sdelay $0x3  }
0x33: {  	p0 =	seq.s32 s10, $0x1;
	s10 =	sld [smem:$0x3FA8];
	_ =	sdelay $0x3  }
0x34: {  	[smem:$0x3FA8] =	sst s10  }
0x35: {  	s10 =	sld [smem:$0x3FA7];
	_ =	sdelay $0x3  }
0x36: {  	p1 =	seq.s32 s10, $0x1;
	s10 =	sld [smem:$0x3FA8];
	_ =	sdelay $0x3  }
0x37: {  	[smem:$0x3FA8] =	sst s10  }
0x38: {  	s10 =	sld [smem:$0x3FA9]  }
0x39: {  	_ = 	snop;
	(pc) =	sbr.ind lr, $3  }
0x3a: {  	_ = 	snop  }
0x3b: {  	_ = 	snop  }
0x3c: {  	p2 =	seq.s32 s10, $0x1;
	s10 =	sld [smem:$0x3FA8]  }
0x3d: {  	_ =	shalt  }
0x3e: {  	_ =	shalt  }
0x3f: {  	_ =	shalt  }
0x40: {  	_ =	shalt  }
0x41: {  	_ =	shalt  }
0x42: {  	_ =	shalt  }
0x43: {  	_ =	shalt  }
0x44: {  	_ =	shalt  }
0x45: {  	_ =	shalt  }
0x46: {  	_ =	shalt  }
0x47: {  	_ =	shalt  }
0x48: {  	_ =	shalt  }
0x49: {  	_ =	shalt  }
0x4a: {  	_ =	shalt  }
0x4b: {  	_ =	shalt  }
0x4c: {  	_ =	shalt  }
0x4d: {  	_ =	shalt  }
0x4e: {  	_ =	shalt  }
0x4f: {  	_ =	shalt  }
0x50: {  	_ =	shalt  }
0x51: {  	_ =	shalt  }
0x52: {  	_ =	shalt  }
0x53: {  	_ =	shalt  }
0x54: {  	_ =	shalt  }
0x55: {  	_ =	shalt  }
0x56: {  	_ =	shalt  }
0x57: {  	_ =	shalt  }
0x58: {  	_ =	shalt  }
0x59: {  	_ =	shalt  }
0x5a: {  	_ =	shalt  }
0x5b: {  	_ =	shalt  }
0x5c: {  	_ =	shalt  }
0x5d: {  	_ =	shalt  }
0x5e: {  	_ =	shalt  }
0x5f: {  	_ =	shalt  }
0x60: {  	_ =	shalt  }
0x61: {  	_ =	shalt  }
0x62: {  	_ =	shalt  }
0x63: {  	_ =	shalt  }
0x64: {  	_ =	shalt  }
0x65: {  	_ =	shalt  }
0x66: {  	_ =	shalt  }
0x67: {  	_ =	shalt  }
0x68: {  	_ =	shalt  }
0x69: {  	_ =	shalt  }
0x6a: {  	_ =	shalt  }
0x6b: {  	_ =	shalt  }
0x6c: {  	_ =	shalt  }
0x6d: {  	_ =	shalt  }
0x6e: {  	_ =	shalt  }
0x6f: {  	_ =	shalt  }
0x70: {  	_ =	shalt  }
0x71: {  	_ =	shalt  }
0x72: {  	_ =	shalt  }
0x73: {  	_ =	shalt  }
0x74: {  	_ =	shalt  }
0x75: {  	_ =	shalt  }
0x76: {  	_ =	shalt  }
0x77: {  	_ =	shalt  }
0x78: {  	_ =	shalt  }
0x79: {  	_ =	shalt  }
0x7a: {  	_ =	shalt  }
0x7b: {  	_ =	shalt  }
0x7c: {  	_ =	shalt  }
0x7d: {  	_ =	shalt  }
0x7e: {  	_ =	shalt  }
0x7f: {  	_ =	shalt  }
0x80: {  	_ =	shalt  }
0x81: {  	_ =	shalt  }
0x82: {  	_ =	shalt  }
0x83: {  	_ =	shalt  }
0x84: {  	_ =	shalt  }
0x85: {  	_ =	shalt  }
0x86: {  	_ =	shalt  }
0x87: {  	_ =	shalt  }
.Lfunc_end0:
.L_simem_size_0:
called_computation.4_lowered:
.L_overlay_start_0:
0x88: {  	s2 =	sld [smem:$0x3FD9]  }
0x89: {  	s3 =	sld [smem:$0x3FFE];
	_ =	sdelay $0x1  }
0x8a: {  	s1 =	srdreg.scid  }
0x8b: {  	s0 =	sand.u32 $0x1, s1  }
0x8c: {  	s16 =	sshll.u32 s0, $0xA;
	s2 =	sadd.s32 s3, s2  }
0x8d: {  	s2 =	sadd.s32 s2, s16  }
0x8e: {  	[smem:$0x3FB4] =	sst s2  }
0x8f: {  	_ = 	snop  }
0x90: {  	(tm) =	ssettm $0x1  }
0x91: {  	s17 =	sld [smem:$0x3FFB];
	_ =	sdelay $0x3  }
0x92: {  	_ =	strace s17  }
0x93: {  	s2 =	sld [smem:$0x3FFC];
	_ =	sdelay $0x3  }
0x94: {  	_ =	strace s2  }
0x95: {  	s2 =	sld [smem:$0x3FFD];
	_ =	sdelay $0x3  }
0x96: {  	_ =	strace s2  }
0x97: {  	_ =	strace $0x8FFFFFFF  }
0x98: {  	s18 =	sld [smem:$0x3FDB];
	_ =	sdelay $0x1  }
0x99: {  	s19 =	simm.s32 $_scs_section_size  }
0x9a: {  	s4 =	simm.s32 $_size__tile_overlayer_lowered;
	s5 =	simm.s32 $_tile_overlayer_lowered  }
0x9b: {  	s22 =	simm.s32 $0x1BFF;
	s21 =	sshll.u32 s5, $0x1;
	s2 =	sadd.s32 s19, s18  }
0x9c: {  	s6 =	simm.s32 $0x0;
	s20 =	sshll.u32 s4, $0x1;
	s4 =	sadd.s32 s21, s2  }
0x9d: {  	[timem:s6], [sflag:s22] =	dma.local [hbm:s4], s20  }
0x9e: {  	_ =	swait.ge [sflag:s22], s20  }
0x9f: {  	s3 =	ssub.s32 $0x0, s20;
	[sflag:s22] =	ssyncset.done $0x0  }
0xa0: {  	[sflag:s22] =	ssyncadd.s32 s3;
	_ =	sdelay $0x1  }
0xa1: {  	s23 =	simm.s32 $0x1B8B  }
0xa2: {  	_ =	swait.ge [sflag:s23], $0x1  }
0xa3: {  	[sflag:s23] =	ssyncset.done $0x0  }
0xa4: {  	s25 =	simm.s32 $0x1B8E;
	s24 =	sld [smem:$0x3FFE];
	[sflag:s23] =	ssyncadd.s32 $0xFFFFFFFF  }
0xa5: {  	s26 =	simm.s32 $execute0_lowered;
	[smem:$0x3FD2] =	sst s25  }
0xa6: {  	s4 =	sshll.u32 s26, $0x1;
	_ =	strace $0x80000052;
	[dreg:$0x1] =	wrdreg $0xFFFFFFFF  }
0xa7: {  	s28 =	simm.s32 $_size_execute0_lowered;
	s2 =	sadd.s32 s2, s4;
	[dreg:$0x0] =	wrdreg $0x0  }
0xa8: {  	s4 =	sshll.u32 s28, $0x1;
	[dreg:$0x2] =	wrdreg s2  }
0xa9: {  	[dreg:$0x3] =	wrdreg s4  }
0xaa: {  	[dreg:$0x4] =	wrdreg $0xC0  }
0xab: {  	_ =	task [dreg:s6], $0x5FFFF  }
0xac: {  	[dreg:$0x1] =	wrdreg $0xFFFFFFFF  }
0xad: {  	[dreg:$0x0] =	wrdreg $0x60  }
0xae: {  	[dreg:$0x2] =	wrdreg s24  }
0xaf: {  	[dreg:$0x3] =	wrdreg $0x90000  }
0xb0: {  	[dreg:$0x4] =	wrdreg $0x9  }
0xb1: {  	_ =	task.clear_ibuf [dreg:s6], $0x5FFFF;
	_ =	strace $0x90000052  }
0xb2: {  	s29 =	simm.s32 $0x9;
	_ =	strace $0x80000054  }
0xb3: {  	_ =	swait.ge [sflag:s29], $0x1  }
0xb4: {  	[sflag:s29] =	ssyncadd.s32 $0xFFFFFFFF  }
0xb5: {  	_ =	strace $0x90000054  }
0xb6: {  	_ =	sfence  }
0xb7: {  	s30 =	sld [smem:$0x0];
	_ =	sdelay $0x2  }
0xb8: {  	s31 =	sshll.u32 s1, $0xD;
	s1 =	sshrl.u32 s1, $0x2  }
0xb9: {  	s3 =	sand.u32 $0x4000, s31;
	s1 =	sadd.s32 s1, s30  }
0xba: {  	s0 =	sor.u32 s3, s0;
	s1 =	sshll.u32 s1, $0x11  }
0xbb: {  	s0 =	sor.u32 s1, s0  }
0xbc: {  	s0 =	sadd.s32 $0x8F2B, s0  }
0xbd: {  	[sflag:s0] =	ssyncadd.remote.s32 $0x1  }
0xbe: {  	_ =	sfence.sel $0xFFFF  }
0xbf: {  	[dreg:$0x0] =	wrdreg $0xFFFFFFFF;
	(pc) =	sbr.abs _section_cstart, $3  }
0xc0: {  	[dreg:$0x1] =	wrdreg $0xFFFFFFFF  }
0xc1: {  	_ =	task.clear_ibuf [dreg:s6], $0x2FFFF;
	_ =	strace $0x9FFFFFFF  }
0xc2: {  	(tm) =	ssettm $0x7FFFFFFF  }
0xc3: {  	_ =	shalt  }
tec
execute0_lowered:
.L_overlay_start_1:
0x0: {  	(tag) =	ssettag $0x1  }
0x1: {  	s1 =	srdreg.scid  }
0x2: {  	s0 =	stileid.u32;
	s7 =	rddreg [dreg:$0x0]  }
0x3: {  	s2 =	rddreg [dreg:$0x1];
	s3 =	simm.s32 $0x0;
	s14 =	simm.s32 $0x80  }
0x4: {  	s15 =	simm.s32 $0x5000;
	s16 =	simm.s32 $0x1;
	s17 =	simm.s32 $0x0  }
0x5: {  	s6 =	sand.u32 $0x1, s1;
	s26 =	sshll.u32 s0, $0x1;
	s9 =	smul.u32 $0x13C00, s0  }
0x6: {  	[smem:$0x7FF] =	sst s3;
	s4 =	sadd.s32 $0x83000, s7;
	s28 =	smul.u32 $0x4F000, s0  }
0x7: {  	s31 =	sshll.u32 s0, $0x6;
	s1 =	sor.u32 s6, s26;
	s8 =	smul.u32 $0x13C000, s6  }
0x8: {  	s6 =	ssub.s32 $0x2, s6;
	s5 =	smul.u32 $0x500, s1;
	s1 =	rddreg [dreg:$0x2]  }
0x9: {  	_ =	strace $0x80000053;
	s29 =	sshrl.u32 s6, $0x1;
	s30 =	sshrl.u32 s28, $0x2  }
0xa: {  	s8 =	sadd.s32 s9, s8;
	s12 =	ssub.s32 s6, s29;
	s13 =	sadd.s32 s30, s2  }
0xb: {  	s6 =	sor.u32 $0x1C02, s31;
	s10 =	sadd.s32 s5, s7;
	s8 =	sshrl.u32 s8, $0x3  }
0xc: {  	s5 =	sadd.s32 $0x6400, s7;
	s11 =	sadd.s32 s8, s7;
	s7 =	sadd.s32 $0x6F000, s10  }
0xd: {  	s8 =	sadd.s32 $0x79000, s10;
	s10 =	smax.u32 s12, $0x1;
	s12 =	simm.s32 $0x2  }
0xe: {  	s9 =	sadd.s32 $0x8C00, s11;
	s11 =	sshrl.u32 s13, $0x3;
	s13 =	simm.s32 $0x2800  }
.LBB2_1:
0xf: {  	[spmem:s11], [sflag:s6] =	dma.local [hbm:s5], $0x2780  }
0x10: {  	_ =	swait.ge [sflag:s12], $0x2780  }
0x11: {  	[sflag:s12] =	ssyncset.done $0x0  }
0x12: {  	[sflag:s12] =	ssyncadd.s32 $0xFFFFD880  }
0x13: {  	[tilespmem:s3], [sflag:$0x2] =	stream.linear.gather [hbm4b:s7+s3], $0x2780, $0x38;
	[tilespmem:$0x1CC00] =	vst v63  }
0x14: {  	_ =	swait.ge [sflag:s12], $0x2780  }
0x15: {  	[sflag:s12] =	ssyncset.done $0x0  }
0x16: {  	[sflag:s12] =	ssyncadd.s32 $0xFFFFD880  }
0x17: {  	[tilespmem:s13], [sflag:$0x2] =	stream.linear.gather [hbm4b:s8+s3], $0x2780, $0x38;
	[tilespmem:$0x1CC00] =	vst v63  }
0x18: {  	_ =	swait.ge [sflag:s12], $0x2780  }
0x19: {  	[sflag:s12] =	ssyncset.done $0x0  }
0x1a: {  	[sflag:s12] =	ssyncadd.s32 $0xFFFFD880  }
0x1b: {  	s18 =	simm.s32 $0x0;
	[bflag:$0x0] =	sbarrier.arrive $0xFFFF  }
0x1c: {  	[tilespmem:s15], [sflag:$0x1] =	stream.indirect.gather [hbm4b:s4+s14], $0x80, s18, s14, $0xb8;
	[tilespmem:$0x1CC00] =	vst v63  }
0x1d: {  	_ =	swait.ge [sflag:s16], $0x4000  }
0x1e: {  	[sflag:s16] =	ssyncset.done $0x0  }
0x1f: {  	s31 =	simm.s32 $0x2800;
	[sflag:s16] =	ssyncadd.s32 $0xFFFFC000  }
0x20: {  	[spmem:s2] =	stream.indirect.scatter.add.f32 [tilespmem:s15], [sflag:$0x2], $0x80, s31, s14, $0xb8;
	[tilespmem:$0x1CC00] =	vst v63  }
0x21: {  	_ =	swait.ge [sflag:s12], $0x4000  }
0x22: {  	s19 =	simm.s32 $0x400;
	s18 =	simm.s32 $0x200;
	[sflag:s12] =	ssyncset.done $0x0  }
.LBB2_2:
0x23: {  	s20 =	sshra.s32 s18, $0x2  }
0x24: {  	[sflag:s12] =	ssyncadd.s32 $0xFFFFC000;
	s18 =	smov.u32 s19;
	s21 =	sadd.s32 $0x200, s19  }
0x25: {  	[tilespmem:s15], [sflag:$0x1] =	stream.indirect.gather [hbm4b:s4+s14], $0x80, s20, s14, $0xb8;
	[tilespmem:$0x1CC00] =	vst v63  }
0x26: {  	p0 =	sne.s32 s19, $0x9C00;
	_ =	swait.ge [sflag:s16], $0x4000  }
.Ltmp0:
0x27: {  	[sflag:s16] =	ssyncset.done $0x0;
	(pc) =	sbr.rel @p0 .LBB2_2-.Ltmp0, $4  }
0x28: {  	s19 =	sadd.s32 $0x2800, s20;
	[sflag:s16] =	ssyncadd.s32 $0xFFFFC000  }
0x29: {  	[spmem:s2] =	stream.indirect.scatter.add.f32 [tilespmem:s15], [sflag:$0x2], $0x80, s19, s14, $0xb8;
	[tilespmem:$0x1CC00] =	vst v63  }
0x2a: {  	_ =	swait.ge [sflag:s12], $0x4000  }
0x2b: {  	s19 =	smov.u32 s21;
	[sflag:s12] =	ssyncset.done $0x0  }
0x2c: {  	s18 =	sshra.s32 s18, $0x2;
	[sflag:s12] =	ssyncadd.s32 $0xFFFFC000  }
0x2d: {  	[tilespmem:s15], [sflag:$0x1] =	stream.indirect.gather [hbm4b:s4+s14], $0x80, s18, s14, $0xb8;
	[tilespmem:$0x1CC00] =	vst v63  }
0x2e: {  	_ =	swait.ge [sflag:s16], $0x4000  }
0x2f: {  	[sflag:s16] =	ssyncset.done $0x0  }
0x30: {  	s18 =	sadd.s32 $0x2800, s18;
	[sflag:s16] =	ssyncadd.s32 $0xFFFFC000  }
0x31: {  	[spmem:s2] =	stream.indirect.scatter.add.f32 [tilespmem:s15], [sflag:$0x2], $0x80, s18, s14, $0xb8;
	[tilespmem:$0x1CC00] =	vst v63  }
0x32: {  	_ =	swait.ge [sflag:s12], $0x4000  }
0x33: {  	s17 =	sadd.s32 $0x1, s17;
	[sflag:s12] =	ssyncset.done $0x0  }
0x34: {  	p0 =	sne.s32 s17, s10;
	[sflag:s12] =	ssyncadd.s32 $0xFFFFC000  }
.Ltmp1:
0x35: {  	[bflag:$0x0] =	sbarrier.arrive $0xFFFF;
	(pc) =	sbr.rel @p0 .LBB2_1-.Ltmp1, $4  }
0x36: {  	[hbm:s9], [sflag:s6] =	dma.local [spmem:s11], $0x2780  }
0x37: {  	_ =	swait.ge [sflag:s12], $0x2780  }
0x38: {  	[sflag:s12] =	ssyncset.done $0x0  }
0x39: {  	[sflag:s12] =	ssyncadd.s32 $0xFFFFD880  }
0x3a: {  	_ =	sfence.sel $0x180000  }
0x3b: {  	[bflag:$0x0] =	sbarrier.arrive $0xFFFF  }
0x3c: {  	p0 =	sne.s32 s0, $0x0;
	_ =	strace $0x90000053  }
0x3d: {  	s0 =	sadd.s32 @!p0 $0x100000, s1;
	[bflag:$0x2] =	sbarrier.arrive $0xFFFF  }
0x3e: {  	[sflag:s0] =	ssyncadd.tile.s32 @!p0 $0x1;
	_ =	shalt  }
.Lfunc_end2:
_tile_overlayer_lowered:
.L_overlay_start_2:
0x3f: {  	(tag) =	ssettag $0x2  }
0x40: {  	s0 =	rddreg [dreg:$0x0];
	s2 =	stileid.u32  }
0x41: {  	s1 =	rddreg [dreg:$0x1];
	p0 =	sne.s32 s2, $0x0  }
0x42: {  	s3 =	rddreg [dreg:$0x2];
	[bflag:$0x3] =	sbarrier.arrive $0xFFFF;
	s2 =	simm.s32 @!p0 $0x1C02  }
0x43: {  	[timem:s3], [sflag:s2] =	dma.local @!p0 [hbm:s0], s1  }
0x44: {  	s0 =	simm.s32 @!p0 $0x2  }
0x45: {  	_ =	swait.ge @!p0 [sflag:s0], s1  }
0x46: {  	s1 =	ssub.s32 @!p0 $0x0, s1;
	[sflag:s0] =	ssyncset.done @!p0 $0x0  }
0x47: {  	[sflag:s0] =	ssyncadd.s32 @!p0 s1  }
0x48: {  	[bflag:$0x3] =	sbarrier.arrive $0xFFFF  }
0x49: {  	_ =	shalt  }

// kernel: kernel.39.cloned.1.call-start
scs
__scs_entry_jumppad:
0x0: {  	(pc) =	sbr.rel $0x88, $3  }
0x1: {  	(tag) =	ssettag $0x0;
	lr =	simm.s32 $0x1  }
0x2: {  	[smem:$0x3F8D] =	sst lr;
	_ =	strace $0xD0000000  }
0x3: {  	_ = 	snop  }
0x4: {  	_ = 	snop  }
0x5: {  	_ = 	snop  }
0x6: {  	_ = 	snop  }
0x7: {  	_ = 	snop  }
__scs_overlays_trampoline_lowered:
0x8: {  	[smem:$0x3F9C] =	sst s0  }
0x9: {  	[smem:$0x3F9D] =	sst s1  }
0xa: {  	[smem:$0x3F9E] =	sst s2  }
0xb: {  	[smem:$0x3F9F] =	sst s3  }
0xc: {  	[smem:$0x3FA0] =	sst s4  }
0xd: {  	[smem:$0x3FA1] =	sst s5  }
0xe: {  	[smem:$0x3FA2] =	sst s6  }
0xf: {  	[smem:$0x3FA3] =	sst s7  }
0x10: {  	[smem:$0x3FA4] =	sst s8  }
0x11: {  	[smem:$0x3FA5] =	sst s9;
	s0 =	simm.s32 @!p0 $0x0  }
0x12: {  	s1 =	sld [smem:$0x3F8B];
	s0 =	simm.s32 @p0 $0x1  }
0x13: {  	[smem:$0x3FA6] =	sst s0;
	s0 =	simm.s32 @!p1 $0x0  }
0x14: {  	s2 =	sld [smem:$0x3F8A];
	s0 =	simm.s32 @p1 $0x1  }
0x15: {  	[smem:$0x3FA7] =	sst s0;
	s0 =	simm.s32 @!p2 $0x0  }
0x16: {  	s3 =	sld [smem:$0x3FDB];
	s0 =	simm.s32 @p2 $0x1  }
0x17: {  	s4 =	simm.s32 $0x1BF5;
	[smem:$0x3FA9] =	sst s0  }
0x18: {  	s0 =	sld [smem:$0x3F8C];
	_ =	swait.ge [sflag:s4], $0x0  }
0x19: {  	s7 =	sld [smem:$0x3F8D]  }
0x1a: {  	s8 =	sadd.s32 $0xFFFFE003, lr  }
0x1b: {  	s9 =	sadd.s32 $0xFFFFFEF7, lr;
	s5 =	simm.s32 $0xFFFFFFFF;
	p2 =	slt.u32 s8, $0xFFFFF086  }
0x1c: {  	p1 =	slt.u32 s9, $0xF7A;
	s5 =	simm.s32 @!p2 $0x0  }
0x1d: {  	s5 =	simm.s32 @p1 $0x1;
	p0 =	seq.s32 s7, s2  }
0x1e: {  	s7 =	smul.u32 @!p0 $0xF7A, s2;
	p2 =	seq.s32 @!p0 s5, $0x0  }
0x1f: {  	s9 =	smul.u32 $0xF7A, s1;
	s8 =	simm.s32 @!p0 $0x1BF5;
	p2 =	por !p2, p0  }
0x20: {  	[sflag:s8] =	ssyncset.s32 @!p0 $0xFFFFF086;
	s6 =	sadd.s32 @!p0 s3, s7;
	s7 =	simm.s32 @!p0 $0x108  }
0x21: {  	s3 =	sadd.s32 s3, s9;
	s6 =	sadd.s32 @!p0 $0x88, s6;
	s7 =	simm.s32 @p2 $0x1082  }
0x22: {  	[simem:s7], [sflag:s8] =	dma.local @!p0 [hbm:s6], $0xF7A  }
0x23: {  	s9 =	sor.u32 $0xD0000000, s2;
	s6 =	simm.s32 $0x108;
	_ =	swait.ge @!p0 [sflag:s8], $0x0  }
0x24: {  	s3 =	sadd.s32 $0x88, s3;
	s6 =	simm.s32 @!p1 $0x1082;
	[sflag:s4] =	ssyncset.s32 $0xFFFFF086  }
0x25: {  	[simem:s6], [sflag:s4] =	dma.local [hbm:s3], $0xF7A  }
0x26: {  	[smem:$0x3F8D] =	sst s1;
	(tag) =	ssettag s2;
	_ =	strace s9  }
0x27: {  	s1 =	sld [smem:$0x3F9D]  }
0x28: {  	s2 =	sld [smem:$0x3F9E]  }
0x29: {  	s4 =	sld [smem:$0x3FA0]  }
0x2a: {  	p0 =	seq.s32 s5, $0x0;
	s5 =	sld [smem:$0x3FA1]  }
0x2b: {  	s6 =	sld [smem:$0x3FA2]  }
0x2c: {  	s7 =	sld [smem:$0x3FA3]  }
0x2d: {  	s3 =	simm.s32 $0x108;
	s8 =	sld [smem:$0x3FA4]  }
0x2e: {  	s3 =	simm.s32 @!p0 $0x1082;
	s9 =	sld [smem:$0x3FA5]  }
0x2f: {  	lr =	sadd.s32 s0, s3;
	s0 =	sld [smem:$0x3F9C]  }
0x30: {  	s3 =	sld [smem:$0x3F9F]  }
0x31: {  	[smem:$0x3FA8] =	sst s10  }
0x32: {  	s10 =	sld [smem:$0x3FA6];
	_ =	sdelay $0x3  }
0x33: {  	p0 =	seq.s32 s10, $0x1;
	s10 =	sld [smem:$0x3FA8];
	_ =	sdelay $0x3  }
0x34: {  	[smem:$0x3FA8] =	sst s10  }
0x35: {  	s10 =	sld [smem:$0x3FA7];
	_ =	sdelay $0x3  }
0x36: {  	p1 =	seq.s32 s10, $0x1;
	s10 =	sld [smem:$0x3FA8];
	_ =	sdelay $0x3  }
0x37: {  	[smem:$0x3FA8] =	sst s10  }
0x38: {  	s10 =	sld [smem:$0x3FA9]  }
0x39: {  	_ = 	snop;
	(pc) =	sbr.ind lr, $3  }
0x3a: {  	_ = 	snop  }
0x3b: {  	_ = 	snop  }
0x3c: {  	p2 =	seq.s32 s10, $0x1;
	s10 =	sld [smem:$0x3FA8]  }
0x3d: {  	_ =	shalt  }
0x3e: {  	_ =	shalt  }
0x3f: {  	_ =	shalt  }
0x40: {  	_ =	shalt  }
0x41: {  	_ =	shalt  }
0x42: {  	_ =	shalt  }
0x43: {  	_ =	shalt  }
0x44: {  	_ =	shalt  }
0x45: {  	_ =	shalt  }
0x46: {  	_ =	shalt  }
0x47: {  	_ =	shalt  }
0x48: {  	_ =	shalt  }
0x49: {  	_ =	shalt  }
0x4a: {  	_ =	shalt  }
0x4b: {  	_ =	shalt  }
0x4c: {  	_ =	shalt  }
0x4d: {  	_ =	shalt  }
0x4e: {  	_ =	shalt  }
0x4f: {  	_ =	shalt  }
0x50: {  	_ =	shalt  }
0x51: {  	_ =	shalt  }
0x52: {  	_ =	shalt  }
0x53: {  	_ =	shalt  }
0x54: {  	_ =	shalt  }
0x55: {  	_ =	shalt  }
0x56: {  	_ =	shalt  }
0x57: {  	_ =	shalt  }
0x58: {  	_ =	shalt  }
0x59: {  	_ =	shalt  }
0x5a: {  	_ =	shalt  }
0x5b: {  	_ =	shalt  }
0x5c: {  	_ =	shalt  }
0x5d: {  	_ =	shalt  }
0x5e: {  	_ =	shalt  }
0x5f: {  	_ =	shalt  }
0x60: {  	_ =	shalt  }
0x61: {  	_ =	shalt  }
0x62: {  	_ =	shalt  }
0x63: {  	_ =	shalt  }
0x64: {  	_ =	shalt  }
0x65: {  	_ =	shalt  }
0x66: {  	_ =	shalt  }
0x67: {  	_ =	shalt  }
0x68: {  	_ =	shalt  }
0x69: {  	_ =	shalt  }
0x6a: {  	_ =	shalt  }
0x6b: {  	_ =	shalt  }
0x6c: {  	_ =	shalt  }
0x6d: {  	_ =	shalt  }
0x6e: {  	_ =	shalt  }
0x6f: {  	_ =	shalt  }
0x70: {  	_ =	shalt  }
0x71: {  	_ =	shalt  }
0x72: {  	_ =	shalt  }
0x73: {  	_ =	shalt  }
0x74: {  	_ =	shalt  }
0x75: {  	_ =	shalt  }
0x76: {  	_ =	shalt  }
0x77: {  	_ =	shalt  }
0x78: {  	_ =	shalt  }
0x79: {  	_ =	shalt  }
0x7a: {  	_ =	shalt  }
0x7b: {  	_ =	shalt  }
0x7c: {  	_ =	shalt  }
0x7d: {  	_ =	shalt  }
0x7e: {  	_ =	shalt  }
0x7f: {  	_ =	shalt  }
0x80: {  	_ =	shalt  }
0x81: {  	_ =	shalt  }
0x82: {  	_ =	shalt  }
0x83: {  	_ =	shalt  }
0x84: {  	_ =	shalt  }
0x85: {  	_ =	shalt  }
0x86: {  	_ =	shalt  }
0x87: {  	_ =	shalt  }
.Lfunc_end0:
.L_simem_size_0:
called_computation.5_lowered:
.L_overlay_start_0:
0x88: {  	s2 =	sld [smem:$0x3FD9]  }
0x89: {  	s3 =	sld [smem:$0x3FFE];
	_ =	sdelay $0x1  }
0x8a: {  	s1 =	srdreg.scid  }
0x8b: {  	s0 =	sand.u32 $0x1, s1  }
0x8c: {  	s16 =	sshll.u32 s0, $0xA;
	s2 =	sadd.s32 s3, s2  }
0x8d: {  	s2 =	sadd.s32 s2, s16  }
0x8e: {  	[smem:$0x3FB4] =	sst s2  }
0x8f: {  	_ = 	snop  }
0x90: {  	(tm) =	ssettm $0x1  }
0x91: {  	s17 =	sld [smem:$0x3FFB];
	_ =	sdelay $0x3  }
0x92: {  	_ =	strace s17  }
0x93: {  	s2 =	sld [smem:$0x3FFC];
	_ =	sdelay $0x3  }
0x94: {  	_ =	strace s2  }
0x95: {  	s2 =	sld [smem:$0x3FFD];
	_ =	sdelay $0x3  }
0x96: {  	_ =	strace s2  }
0x97: {  	_ =	strace $0x8FFFFFFF  }
0x98: {  	s18 =	sld [smem:$0x3FDB];
	_ =	sdelay $0x1  }
0x99: {  	s19 =	simm.s32 $_scs_section_size  }
0x9a: {  	s4 =	simm.s32 $_size__tile_overlayer_lowered;
	s5 =	simm.s32 $_tile_overlayer_lowered  }
0x9b: {  	s22 =	simm.s32 $0x1BFF;
	s21 =	sshll.u32 s5, $0x1;
	s2 =	sadd.s32 s19, s18  }
0x9c: {  	s6 =	simm.s32 $0x0;
	s20 =	sshll.u32 s4, $0x1;
	s4 =	sadd.s32 s21, s2  }
0x9d: {  	[timem:s6], [sflag:s22] =	dma.local [hbm:s4], s20  }
0x9e: {  	_ =	swait.ge [sflag:s22], s20  }
0x9f: {  	s3 =	ssub.s32 $0x0, s20;
	[sflag:s22] =	ssyncset.done $0x0  }
0xa0: {  	[sflag:s22] =	ssyncadd.s32 s3;
	_ =	sdelay $0x1  }
0xa1: {  	s23 =	simm.s32 $0x1B8B  }
0xa2: {  	_ =	swait.ge [sflag:s23], $0x1  }
0xa3: {  	[sflag:s23] =	ssyncset.done $0x0  }
0xa4: {  	s25 =	simm.s32 $0x1B8E;
	s24 =	sld [smem:$0x3FFE];
	[sflag:s23] =	ssyncadd.s32 $0xFFFFFFFF  }
0xa5: {  	s26 =	simm.s32 $execute0_lowered;
	[smem:$0x3FD2] =	sst s25  }
0xa6: {  	s4 =	sshll.u32 s26, $0x1;
	_ =	strace $0x80000055;
	[dreg:$0x1] =	wrdreg $0xFFFFFFFF  }
0xa7: {  	s28 =	simm.s32 $_size_execute0_lowered;
	s2 =	sadd.s32 s2, s4;
	[dreg:$0x0] =	wrdreg $0x0  }
0xa8: {  	s4 =	sshll.u32 s28, $0x1;
	[dreg:$0x2] =	wrdreg s2  }
0xa9: {  	[dreg:$0x3] =	wrdreg s4  }
0xaa: {  	[dreg:$0x4] =	wrdreg $0xC0  }
0xab: {  	_ =	task [dreg:s6], $0x5FFFF  }
0xac: {  	[dreg:$0x1] =	wrdreg $0xFFFFFFFF  }
0xad: {  	[dreg:$0x0] =	wrdreg $0x60  }
0xae: {  	[dreg:$0x2] =	wrdreg s24  }
0xaf: {  	[dreg:$0x3] =	wrdreg $0x90000  }
0xb0: {  	[dreg:$0x4] =	wrdreg $0x9  }
0xb1: {  	_ =	task.clear_ibuf [dreg:s6], $0x5FFFF;
	_ =	strace $0x90000055  }
0xb2: {  	s29 =	simm.s32 $0x9;
	_ =	strace $0x80000057  }
0xb3: {  	_ =	swait.ge [sflag:s29], $0x1  }
0xb4: {  	[sflag:s29] =	ssyncadd.s32 $0xFFFFFFFF  }
0xb5: {  	_ =	strace $0x90000057  }
0xb6: {  	_ =	sfence  }
0xb7: {  	s30 =	sld [smem:$0x0];
	_ =	sdelay $0x2  }
0xb8: {  	s31 =	sshll.u32 s1, $0xD;
	s1 =	sshrl.u32 s1, $0x2  }
0xb9: {  	s3 =	sand.u32 $0x4000, s31;
	s1 =	sadd.s32 s1, s30  }
0xba: {  	s0 =	sor.u32 s3, s0;
	s1 =	sshll.u32 s1, $0x11  }
0xbb: {  	s0 =	sor.u32 s1, s0  }
0xbc: {  	s0 =	sadd.s32 $0x8F2B, s0  }
0xbd: {  	[sflag:s0] =	ssyncadd.remote.s32 $0x1  }
0xbe: {  	_ =	sfence.sel $0xFFFF  }
0xbf: {  	[dreg:$0x0] =	wrdreg $0xFFFFFFFF;
	(pc) =	sbr.abs _section_cstart, $3  }
0xc0: {  	[dreg:$0x1] =	wrdreg $0xFFFFFFFF  }
0xc1: {  	_ =	task.clear_ibuf [dreg:s6], $0x2FFFF;
	_ =	strace $0x9FFFFFFF  }
0xc2: {  	(tm) =	ssettm $0x7FFFFFFF  }
0xc3: {  	_ =	shalt  }
tec
execute0_lowered:
.L_overlay_start_1:
0x0: {  	(tag) =	ssettag $0x1  }
0x1: {  	s1 =	srdreg.scid  }
0x2: {  	s0 =	stileid.u32;
	s7 =	rddreg [dreg:$0x0]  }
0x3: {  	s2 =	rddreg [dreg:$0x1];
	s3 =	simm.s32 $0x0;
	s14 =	simm.s32 $0x80  }
0x4: {  	s15 =	simm.s32 $0x5000;
	s16 =	simm.s32 $0x1;
	s17 =	simm.s32 $0x0  }
0x5: {  	s6 =	sand.u32 $0x1, s1;
	s26 =	sshll.u32 s0, $0x1;
	s9 =	smul.u32 $0x13C00, s0  }
0x6: {  	[smem:$0x7FF] =	sst s3;
	s4 =	sadd.s32 $0x83000, s7;
	s28 =	smul.u32 $0x4F000, s0  }
0x7: {  	s31 =	sshll.u32 s0, $0x6;
	s1 =	sor.u32 s6, s26;
	s8 =	smul.u32 $0x13C000, s6  }
0x8: {  	s6 =	ssub.s32 $0x2, s6;
	s5 =	smul.u32 $0x500, s1;
	s1 =	rddreg [dreg:$0x2]  }
0x9: {  	_ =	strace $0x80000056;
	s29 =	sshrl.u32 s6, $0x1;
	s30 =	sshrl.u32 s28, $0x2  }
0xa: {  	s8 =	sadd.s32 s9, s8;
	s12 =	ssub.s32 s6, s29;
	s13 =	sadd.s32 s30, s2  }
0xb: {  	s6 =	sor.u32 $0x1C02, s31;
	s10 =	sadd.s32 s5, s7;
	s8 =	sshrl.u32 s8, $0x3  }
0xc: {  	s5 =	sadd.s32 $0x6400, s7;
	s11 =	sadd.s32 s8, s7;
	s7 =	sadd.s32 $0x6F000, s10  }
0xd: {  	s8 =	sadd.s32 $0x79000, s10;
	s10 =	smax.u32 s12, $0x1;
	s12 =	simm.s32 $0x2  }
0xe: {  	s9 =	sadd.s32 $0x8C00, s11;
	s11 =	sshrl.u32 s13, $0x3;
	s13 =	simm.s32 $0x2800  }
.LBB2_1:
0xf: {  	[spmem:s11], [sflag:s6] =	dma.local [hbm:s5], $0x2780  }
0x10: {  	_ =	swait.ge [sflag:s12], $0x2780  }
0x11: {  	[sflag:s12] =	ssyncset.done $0x0  }
0x12: {  	[sflag:s12] =	ssyncadd.s32 $0xFFFFD880  }
0x13: {  	[tilespmem:s3], [sflag:$0x2] =	stream.linear.gather [hbm4b:s7+s3], $0x2780, $0x38;
	[tilespmem:$0x1CC00] =	vst v63  }
0x14: {  	_ =	swait.ge [sflag:s12], $0x2780  }
0x15: {  	[sflag:s12] =	ssyncset.done $0x0  }
0x16: {  	[sflag:s12] =	ssyncadd.s32 $0xFFFFD880  }
0x17: {  	[tilespmem:s13], [sflag:$0x2] =	stream.linear.gather [hbm4b:s8+s3], $0x2780, $0x38;
	[tilespmem:$0x1CC00] =	vst v63  }
0x18: {  	_ =	swait.ge [sflag:s12], $0x2780  }
0x19: {  	[sflag:s12] =	ssyncset.done $0x0  }
0x1a: {  	[sflag:s12] =	ssyncadd.s32 $0xFFFFD880  }
0x1b: {  	s18 =	simm.s32 $0x0;
	[bflag:$0x0] =	sbarrier.arrive $0xFFFF  }
0x1c: {  	[tilespmem:s15], [sflag:$0x1] =	stream.indirect.gather [hbm4b:s4+s14], $0x80, s18, s14, $0xb8;
	[tilespmem:$0x1CC00] =	vst v63  }
0x1d: {  	_ =	swait.ge [sflag:s16], $0x4000  }
0x1e: {  	[sflag:s16] =	ssyncset.done $0x0  }
0x1f: {  	s31 =	simm.s32 $0x2800;
	[sflag:s16] =	ssyncadd.s32 $0xFFFFC000  }
0x20: {  	[spmem:s2] =	stream.indirect.scatter.add.f32 [tilespmem:s15], [sflag:$0x2], $0x80, s31, s14, $0xb8;
	[tilespmem:$0x1CC00] =	vst v63  }
0x21: {  	_ =	swait.ge [sflag:s12], $0x4000  }
0x22: {  	s19 =	simm.s32 $0x400;
	s18 =	simm.s32 $0x200;
	[sflag:s12] =	ssyncset.done $0x0  }
.LBB2_2:
0x23: {  	s20 =	sshra.s32 s18, $0x2  }
0x24: {  	[sflag:s12] =	ssyncadd.s32 $0xFFFFC000;
	s18 =	smov.u32 s19;
	s21 =	sadd.s32 $0x200, s19  }
0x25: {  	[tilespmem:s15], [sflag:$0x1] =	stream.indirect.gather [hbm4b:s4+s14], $0x80, s20, s14, $0xb8;
	[tilespmem:$0x1CC00] =	vst v63  }
0x26: {  	p0 =	sne.s32 s19, $0x9C00;
	_ =	swait.ge [sflag:s16], $0x4000  }
.Ltmp0:
0x27: {  	[sflag:s16] =	ssyncset.done $0x0;
	(pc) =	sbr.rel @p0 .LBB2_2-.Ltmp0, $4  }
0x28: {  	s19 =	sadd.s32 $0x2800, s20;
	[sflag:s16] =	ssyncadd.s32 $0xFFFFC000  }
0x29: {  	[spmem:s2] =	stream.indirect.scatter.add.f32 [tilespmem:s15], [sflag:$0x2], $0x80, s19, s14, $0xb8;
	[tilespmem:$0x1CC00] =	vst v63  }
0x2a: {  	_ =	swait.ge [sflag:s12], $0x4000  }
0x2b: {  	s19 =	smov.u32 s21;
	[sflag:s12] =	ssyncset.done $0x0  }
0x2c: {  	s18 =	sshra.s32 s18, $0x2;
	[sflag:s12] =	ssyncadd.s32 $0xFFFFC000  }
0x2d: {  	[tilespmem:s15], [sflag:$0x1] =	stream.indirect.gather [hbm4b:s4+s14], $0x80, s18, s14, $0xb8;
	[tilespmem:$0x1CC00] =	vst v63  }
0x2e: {  	_ =	swait.ge [sflag:s16], $0x4000  }
0x2f: {  	[sflag:s16] =	ssyncset.done $0x0  }
0x30: {  	s18 =	sadd.s32 $0x2800, s18;
	[sflag:s16] =	ssyncadd.s32 $0xFFFFC000  }
0x31: {  	[spmem:s2] =	stream.indirect.scatter.add.f32 [tilespmem:s15], [sflag:$0x2], $0x80, s18, s14, $0xb8;
	[tilespmem:$0x1CC00] =	vst v63  }
0x32: {  	_ =	swait.ge [sflag:s12], $0x4000  }
0x33: {  	s17 =	sadd.s32 $0x1, s17;
	[sflag:s12] =	ssyncset.done $0x0  }
0x34: {  	p0 =	sne.s32 s17, s10;
	[sflag:s12] =	ssyncadd.s32 $0xFFFFC000  }
.Ltmp1:
0x35: {  	[bflag:$0x0] =	sbarrier.arrive $0xFFFF;
	(pc) =	sbr.rel @p0 .LBB2_1-.Ltmp1, $4  }
0x36: {  	[hbm:s9], [sflag:s6] =	dma.local [spmem:s11], $0x2780  }
0x37: {  	_ =	swait.ge [sflag:s12], $0x2780  }
0x38: {  	[sflag:s12] =	ssyncset.done $0x0  }
0x39: {  	[sflag:s12] =	ssyncadd.s32 $0xFFFFD880  }
0x3a: {  	_ =	sfence.sel $0x180000  }
0x3b: {  	[bflag:$0x0] =	sbarrier.arrive $0xFFFF  }
0x3c: {  	p0 =	sne.s32 s0, $0x0;
	_ =	strace $0x90000056  }
0x3d: {  	s0 =	sadd.s32 @!p0 $0x100000, s1;
	[bflag:$0x2] =	sbarrier.arrive $0xFFFF  }
0x3e: {  	[sflag:s0] =	ssyncadd.tile.s32 @!p0 $0x1;
	_ =	shalt  }
.Lfunc_end2:
_tile_overlayer_lowered:
.L_overlay_start_2:
0x3f: {  	(tag) =	ssettag $0x2  }
0x40: {  	s0 =	rddreg [dreg:$0x0];
	s2 =	stileid.u32  }
0x41: {  	s1 =	rddreg [dreg:$0x1];
	p0 =	sne.s32 s2, $0x0  }
0x42: {  	s3 =	rddreg [dreg:$0x2];
	[bflag:$0x3] =	sbarrier.arrive $0xFFFF;
	s2 =	simm.s32 @!p0 $0x1C02  }
0x43: {  	[timem:s3], [sflag:s2] =	dma.local @!p0 [hbm:s0], s1  }
0x44: {  	s0 =	simm.s32 @!p0 $0x2  }
0x45: {  	_ =	swait.ge @!p0 [sflag:s0], s1  }
0x46: {  	s1 =	ssub.s32 @!p0 $0x0, s1;
	[sflag:s0] =	ssyncset.done @!p0 $0x0  }
0x47: {  	[sflag:s0] =	ssyncadd.s32 @!p0 s1  }
0x48: {  	[bflag:$0x3] =	sbarrier.arrive $0xFFFF  }
0x49: {  	_ =	shalt  }

// kernel: kernel.42.cloned.1.call-start
scs
__scs_entry_jumppad:
0x0: {  	(pc) =	sbr.rel $0x88, $3  }
0x1: {  	(tag) =	ssettag $0x0;
	lr =	simm.s32 $0x1  }
0x2: {  	[smem:$0x3F8D] =	sst lr;
	_ =	strace $0xD0000000  }
0x3: {  	_ = 	snop  }
0x4: {  	_ = 	snop  }
0x5: {  	_ = 	snop  }
0x6: {  	_ = 	snop  }
0x7: {  	_ = 	snop  }
__scs_overlays_trampoline_lowered:
0x8: {  	[smem:$0x3F9C] =	sst s0  }
0x9: {  	[smem:$0x3F9D] =	sst s1  }
0xa: {  	[smem:$0x3F9E] =	sst s2  }
0xb: {  	[smem:$0x3F9F] =	sst s3  }
0xc: {  	[smem:$0x3FA0] =	sst s4  }
0xd: {  	[smem:$0x3FA1] =	sst s5  }
0xe: {  	[smem:$0x3FA2] =	sst s6  }
0xf: {  	[smem:$0x3FA3] =	sst s7  }
0x10: {  	[smem:$0x3FA4] =	sst s8  }
0x11: {  	[smem:$0x3FA5] =	sst s9;
	s0 =	simm.s32 @!p0 $0x0  }
0x12: {  	s1 =	sld [smem:$0x3F8B];
	s0 =	simm.s32 @p0 $0x1  }
0x13: {  	[smem:$0x3FA6] =	sst s0;
	s0 =	simm.s32 @!p1 $0x0  }
0x14: {  	s2 =	sld [smem:$0x3F8A];
	s0 =	simm.s32 @p1 $0x1  }
0x15: {  	[smem:$0x3FA7] =	sst s0;
	s0 =	simm.s32 @!p2 $0x0  }
0x16: {  	s3 =	sld [smem:$0x3FDB];
	s0 =	simm.s32 @p2 $0x1  }
0x17: {  	s4 =	simm.s32 $0x1BF5;
	[smem:$0x3FA9] =	sst s0  }
0x18: {  	s0 =	sld [smem:$0x3F8C];
	_ =	swait.ge [sflag:s4], $0x0  }
0x19: {  	s7 =	sld [smem:$0x3F8D]  }
0x1a: {  	s8 =	sadd.s32 $0xFFFFE003, lr  }
0x1b: {  	s9 =	sadd.s32 $0xFFFFFEF7, lr;
	s5 =	simm.s32 $0xFFFFFFFF;
	p2 =	slt.u32 s8, $0xFFFFF086  }
0x1c: {  	p1 =	slt.u32 s9, $0xF7A;
	s5 =	simm.s32 @!p2 $0x0  }
0x1d: {  	s5 =	simm.s32 @p1 $0x1;
	p0 =	seq.s32 s7, s2  }
0x1e: {  	s7 =	smul.u32 @!p0 $0xF7A, s2;
	p2 =	seq.s32 @!p0 s5, $0x0  }
0x1f: {  	s9 =	smul.u32 $0xF7A, s1;
	s8 =	simm.s32 @!p0 $0x1BF5;
	p2 =	por !p2, p0  }
0x20: {  	[sflag:s8] =	ssyncset.s32 @!p0 $0xFFFFF086;
	s6 =	sadd.s32 @!p0 s3, s7;
	s7 =	simm.s32 @!p0 $0x108  }
0x21: {  	s3 =	sadd.s32 s3, s9;
	s6 =	sadd.s32 @!p0 $0x88, s6;
	s7 =	simm.s32 @p2 $0x1082  }
0x22: {  	[simem:s7], [sflag:s8] =	dma.local @!p0 [hbm:s6], $0xF7A  }
0x23: {  	s9 =	sor.u32 $0xD0000000, s2;
	s6 =	simm.s32 $0x108;
	_ =	swait.ge @!p0 [sflag:s8], $0x0  }
0x24: {  	s3 =	sadd.s32 $0x88, s3;
	s6 =	simm.s32 @!p1 $0x1082;
	[sflag:s4] =	ssyncset.s32 $0xFFFFF086  }
0x25: {  	[simem:s6], [sflag:s4] =	dma.local [hbm:s3], $0xF7A  }
0x26: {  	[smem:$0x3F8D] =	sst s1;
	(tag) =	ssettag s2;
	_ =	strace s9  }
0x27: {  	s1 =	sld [smem:$0x3F9D]  }
0x28: {  	s2 =	sld [smem:$0x3F9E]  }
0x29: {  	s4 =	sld [smem:$0x3FA0]  }
0x2a: {  	p0 =	seq.s32 s5, $0x0;
	s5 =	sld [smem:$0x3FA1]  }
0x2b: {  	s6 =	sld [smem:$0x3FA2]  }
0x2c: {  	s7 =	sld [smem:$0x3FA3]  }
0x2d: {  	s3 =	simm.s32 $0x108;
	s8 =	sld [smem:$0x3FA4]  }
0x2e: {  	s3 =	simm.s32 @!p0 $0x1082;
	s9 =	sld [smem:$0x3FA5]  }
0x2f: {  	lr =	sadd.s32 s0, s3;
	s0 =	sld [smem:$0x3F9C]  }
0x30: {  	s3 =	sld [smem:$0x3F9F]  }
0x31: {  	[smem:$0x3FA8] =	sst s10  }
0x32: {  	s10 =	sld [smem:$0x3FA6];
	_ =	sdelay $0x3  }
0x33: {  	p0 =	seq.s32 s10, $0x1;
	s10 =	sld [smem:$0x3FA8];
	_ =	sdelay $0x3  }
0x34: {  	[smem:$0x3FA8] =	sst s10  }
0x35: {  	s10 =	sld [smem:$0x3FA7];
	_ =	sdelay $0x3  }
0x36: {  	p1 =	seq.s32 s10, $0x1;
	s10 =	sld [smem:$0x3FA8];
	_ =	sdelay $0x3  }
0x37: {  	[smem:$0x3FA8] =	sst s10  }
0x38: {  	s10 =	sld [smem:$0x3FA9]  }
0x39: {  	_ = 	snop;
	(pc) =	sbr.ind lr, $3  }
0x3a: {  	_ = 	snop  }
0x3b: {  	_ = 	snop  }
0x3c: {  	p2 =	seq.s32 s10, $0x1;
	s10 =	sld [smem:$0x3FA8]  }
0x3d: {  	_ =	shalt  }
0x3e: {  	_ =	shalt  }
0x3f: {  	_ =	shalt  }
0x40: {  	_ =	shalt  }
0x41: {  	_ =	shalt  }
0x42: {  	_ =	shalt  }
0x43: {  	_ =	shalt  }
0x44: {  	_ =	shalt  }
0x45: {  	_ =	shalt  }
0x46: {  	_ =	shalt  }
0x47: {  	_ =	shalt  }
0x48: {  	_ =	shalt  }
0x49: {  	_ =	shalt  }
0x4a: {  	_ =	shalt  }
0x4b: {  	_ =	shalt  }
0x4c: {  	_ =	shalt  }
0x4d: {  	_ =	shalt  }
0x4e: {  	_ =	shalt  }
0x4f: {  	_ =	shalt  }
0x50: {  	_ =	shalt  }
0x51: {  	_ =	shalt  }
0x52: {  	_ =	shalt  }
0x53: {  	_ =	shalt  }
0x54: {  	_ =	shalt  }
0x55: {  	_ =	shalt  }
0x56: {  	_ =	shalt  }
0x57: {  	_ =	shalt  }
0x58: {  	_ =	shalt  }
0x59: {  	_ =	shalt  }
0x5a: {  	_ =	shalt  }
0x5b: {  	_ =	shalt  }
0x5c: {  	_ =	shalt  }
0x5d: {  	_ =	shalt  }
0x5e: {  	_ =	shalt  }
0x5f: {  	_ =	shalt  }
0x60: {  	_ =	shalt  }
0x61: {  	_ =	shalt  }
0x62: {  	_ =	shalt  }
0x63: {  	_ =	shalt  }
0x64: {  	_ =	shalt  }
0x65: {  	_ =	shalt  }
0x66: {  	_ =	shalt  }
0x67: {  	_ =	shalt  }
0x68: {  	_ =	shalt  }
0x69: {  	_ =	shalt  }
0x6a: {  	_ =	shalt  }
0x6b: {  	_ =	shalt  }
0x6c: {  	_ =	shalt  }
0x6d: {  	_ =	shalt  }
0x6e: {  	_ =	shalt  }
0x6f: {  	_ =	shalt  }
0x70: {  	_ =	shalt  }
0x71: {  	_ =	shalt  }
0x72: {  	_ =	shalt  }
0x73: {  	_ =	shalt  }
0x74: {  	_ =	shalt  }
0x75: {  	_ =	shalt  }
0x76: {  	_ =	shalt  }
0x77: {  	_ =	shalt  }
0x78: {  	_ =	shalt  }
0x79: {  	_ =	shalt  }
0x7a: {  	_ =	shalt  }
0x7b: {  	_ =	shalt  }
0x7c: {  	_ =	shalt  }
0x7d: {  	_ =	shalt  }
0x7e: {  	_ =	shalt  }
0x7f: {  	_ =	shalt  }
0x80: {  	_ =	shalt  }
0x81: {  	_ =	shalt  }
0x82: {  	_ =	shalt  }
0x83: {  	_ =	shalt  }
0x84: {  	_ =	shalt  }
0x85: {  	_ =	shalt  }
0x86: {  	_ =	shalt  }
0x87: {  	_ =	shalt  }
.Lfunc_end0:
.L_simem_size_0:
called_computation.6_lowered:
.L_overlay_start_0:
0x88: {  	s2 =	sld [smem:$0x3FD9]  }
0x89: {  	s3 =	sld [smem:$0x3FFE];
	_ =	sdelay $0x1  }
0x8a: {  	s1 =	srdreg.scid  }
0x8b: {  	s0 =	sand.u32 $0x1, s1  }
0x8c: {  	s16 =	sshll.u32 s0, $0xA;
	s2 =	sadd.s32 s3, s2  }
0x8d: {  	s2 =	sadd.s32 s2, s16  }
0x8e: {  	[smem:$0x3FB4] =	sst s2  }
0x8f: {  	_ = 	snop  }
0x90: {  	(tm) =	ssettm $0x1  }
0x91: {  	s17 =	sld [smem:$0x3FFB];
	_ =	sdelay $0x3  }
0x92: {  	_ =	strace s17  }
0x93: {  	s2 =	sld [smem:$0x3FFC];
	_ =	sdelay $0x3  }
0x94: {  	_ =	strace s2  }
0x95: {  	s2 =	sld [smem:$0x3FFD];
	_ =	sdelay $0x3  }
0x96: {  	_ =	strace s2  }
0x97: {  	_ =	strace $0x8FFFFFFF  }
0x98: {  	s18 =	sld [smem:$0x3FDB];
	_ =	sdelay $0x1  }
0x99: {  	s19 =	simm.s32 $_scs_section_size  }
0x9a: {  	s4 =	simm.s32 $_size__tile_overlayer_lowered;
	s5 =	simm.s32 $_tile_overlayer_lowered  }
0x9b: {  	s22 =	simm.s32 $0x1BFF;
	s21 =	sshll.u32 s5, $0x1;
	s2 =	sadd.s32 s19, s18  }
0x9c: {  	s6 =	simm.s32 $0x0;
	s20 =	sshll.u32 s4, $0x1;
	s4 =	sadd.s32 s21, s2  }
0x9d: {  	[timem:s6], [sflag:s22] =	dma.local [hbm:s4], s20  }
0x9e: {  	_ =	swait.ge [sflag:s22], s20  }
0x9f: {  	s3 =	ssub.s32 $0x0, s20;
	[sflag:s22] =	ssyncset.done $0x0  }
0xa0: {  	[sflag:s22] =	ssyncadd.s32 s3;
	_ =	sdelay $0x1  }
0xa1: {  	s23 =	simm.s32 $0x1B8B  }
0xa2: {  	_ =	swait.ge [sflag:s23], $0x1  }
0xa3: {  	[sflag:s23] =	ssyncset.done $0x0  }
0xa4: {  	s25 =	simm.s32 $0x1B8E;
	s24 =	sld [smem:$0x3FFE];
	[sflag:s23] =	ssyncadd.s32 $0xFFFFFFFF  }
0xa5: {  	s26 =	simm.s32 $execute0_lowered;
	[smem:$0x3FD2] =	sst s25  }
0xa6: {  	s4 =	sshll.u32 s26, $0x1;
	_ =	strace $0x80000058;
	[dreg:$0x1] =	wrdreg $0xFFFFFFFF  }
0xa7: {  	s28 =	simm.s32 $_size_execute0_lowered;
	s2 =	sadd.s32 s2, s4;
	[dreg:$0x0] =	wrdreg $0x0  }
0xa8: {  	s4 =	sshll.u32 s28, $0x1;
	[dreg:$0x2] =	wrdreg s2  }
0xa9: {  	[dreg:$0x3] =	wrdreg s4  }
0xaa: {  	[dreg:$0x4] =	wrdreg $0xC0  }
0xab: {  	_ =	task [dreg:s6], $0x5FFFF  }
0xac: {  	[dreg:$0x1] =	wrdreg $0xFFFFFFFF  }
0xad: {  	[dreg:$0x0] =	wrdreg $0x60  }
0xae: {  	[dreg:$0x2] =	wrdreg s24  }
0xaf: {  	[dreg:$0x3] =	wrdreg $0x90000  }
0xb0: {  	[dreg:$0x4] =	wrdreg $0x9  }
0xb1: {  	_ =	task.clear_ibuf [dreg:s6], $0x5FFFF;
	_ =	strace $0x90000058  }
0xb2: {  	s29 =	simm.s32 $0x9;
	_ =	strace $0x8000005A  }
0xb3: {  	_ =	swait.ge [sflag:s29], $0x1  }
0xb4: {  	[sflag:s29] =	ssyncadd.s32 $0xFFFFFFFF  }
0xb5: {  	_ =	strace $0x9000005A  }
0xb6: {  	_ =	sfence  }
0xb7: {  	s30 =	sld [smem:$0x0];
	_ =	sdelay $0x2  }
0xb8: {  	s31 =	sshll.u32 s1, $0xD;
	s1 =	sshrl.u32 s1, $0x2  }
0xb9: {  	s3 =	sand.u32 $0x4000, s31;
	s1 =	sadd.s32 s1, s30  }
0xba: {  	s0 =	sor.u32 s3, s0;
	s1 =	sshll.u32 s1, $0x11  }
0xbb: {  	s0 =	sor.u32 s1, s0  }
0xbc: {  	s0 =	sadd.s32 $0x8F2B, s0  }
0xbd: {  	[sflag:s0] =	ssyncadd.remote.s32 $0x1  }
0xbe: {  	_ =	sfence.sel $0xFFFF  }
0xbf: {  	[dreg:$0x0] =	wrdreg $0xFFFFFFFF;
	(pc) =	sbr.abs _section_cstart, $3  }
0xc0: {  	[dreg:$0x1] =	wrdreg $0xFFFFFFFF  }
0xc1: {  	_ =	task.clear_ibuf [dreg:s6], $0x2FFFF;
	_ =	strace $0x9FFFFFFF  }
0xc2: {  	(tm) =	ssettm $0x7FFFFFFF  }
0xc3: {  	_ =	shalt  }
tec
execute0_lowered:
.L_overlay_start_1:
0x0: {  	(tag) =	ssettag $0x1  }
0x1: {  	s1 =	srdreg.scid  }
0x2: {  	s0 =	stileid.u32;
	s7 =	rddreg [dreg:$0x0]  }
0x3: {  	s2 =	rddreg [dreg:$0x1];
	s3 =	simm.s32 $0x0;
	s14 =	simm.s32 $0x80  }
0x4: {  	s15 =	simm.s32 $0x5000;
	s16 =	simm.s32 $0x1;
	s17 =	simm.s32 $0x0  }
0x5: {  	s6 =	sand.u32 $0x1, s1;
	s26 =	sshll.u32 s0, $0x1;
	s9 =	smul.u32 $0x13C00, s0  }
0x6: {  	[smem:$0x7FF] =	sst s3;
	s4 =	sadd.s32 $0x83000, s7;
	s28 =	smul.u32 $0x4F000, s0  }
0x7: {  	s31 =	sshll.u32 s0, $0x6;
	s1 =	sor.u32 s6, s26;
	s8 =	smul.u32 $0x13C000, s6  }
0x8: {  	s6 =	ssub.s32 $0x2, s6;
	s5 =	smul.u32 $0x500, s1;
	s1 =	rddreg [dreg:$0x2]  }
0x9: {  	_ =	strace $0x80000059;
	s29 =	sshrl.u32 s6, $0x1;
	s30 =	sshrl.u32 s28, $0x2  }
0xa: {  	s8 =	sadd.s32 s9, s8;
	s12 =	ssub.s32 s6, s29;
	s13 =	sadd.s32 s30, s2  }
0xb: {  	s6 =	sor.u32 $0x1C02, s31;
	s10 =	sadd.s32 s5, s7;
	s8 =	sshrl.u32 s8, $0x3  }
0xc: {  	s5 =	sadd.s32 $0x6400, s7;
	s11 =	sadd.s32 s8, s7;
	s7 =	sadd.s32 $0x6F000, s10  }
0xd: {  	s8 =	sadd.s32 $0x79000, s10;
	s10 =	smax.u32 s12, $0x1;
	s12 =	simm.s32 $0x2  }
0xe: {  	s9 =	sadd.s32 $0x8C00, s11;
	s11 =	sshrl.u32 s13, $0x3;
	s13 =	simm.s32 $0x2800  }
.LBB2_1:
0xf: {  	[spmem:s11], [sflag:s6] =	dma.local [hbm:s5], $0x2780  }
0x10: {  	_ =	swait.ge [sflag:s12], $0x2780  }
0x11: {  	[sflag:s12] =	ssyncset.done $0x0  }
0x12: {  	[sflag:s12] =	ssyncadd.s32 $0xFFFFD880  }
0x13: {  	[tilespmem:s3], [sflag:$0x2] =	stream.linear.gather [hbm4b:s7+s3], $0x2780, $0x38;
	[tilespmem:$0x1CC00] =	vst v63  }
0x14: {  	_ =	swait.ge [sflag:s12], $0x2780  }
0x15: {  	[sflag:s12] =	ssyncset.done $0x0  }
0x16: {  	[sflag:s12] =	ssyncadd.s32 $0xFFFFD880  }
0x17: {  	[tilespmem:s13], [sflag:$0x2] =	stream.linear.gather [hbm4b:s8+s3], $0x2780, $0x38;
	[tilespmem:$0x1CC00] =	vst v63  }
0x18: {  	_ =	swait.ge [sflag:s12], $0x2780  }
0x19: {  	[sflag:s12] =	ssyncset.done $0x0  }
0x1a: {  	[sflag:s12] =	ssyncadd.s32 $0xFFFFD880  }
0x1b: {  	s18 =	simm.s32 $0x0;
	[bflag:$0x0] =	sbarrier.arrive $0xFFFF  }
0x1c: {  	[tilespmem:s15], [sflag:$0x1] =	stream.indirect.gather [hbm4b:s4+s14], $0x80, s18, s14, $0xb8;
	[tilespmem:$0x1CC00] =	vst v63  }
0x1d: {  	_ =	swait.ge [sflag:s16], $0x4000  }
0x1e: {  	[sflag:s16] =	ssyncset.done $0x0  }
0x1f: {  	s31 =	simm.s32 $0x2800;
	[sflag:s16] =	ssyncadd.s32 $0xFFFFC000  }
0x20: {  	[spmem:s2] =	stream.indirect.scatter.add.f32 [tilespmem:s15], [sflag:$0x2], $0x80, s31, s14, $0xb8;
	[tilespmem:$0x1CC00] =	vst v63  }
0x21: {  	_ =	swait.ge [sflag:s12], $0x4000  }
0x22: {  	s19 =	simm.s32 $0x400;
	s18 =	simm.s32 $0x200;
	[sflag:s12] =	ssyncset.done $0x0  }
.LBB2_2:
0x23: {  	s20 =	sshra.s32 s18, $0x2  }
0x24: {  	[sflag:s12] =	ssyncadd.s32 $0xFFFFC000;
	s18 =	smov.u32 s19;
	s21 =	sadd.s32 $0x200, s19  }
0x25: {  	[tilespmem:s15], [sflag:$0x1] =	stream.indirect.gather [hbm4b:s4+s14], $0x80, s20, s14, $0xb8;
	[tilespmem:$0x1CC00] =	vst v63  }
0x26: {  	p0 =	sne.s32 s19, $0x9C00;
	_ =	swait.ge [sflag:s16], $0x4000  }
.Ltmp0:
0x27: {  	[sflag:s16] =	ssyncset.done $0x0;
	(pc) =	sbr.rel @p0 .LBB2_2-.Ltmp0, $4  }
0x28: {  	s19 =	sadd.s32 $0x2800, s20;
	[sflag:s16] =	ssyncadd.s32 $0xFFFFC000  }
0x29: {  	[spmem:s2] =	stream.indirect.scatter.add.f32 [tilespmem:s15], [sflag:$0x2], $0x80, s19, s14, $0xb8;
	[tilespmem:$0x1CC00] =	vst v63  }
0x2a: {  	_ =	swait.ge [sflag:s12], $0x4000  }
0x2b: {  	s19 =	smov.u32 s21;
	[sflag:s12] =	ssyncset.done $0x0  }
0x2c: {  	s18 =	sshra.s32 s18, $0x2;
	[sflag:s12] =	ssyncadd.s32 $0xFFFFC000  }
0x2d: {  	[tilespmem:s15], [sflag:$0x1] =	stream.indirect.gather [hbm4b:s4+s14], $0x80, s18, s14, $0xb8;
	[tilespmem:$0x1CC00] =	vst v63  }
0x2e: {  	_ =	swait.ge [sflag:s16], $0x4000  }
0x2f: {  	[sflag:s16] =	ssyncset.done $0x0  }
0x30: {  	s18 =	sadd.s32 $0x2800, s18;
	[sflag:s16] =	ssyncadd.s32 $0xFFFFC000  }
0x31: {  	[spmem:s2] =	stream.indirect.scatter.add.f32 [tilespmem:s15], [sflag:$0x2], $0x80, s18, s14, $0xb8;
	[tilespmem:$0x1CC00] =	vst v63  }
0x32: {  	_ =	swait.ge [sflag:s12], $0x4000  }
0x33: {  	s17 =	sadd.s32 $0x1, s17;
	[sflag:s12] =	ssyncset.done $0x0  }
0x34: {  	p0 =	sne.s32 s17, s10;
	[sflag:s12] =	ssyncadd.s32 $0xFFFFC000  }
.Ltmp1:
0x35: {  	[bflag:$0x0] =	sbarrier.arrive $0xFFFF;
	(pc) =	sbr.rel @p0 .LBB2_1-.Ltmp1, $4  }
0x36: {  	[hbm:s9], [sflag:s6] =	dma.local [spmem:s11], $0x2780  }
0x37: {  	_ =	swait.ge [sflag:s12], $0x2780  }
0x38: {  	[sflag:s12] =	ssyncset.done $0x0  }
0x39: {  	[sflag:s12] =	ssyncadd.s32 $0xFFFFD880  }
0x3a: {  	_ =	sfence.sel $0x180000  }
0x3b: {  	[bflag:$0x0] =	sbarrier.arrive $0xFFFF  }
0x3c: {  	p0 =	sne.s32 s0, $0x0;
	_ =	strace $0x90000059  }
0x3d: {  	s0 =	sadd.s32 @!p0 $0x100000, s1;
	[bflag:$0x2] =	sbarrier.arrive $0xFFFF  }
0x3e: {  	[sflag:s0] =	ssyncadd.tile.s32 @!p0 $0x1;
	_ =	shalt  }
.Lfunc_end2:
_tile_overlayer_lowered:
.L_overlay_start_2:
0x3f: {  	(tag) =	ssettag $0x2  }
0x40: {  	s0 =	rddreg [dreg:$0x0];
	s2 =	stileid.u32  }
0x41: {  	s1 =	rddreg [dreg:$0x1];
	p0 =	sne.s32 s2, $0x0  }
0x42: {  	s3 =	rddreg [dreg:$0x2];
	[bflag:$0x3] =	sbarrier.arrive $0xFFFF;
	s2 =	simm.s32 @!p0 $0x1C02  }
0x43: {  	[timem:s3], [sflag:s2] =	dma.local @!p0 [hbm:s0], s1  }
0x44: {  	s0 =	simm.s32 @!p0 $0x2  }
0x45: {  	_ =	swait.ge @!p0 [sflag:s0], s1  }
0x46: {  	s1 =	ssub.s32 @!p0 $0x0, s1;
	[sflag:s0] =	ssyncset.done @!p0 $0x0  }
0x47: {  	[sflag:s0] =	ssyncadd.s32 @!p0 s1  }
0x48: {  	[bflag:$0x3] =	sbarrier.arrive $0xFFFF  }
0x49: {  	_ =	shalt  }

</sc_bundles>
